<compile_context>
chip_gen: v7x
topology: tpu7x:2x2x1
jax: 0.10.2.dev20260603
libtpu: 0.0.44.dev20260713+nightly
codegen_flags: <defaults>
</compile_context>

<pallas_src>
import functools

import jax
import jax.numpy as jnp
from jax import lax
from jax.experimental import pallas as pl
from jax.experimental.pallas import tpu as pltpu
from jax.experimental.pallas import tpu_sc as plsc

E = 64
D = 768
F = 768
K = 512
T = 32768
NW = 32
EPW = E // NW
NV = T // 16


def _router_body(x_ref, w_ref, logits_ref, probt_ref):
    x = x_ref[...]
    w = w_ref[...]
    logits = jax.lax.dot_general(x, w, (((1,), (1,)), ((), ())),
                                 preferred_element_type=jnp.float32)
    logits_ref[...] = logits
    m = jnp.max(logits, axis=-1, keepdims=True)
    p = jnp.exp(logits - m)
    p = p / jnp.sum(p, axis=-1, keepdims=True)
    probt_ref[...] = p.T


def _router(x, router_w):
    bT = 2048
    return pl.pallas_call(
        _router_body,
        grid=(T // bT,),
        in_specs=[
            pl.BlockSpec((bT, D), lambda i: (i, 0)),
            pl.BlockSpec((E, D), lambda i: (0, 0)),
        ],
        out_specs=[
            pl.BlockSpec((bT, E), lambda i: (i, 0)),
            pl.BlockSpec((E, bT), lambda i: (0, i)),
        ],
        out_shape=[
            jax.ShapeDtypeStruct((T, E), jnp.float32),
            jax.ShapeDtypeStruct((E, T), jnp.float32),
        ],
    )(x, router_w)


def _mlp_body(x_ref, w1_ref, b1_ref, w2_ref, b2_ref, wt_ref, out_ref):
    x = x_ref[0].astype(jnp.bfloat16)
    h = jax.lax.dot_general(x, w1_ref[0].astype(jnp.bfloat16),
                            (((1,), (0,)), ((), ())),
                            preferred_element_type=jnp.float32)
    h = jax.nn.gelu(h + b1_ref[0])
    o = jax.lax.dot_general(h.astype(jnp.bfloat16),
                            w2_ref[0].astype(jnp.bfloat16),
                            (((1,), (0,)), ((), ())),
                            preferred_element_type=jnp.float32)
    o = o + b2_ref[0]
    out_ref[...] = wt_ref[0].T * o


def _mlp(x_in, W1, b1, W2, b2, wts):
    return pl.pallas_call(
        _mlp_body,
        grid=(E,),
        in_specs=[
            pl.BlockSpec((1, K, D), lambda e: (e, 0, 0)),
            pl.BlockSpec((1, D, F), lambda e: (e, 0, 0)),
            pl.BlockSpec((1, 1, F), lambda e: (e, 0, 0)),
            pl.BlockSpec((1, F, D), lambda e: (e, 0, 0)),
            pl.BlockSpec((1, 1, D), lambda e: (e, 0, 0)),
            pl.BlockSpec((1, 1, K), lambda e: (e, 0, 0)),
        ],
        out_specs=pl.BlockSpec((K, D), lambda e: (e, 0)),
        out_shape=jax.ShapeDtypeStruct((E * K + 32, D), jnp.float32),
    )(x_in, W1, b1.reshape(E, 1, F), W2, b2.reshape(E, 1, D),
      wts.reshape(E, 1, K))


def _scan_desc(hist_ref, nvregs, base, kk):
    lanes = lax.iota(jnp.int32, 16)

    def cond(st):
        j, carry, b = st
        return jnp.logical_and(b < 0, j >= 0)

    def body(st):
        j, carry, b = st
        v = hist_ref[pl.ds(j * 16, 16)]
        rv = lax.rev(v, dimensions=(0,))
        cd = plsc.cumsum(rv) + carry
        m = (cd + base) >= kk
        found = jnp.sum(m.astype(jnp.int32)) > 0
        i0 = jnp.min(jnp.where(m, lanes, jnp.int32(16)))
        bnew = 16 * j + 15 - i0
        return (j - 1, carry + jnp.sum(v),
                jnp.where(found, bnew, jnp.int32(-1)))

    st = (jnp.int32(nvregs - 1), jnp.int32(0), jnp.int32(-1))
    _, _, b = lax.while_loop(cond, body, st)
    return jnp.maximum(b, 0)


def _masked_sum_above(hist_ref, nvregs, b):
    lanes = lax.iota(jnp.int32, 16)

    def body(j, acc):
        v = hist_ref[pl.ds(j * 16, 16)]
        m = (lanes + 16 * j) > b
        return acc + jnp.sum(jnp.where(m, v, 0))

    return lax.fori_loop(0, nvregs, body, jnp.int32(0))


def _topk_body(probt_hbm, idx_hbm, wts_hbm, pbuf, h1, h8a, h8b, seli, selw):
    wid = lax.axis_index("s") * 2 + lax.axis_index("c")
    lanes = lax.iota(jnp.int32, 16)
    zeros16 = jnp.zeros((16,), jnp.int32)
    ones16 = jnp.ones((16,), jnp.int32)
    kk = jnp.int32(K)

    def per_expert(eo, _):
        e = wid * EPW + eo
        pltpu.sync_copy(probt_hbm.at[e], pbuf)

        def zero1(j, _):
            for u in range(4):
                h1[pl.ds(j * 64 + u * 16, 16)] = zeros16
            return 0
        lax.fori_loop(0, 256, zero1, 0)

        def hist1(j, _):
            for u in range(4):
                bits = pbuf[pl.ds(j * 64 + u * 16, 16)]
                plsc.addupdate_scatter(h1, [bits >> 16], ones16)
            return 0
        lax.fori_loop(0, NV // 4, hist1, 0)
        b1 = _scan_desc(h1, 1024, jnp.int32(0), kk)
        cgt1 = _masked_sum_above(h1, 1024, b1)

        def zero2(j, _):
            h8a[pl.ds(j * 16, 16)] = zeros16
            h8b[pl.ds(j * 16, 16)] = zeros16
            return 0
        lax.fori_loop(0, 16, zero2, 0)

        def hist2(j, _):
            for u in range(4):
                bits = pbuf[pl.ds(j * 64 + u * 16, 16)]
                m = (bits >> 16) == b1
                plsc.addupdate_scatter(h8a, [(bits >> 8) & 0xFF], ones16,
                                       mask=m)
            return 0
        lax.fori_loop(0, NV // 4, hist2, 0)
        b2 = _scan_desc(h8a, 16, cgt1, kk)
        cgt2 = cgt1 + _masked_sum_above(h8a, 16, b2)

        pfx = (b1 << 8) | b2

        def hist3(j, _):
            for u in range(4):
                bits = pbuf[pl.ds(j * 64 + u * 16, 16)]
                m = (bits >> 8) == pfx
                plsc.addupdate_scatter(h8b, [bits & 0xFF], ones16, mask=m)
            return 0
        lax.fori_loop(0, NV // 4, hist3, 0)
        b3 = _scan_desc(h8b, 16, cgt2, kk)
        n_gt = cgt2 + _masked_sum_above(h8b, 16, b3)
        vstar = (pfx << 8) | b3

        def compact(j, st):
            cnt, neq = st
            for u in range(4):
                bits = pbuf[pl.ds(j * 64 + u * 16, 16)]
                mgt = bits > vstar
                meq = bits == vstar
                eqrank = (plsc.cumsum(meq.astype(jnp.int32))
                          - meq.astype(jnp.int32))
                allow = jnp.logical_and(meq, eqrank < neq)
                msel = jnp.logical_or(mgt, allow)
                tok = lanes + 16 * (4 * j + u)
                plsc.store_compressed(seli.at[pl.ds(cnt, 16)], tok, mask=msel)
                plsc.store_compressed(selw.at[pl.ds(cnt, 16)], bits, mask=msel)
                cnt = cnt + jnp.sum(msel.astype(jnp.int32))
                neq = neq - jnp.sum(allow.astype(jnp.int32))
            return (cnt, neq)
        lax.fori_loop(0, NV // 4, compact, (jnp.int32(0), kk - n_gt))

        pltpu.sync_copy(seli.at[pl.ds(0, K)], idx_hbm.at[e])
        pltpu.sync_copy(selw.at[pl.ds(0, K)], wts_hbm.at[e])

        return 0

    lax.fori_loop(0, EPW, per_expert, 0)


def _topk_sc(probt):
    mesh = plsc.VectorSubcoreMesh(core_axis_name="c", subcore_axis_name="s",
                                  num_cores=2, num_subcores=16)
    f = pl.kernel(
        _topk_body,
        out_type=[
            jax.ShapeDtypeStruct((E, K), jnp.int32),
            jax.ShapeDtypeStruct((E, K), jnp.int32),
        ],
        mesh=mesh,
        compiler_params=pltpu.CompilerParams(needs_layout_passes=False),
        scratch_types=[
            pltpu.VMEM((T,), jnp.int32),
            pltpu.VMEM((16384,), jnp.int32),
            pltpu.VMEM((256,), jnp.int32),
            pltpu.VMEM((256,), jnp.int32),
            pltpu.VMEM((K + 16,), jnp.int32),
            pltpu.VMEM((K + 16,), jnp.int32),
        ],
    )
    sel, wbits = f(lax.bitcast_convert_type(probt, jnp.int32))
    return sel, lax.bitcast_convert_type(wbits, jnp.float32)


GCHK = 128
GCPW = (E * K) // (32 * GCHK)


def _gather_body(x_hbm, sel4_hbm, xin_hbm, idxrow, rowsbuf, sem):
    wid = lax.axis_index("s") * 2 + lax.axis_index("c")

    def chunk(c, _):
        r = wid * GCPW + c
        pltpu.sync_copy(sel4_hbm.at[r], idxrow)
        pltpu.async_copy(x_hbm.at[idxrow], rowsbuf, sem).wait()
        pltpu.sync_copy(rowsbuf, xin_hbm.at[pl.ds(r * GCHK, GCHK)])
        return 0
    lax.fori_loop(0, GCPW, chunk, 0)


def _gather_sc(x, sel):
    mesh = plsc.VectorSubcoreMesh(core_axis_name="c", subcore_axis_name="s",
                                  num_cores=2, num_subcores=16)
    f = pl.kernel(
        _gather_body,
        out_type=jax.ShapeDtypeStruct((E * K, D), jnp.float32),
        mesh=mesh,
        compiler_params=pltpu.CompilerParams(needs_layout_passes=False),
        scratch_types=[
            pltpu.VMEM((GCHK,), jnp.int32),
            pltpu.VMEM((GCHK, D), jnp.float32),
            pltpu.SemaphoreType.DMA,
        ],
    )
    return f(x, sel.reshape(-1, GCHK))


def kernel(inputs, router_w, W1, b1, W2, b2):
    B, S, _ = inputs.shape
    x = inputs.reshape(-1, D)
    logits, probt = _router(x, router_w)
    sel, wts = _topk_sc(probt)
    x_in = _gather_sc(x, sel).reshape(E, K, D)
    contrib = _mlp(x_in, W1, b1, W2, b2, wts)
    out = jnp.zeros((T, D), jnp.float32).at[sel.reshape(-1)].add(
        contrib[:E * K])
    return out.reshape(B, S, D), logits

# --- scband reference (transcript-rebuilt; emitter-appended) ---
"""Pipeline reference for scband-simple-expert-choice-mo-e-23742579213114 (READ-ONLY COPY).

The authoritative reference and input builder live on the scoring server;
editing this copy changes nothing except your own understanding.
"""

import jax, jax.numpy as jnp
import numpy as np

NUM_EXPERTS = 64
D_MODEL = 768
D_FF = 768
CAPACITY_FACTOR = 1.0
BATCH = 4
SEQ_LEN = 8192
TOP_K = int(CAPACITY_FACTOR * BATCH * SEQ_LEN / NUM_EXPERTS)


def setup_inputs(seed: int = 0) -> dict:
    key = jax.random.key(seed)
    ks = jax.random.split(key, 6)
    inputs = jax.random.normal(ks[0], (BATCH, SEQ_LEN, D_MODEL), dtype=jnp.float32)
    router_w = jax.random.normal(ks[1], (NUM_EXPERTS, D_MODEL), dtype=jnp.float32) * (1.0 / np.sqrt(D_MODEL))
    W1 = jax.random.normal(ks[2], (NUM_EXPERTS, D_MODEL, D_FF), dtype=jnp.float32) * 0.02
    b1 = jnp.zeros((NUM_EXPERTS, D_FF), dtype=jnp.float32)
    W2 = jax.random.normal(ks[3], (NUM_EXPERTS, D_FF, D_MODEL), dtype=jnp.float32) * 0.02
    b2 = jnp.zeros((NUM_EXPERTS, D_MODEL), dtype=jnp.float32)
    return {"inputs": inputs, "router_w": router_w, "W1": W1, "b1": b1, "W2": W2, "b2": b2}


def reference(inputs, router_w, W1, b1, W2, b2):
    B, S, D = inputs.shape
    inputs_squashed = inputs.reshape(-1, D)
    num_tokens = inputs_squashed.shape[0]
    top_k = min(TOP_K, int(CAPACITY_FACTOR * num_tokens / NUM_EXPERTS))
    # router: Linear(model_dim, num_experts, bias=False)
    router_logits = inputs_squashed @ router_w.T  # [T, E]
    # softmax_order == 'softmax_topk': softmax over experts, then expert-choice top-k over tokens
    all_probs = jax.nn.softmax(router_logits, axis=-1)  # [T, E]
    weights, selected_tokens = jax.lax.top_k(all_probs.T, top_k)  # [E, k] each
    # gather chosen tokens per expert
    x_in = jnp.take(inputs_squashed, selected_tokens, axis=0)  # [E, k, D]
    # per-expert MLP: Linear -> GELU -> Linear
    h = jax.nn.gelu(jnp.einsum('ekd,edf->ekf', x_in, W1) + b1[:, None, :])
    expert_out = jnp.einsum('ekf,efd->ekd', h, W2) + b2[:, None, :]  # [E, k, D]
    # weighted scatter-add combine: results[batch_idx] += weights[i,None].T * expert_out
    contrib = weights[..., None] * expert_out  # [E, k, D]
    results = jnp.zeros_like(inputs_squashed).at[selected_tokens.reshape(-1)].add(contrib.reshape(-1, D))
    return results.reshape(B, S, D), router_logits

if __name__ == "__main__":
    import jax
    _d = setup_inputs()
    print(jax.jit(kernel)(*tuple(_d.values())))

</pallas_src>

<mosaic_0001>
#map = affine_map<(d0, d1) -> (0, 0)>
module attributes {stable_mosaic.version = 14 : i64} {
  func.func @_topk_body(%arg0: i32, %arg1: i32, %arg2: memref<64x32768xi32, #tpu.memory_space<hbm>>, %arg3: memref<64x512xi32, #tpu.memory_space<hbm>>, %arg4: memref<64x512xi32, #tpu.memory_space<hbm>>, %arg5: memref<32768xi32, #tpu.memory_space<vmem>>, %arg6: memref<16384xi32, #tpu.memory_space<vmem>>, %arg7: memref<256xi32, #tpu.memory_space<vmem>>, %arg8: memref<256xi32, #tpu.memory_space<vmem>>, %arg9: memref<528xi32, #tpu.memory_space<vmem>>, %arg10: memref<528xi32, #tpu.memory_space<vmem>>) attributes {dimension_semantics = [#tpu.dimension_semantics<core_parallel>, #tpu.dimension_semantics<subcore_parallel>], iteration_bounds = array<i64: 2, 16>, scalar_prefetch = 0 : i64, scratch_operands = 6 : i64, tpu.core_type = #tpu.core_type<sc_vector_subcore>, window_params = [{transform_indices = #map}, {transform_indices = #map}, {transform_indices = #map}]} {
    %mul3A = arith.constant 2 : i32
    %mul3A_0 = arith.muli %arg1, %mul3A : i32
    %add3A = arith.addi %mul3A_0, %arg0 : i32
    %iota3A = tpu.iota {dimensions = array<i32: 0>} : vector<16xi32>
    %broadcast_in_dim3A = arith.constant 0 : i32
    %broadcast_in_dim3A_1 = vector.broadcast %broadcast_in_dim3A : i32 to vector<16xi32>
    %broadcast_in_dim3A_2 = arith.constant 1 : i32
    %broadcast_in_dim3A_3 = vector.broadcast %broadcast_in_dim3A_2 : i32 to vector<16xi32>
    %scan3A = arith.constant 512 : i32
    %scan3A_4 = arith.constant 0 : i32
    %scan3A_5 = arith.constant 0 : i32
    %scan3A_6 = arith.constant 2 : i32
    %scan3A_7 = arith.addi %scan3A_5, %scan3A_6 : i32
    %scan3A_8 = arith.constant 1 : i32
    %scan3A_9 = scf.for %scan3A_11 = %scan3A_5 to %scan3A_7 step %scan3A_8 iter_args(%scan3A_12 = %scan3A_4) -> (i32)  : i32 {
      %mul3A_13 = arith.constant 2 : i32
      %mul3A_14 = arith.muli %add3A, %mul3A_13 : i32
      %add3A_15 = arith.addi %mul3A_14, %scan3A_11 : i32
      "tpu.region"() ({
        %run_scoped3A = tpu.sem_alloc : memref<!tpu.dma_semaphore, #tpu.memory_space<semaphore_mem>>
        %dma_start3A = arith.constant 0 : i32
        %dma_start3A_109 = tpu.memref_slice %arg2[%add3A_15, %dma_start3A] : memref<64x32768xi32, #tpu.memory_space<hbm>> -> memref<1x32768xi32, #tpu.memory_space<hbm>>
        %dma_start3A_110 = tpu.memref_squeeze %dma_start3A_109 : memref<1x32768xi32, #tpu.memory_space<hbm>> -> memref<32768xi32, #tpu.memory_space<hbm>>
        %dma_start3A_111 = arith.constant 0 : i32
        %dma_start3A_112 = tpu.memref_slice %arg2[%add3A_15, %dma_start3A_111] : memref<64x32768xi32, #tpu.memory_space<hbm>> -> memref<1x32768xi32, #tpu.memory_space<hbm>>
        %dma_start3A_113 = tpu.memref_squeeze %dma_start3A_112 : memref<1x32768xi32, #tpu.memory_space<hbm>> -> memref<32768xi32, #tpu.memory_space<hbm>>
        tpu.enqueue_dma source(%dma_start3A_113 : memref<32768xi32, #tpu.memory_space<hbm>>) target(%arg5 : memref<32768xi32, #tpu.memory_space<vmem>>) target_semaphore(%run_scoped3A : memref<!tpu.dma_semaphore, #tpu.memory_space<semaphore_mem>>)
        %dma_wait3A = arith.constant 0 : i32
        %dma_wait3A_114 = tpu.memref_slice %arg2[%add3A_15, %dma_wait3A] : memref<64x32768xi32, #tpu.memory_space<hbm>> -> memref<1x32768xi32, #tpu.memory_space<hbm>>
        %dma_wait3A_115 = tpu.memref_squeeze %dma_wait3A_114 : memref<1x32768xi32, #tpu.memory_space<hbm>> -> memref<32768xi32, #tpu.memory_space<hbm>>
        %dma_wait3A_116 = arith.constant 0 : i32
        %dma_wait3A_117 = tpu.memref_slice %arg2[%add3A_15, %dma_wait3A_116] : memref<64x32768xi32, #tpu.memory_space<hbm>> -> memref<1x32768xi32, #tpu.memory_space<hbm>>
        %dma_wait3A_118 = tpu.memref_squeeze %dma_wait3A_117 : memref<1x32768xi32, #tpu.memory_space<hbm>> -> memref<32768xi32, #tpu.memory_space<hbm>>
        tpu.wait_dma2 semaphore(%run_scoped3A : memref<!tpu.dma_semaphore, #tpu.memory_space<semaphore_mem>>) src(%dma_wait3A_118 : memref<32768xi32, #tpu.memory_space<hbm>>) dst(%arg5 : memref<32768xi32, #tpu.memory_space<vmem>>)
        tpu.yield
      }) : () -> ()
      %scan3A_16 = arith.constant 0 : i32
      %scan3A_17 = arith.constant 0 : i32
      %scan3A_18 = arith.constant 256 : i32
      %scan3A_19 = arith.addi %scan3A_17, %scan3A_18 : i32
      %scan3A_20 = arith.constant 1 : i32
      %scan3A_21 = scf.for %scan3A_109 = %scan3A_17 to %scan3A_19 step %scan3A_20 iter_args(%scan3A_110 = %scan3A_16) -> (i32)  : i32 {
        %mul3A_111 = arith.constant 64 : i32
        %mul3A_112 = arith.muli %scan3A_109, %mul3A_111 : i32
        %add3A_113 = arith.constant 0 : i32
        %add3A_114 = arith.addi %mul3A_112, %add3A_113 : i32
        %swap3A = arith.index_cast %add3A_114 : i32 to index
        %swap3A_115 = tpu.vector_load %arg6[%swap3A] {strides = array<i32>} : memref<16384xi32, #tpu.memory_space<vmem>>, vector<16xi32>,
        tpu.vector_store %arg6[%swap3A], %broadcast_in_dim3A_1 {strides = array<i32>} : memref<16384xi32, #tpu.memory_space<vmem>>, vector<16xi32>,
        %mul3A_116 = arith.constant 64 : i32
        %mul3A_117 = arith.muli %scan3A_109, %mul3A_116 : i32
        %add3A_118 = arith.constant 16 : i32
        %add3A_119 = arith.addi %mul3A_117, %add3A_118 : i32
        %swap3A_120 = arith.index_cast %add3A_119 : i32 to index
        %swap3A_121 = tpu.vector_load %arg6[%swap3A_120] {strides = array<i32>} : memref<16384xi32, #tpu.memory_space<vmem>>, vector<16xi32>,
        tpu.vector_store %arg6[%swap3A_120], %broadcast_in_dim3A_1 {strides = array<i32>} : memref<16384xi32, #tpu.memory_space<vmem>>, vector<16xi32>,
        %mul3A_122 = arith.constant 64 : i32
        %mul3A_123 = arith.muli %scan3A_109, %mul3A_122 : i32
        %add3A_124 = arith.constant 32 : i32
        %add3A_125 = arith.addi %mul3A_123, %add3A_124 : i32
        %swap3A_126 = arith.index_cast %add3A_125 : i32 to index
        %swap3A_127 = tpu.vector_load %arg6[%swap3A_126] {strides = array<i32>} : memref<16384xi32, #tpu.memory_space<vmem>>, vector<16xi32>,
        tpu.vector_store %arg6[%swap3A_126], %broadcast_in_dim3A_1 {strides = array<i32>} : memref<16384xi32, #tpu.memory_space<vmem>>, vector<16xi32>,
        %mul3A_128 = arith.constant 64 : i32
        %mul3A_129 = arith.muli %scan3A_109, %mul3A_128 : i32
        %add3A_130 = arith.constant 48 : i32
        %add3A_131 = arith.addi %mul3A_129, %add3A_130 : i32
        %swap3A_132 = arith.index_cast %add3A_131 : i32 to index
        %swap3A_133 = tpu.vector_load %arg6[%swap3A_132] {strides = array<i32>} : memref<16384xi32, #tpu.memory_space<vmem>>, vector<16xi32>,
        tpu.vector_store %arg6[%swap3A_132], %broadcast_in_dim3A_1 {strides = array<i32>} : memref<16384xi32, #tpu.memory_space<vmem>>, vector<16xi32>,
        %scan3A_134 = arith.constant 0 : i32
        scf.yield %scan3A_134 : i32
      }
      %scan3A_22 = arith.constant 256 : i32
      %scan3A_23 = arith.constant 0 : i32
      %scan3A_24 = arith.constant 0 : i32
      %scan3A_25 = arith.constant 512 : i32
      %scan3A_26 = arith.addi %scan3A_24, %scan3A_25 : i32
      %scan3A_27 = arith.constant 1 : i32
      %scan3A_28 = scf.for %scan3A_109 = %scan3A_24 to %scan3A_26 step %scan3A_27 iter_args(%scan3A_110 = %scan3A_23) -> (i32)  : i32 {
        %mul3A_111 = arith.constant 64 : i32
        %mul3A_112 = arith.muli %scan3A_109, %mul3A_111 : i32
        %add3A_113 = arith.constant 0 : i32
        %add3A_114 = arith.addi %mul3A_112, %add3A_113 : i32
        %get3A = arith.index_cast %add3A_114 : i32 to index
        %get3A_115 = tpu.vector_load %arg5[%get3A] {strides = array<i32>} : memref<32768xi32, #tpu.memory_space<vmem>>, vector<16xi32>,
        %shift_right_arithmetic3A = arith.constant 16 : i32
        %shift_right_arithmetic3A_116 = vector.broadcast %shift_right_arithmetic3A : i32 to vector<16xi32>
        %shift_right_arithmetic3A_117 = arith.shrsi %get3A_115, %shift_right_arithmetic3A_116 : vector<16xi32>
        tpu.vector_store_idx %arg6[%shift_right_arithmetic3A_117], %broadcast_in_dim3A_3 {add = true} : memref<16384xi32, #tpu.memory_space<vmem>>[vector<16xi32>], vector<16xi32>,
        %mul3A_118 = arith.constant 64 : i32
        %mul3A_119 = arith.muli %scan3A_109, %mul3A_118 : i32
        %add3A_120 = arith.constant 16 : i32
        %add3A_121 = arith.addi %mul3A_119, %add3A_120 : i32
        %get3A_122 = arith.index_cast %add3A_121 : i32 to index
        %get3A_123 = tpu.vector_load %arg5[%get3A_122] {strides = array<i32>} : memref<32768xi32, #tpu.memory_space<vmem>>, vector<16xi32>,
        %shift_right_arithmetic3A_124 = arith.constant 16 : i32
        %shift_right_arithmetic3A_125 = vector.broadcast %shift_right_arithmetic3A_124 : i32 to vector<16xi32>
        %shift_right_arithmetic3A_126 = arith.shrsi %get3A_123, %shift_right_arithmetic3A_125 : vector<16xi32>
        tpu.vector_store_idx %arg6[%shift_right_arithmetic3A_126], %broadcast_in_dim3A_3 {add = true} : memref<16384xi32, #tpu.memory_space<vmem>>[vector<16xi32>], vector<16xi32>,
        %mul3A_127 = arith.constant 64 : i32
        %mul3A_128 = arith.muli %scan3A_109, %mul3A_127 : i32
        %add3A_129 = arith.constant 32 : i32
        %add3A_130 = arith.addi %mul3A_128, %add3A_129 : i32
        %get3A_131 = arith.index_cast %add3A_130 : i32 to index
        %get3A_132 = tpu.vector_load %arg5[%get3A_131] {strides = array<i32>} : memref<32768xi32, #tpu.memory_space<vmem>>, vector<16xi32>,
        %shift_right_arithmetic3A_133 = arith.constant 16 : i32
        %shift_right_arithmetic3A_134 = vector.broadcast %shift_right_arithmetic3A_133 : i32 to vector<16xi32>
        %shift_right_arithmetic3A_135 = arith.shrsi %get3A_132, %shift_right_arithmetic3A_134 : vector<16xi32>
        tpu.vector_store_idx %arg6[%shift_right_arithmetic3A_135], %broadcast_in_dim3A_3 {add = true} : memref<16384xi32, #tpu.memory_space<vmem>>[vector<16xi32>], vector<16xi32>,
        %mul3A_136 = arith.constant 64 : i32
        %mul3A_137 = arith.muli %scan3A_109, %mul3A_136 : i32
        %add3A_138 = arith.constant 48 : i32
        %add3A_139 = arith.addi %mul3A_137, %add3A_138 : i32
        %get3A_140 = arith.index_cast %add3A_139 : i32 to index
        %get3A_141 = tpu.vector_load %arg5[%get3A_140] {strides = array<i32>} : memref<32768xi32, #tpu.memory_space<vmem>>, vector<16xi32>,
        %shift_right_arithmetic3A_142 = arith.constant 16 : i32
        %shift_right_arithmetic3A_143 = vector.broadcast %shift_right_arithmetic3A_142 : i32 to vector<16xi32>
        %shift_right_arithmetic3A_144 = arith.shrsi %get3A_141, %shift_right_arithmetic3A_143 : vector<16xi32>
        tpu.vector_store_idx %arg6[%shift_right_arithmetic3A_144], %broadcast_in_dim3A_3 {add = true} : memref<16384xi32, #tpu.memory_space<vmem>>[vector<16xi32>], vector<16xi32>,
        %scan3A_145 = arith.constant 0 : i32
        scf.yield %scan3A_145 : i32
      }
      %scan3A_29 = arith.constant 512 : i32
      %iota3A_30 = tpu.iota {dimensions = array<i32: 0>} : vector<16xi32>
      %while3A = arith.constant 0 : i32
      %while3A_31 = arith.constant 1023 : i32
      %while3A_32 = arith.constant 0 : i32
      %while3A_33 = arith.constant -1 : i32
      %while3A_34:3 = scf.while (%while3A_109 = %while3A_31, %while3A_110 = %while3A_32, %while3A_111 = %while3A_33) : (i32, i32, i32) -> (i32, i32, i32) {
        %lt3A = arith.constant 0 : i32
        %lt3A_112 = arith.cmpi slt, %while3A_111, %lt3A : i32
        %ge3A = arith.constant 0 : i32
        %ge3A_113 = arith.cmpi sge, %while3A_109, %ge3A : i32
        %and3A = arith.andi %lt3A_112, %ge3A_113 : i1
        scf.condition(%and3A) %while3A_109, %while3A_110, %while3A_111 : i32, i32, i32
      } do {
      ^bb0(%while3A_109: i32, %while3A_110: i32, %while3A_111: i32):
        %mul3A_112 = arith.constant 16 : i32
        %mul3A_113 = arith.muli %while3A_109, %mul3A_112 : i32
        %get3A = arith.index_cast %mul3A_113 : i32 to index
        %get3A_114 = tpu.vector_load %arg6[%get3A] {strides = array<i32>} : memref<16384xi32, #tpu.memory_space<vmem>>, vector<16xi32>,
        %rev3A = arith.constant 15 : i32
        %rev3A_115 = vector.broadcast %rev3A : i32 to vector<16xi32>
        %rev3A_116 = tpu.iota {dimensions = array<i32: 0>} : vector<16xi32>
        %rev3A_117 = arith.subi %rev3A_115, %rev3A_116 : vector<16xi32>
        %rev3A_118 = tpu.dynamic_gather %get3A_114[%rev3A_117] in [0] : vector<16xi32>, vector<16xi32> -> vector<16xi32>
        %broadcast_in_dim3A_119 = arith.constant true
        %broadcast_in_dim3A_120 = vector.broadcast %broadcast_in_dim3A_119 : i1 to vector<16xi1>
        %masked_cumsum3A = tpu.scan <sum>, %rev3A_118 masked %broadcast_in_dim3A_120 : vector<16xi32>, vector<16xi1> -> vector<16xi32>
        %add3A_121 = vector.broadcast %while3A_110 : i32 to vector<16xi32>
        %add3A_122 = arith.addi %masked_cumsum3A, %add3A_121 : vector<16xi32>
        %add3A_123 = vector.broadcast %while3A : i32 to vector<16xi32>
        %add3A_124 = arith.addi %add3A_122, %add3A_123 : vector<16xi32>
        %ge3A = vector.broadcast %scan3A : i32 to vector<16xi32>
        %ge3A_125 = arith.cmpi sge, %add3A_124, %ge3A : vector<16xi32>
        %convert_element_type3A = arith.extui %ge3A_125 : vector<16xi1> to vector<16xi32>
        %reduce_sum3A = arith.constant true
        %reduce_sum3A_126 = vector.broadcast %reduce_sum3A : i1 to vector<16xi1>
        %reduce_sum3A_127 = tpu.scan <sum>, %convert_element_type3A masked %reduce_sum3A_126 : vector<16xi32>, vector<16xi1> -> vector<16xi32>
        %reduce_sum3A_128 = vector.extract %reduce_sum3A_127[15] : i32 from vector<16xi32>
        %gt3A = arith.constant 0 : i32
        %gt3A_129 = arith.cmpi sgt, %reduce_sum3A_128, %gt3A : i32
        %jit3A = arith.constant 16 : i32
        %broadcast_in_dim3A_130 = vector.broadcast %jit3A : i32 to vector<16xi32>
        %select_n3A = arith.select %ge3A_125, %iota3A_30, %broadcast_in_dim3A_130 : vector<16xi1>, vector<16xi32>
        %reduce_min3A = arith.constant true
        %reduce_min3A_131 = vector.broadcast %reduce_min3A : i1 to vector<16xi1>
        %reduce_min3A_132 = arith.constant -2147483648 : i32
        %reduce_min3A_133 = vector.broadcast %reduce_min3A_132 : i32 to vector<16xi32>
        %reduce_min3A_134 = arith.xori %select_n3A, %reduce_min3A_133 : vector<16xi32>
        %reduce_min3A_135 = tpu.scan <min>, %reduce_min3A_134 masked %reduce_min3A_131 : vector<16xi32>, vector<16xi1> -> vector<16xi32>
        %reduce_min3A_136 = arith.xori %reduce_min3A_135, %reduce_min3A_133 : vector<16xi32>
        %reduce_min3A_137 = vector.extract %reduce_min3A_136[15] : i32 from vector<16xi32>
        %mul3A_138 = arith.constant 16 : i32
        %mul3A_139 = arith.muli %mul3A_138, %while3A_109 : i32
        %add3A_140 = arith.constant 15 : i32
        %add3A_141 = arith.addi %mul3A_139, %add3A_140 : i32
        %sub3A_142 = arith.subi %add3A_141, %reduce_min3A_137 : i32
        %sub3A_143 = arith.constant 1 : i32
        %sub3A_144 = arith.subi %while3A_109, %sub3A_143 : i32
        %reduce_sum3A_145 = arith.constant true
        %reduce_sum3A_146 = vector.broadcast %reduce_sum3A_145 : i1 to vector<16xi1>
        %reduce_sum3A_147 = tpu.scan <sum>, %get3A_114 masked %reduce_sum3A_146 : vector<16xi32>, vector<16xi1> -> vector<16xi32>
        %reduce_sum3A_148 = vector.extract %reduce_sum3A_147[15] : i32 from vector<16xi32>
        %add3A_149 = arith.addi %while3A_110, %reduce_sum3A_148 : i32
        %jit3A_150 = arith.constant -1 : i32
        %select_n3A_151 = arith.select %gt3A_129, %sub3A_142, %jit3A_150 : i32
        scf.yield %sub3A_144, %add3A_149, %select_n3A_151 : i32, i32, i32
      }
      %max3A = arith.constant 0 : i32
      %max3A_35 = arith.maxsi %while3A_34#2, %max3A : i32
      %iota3A_36 = tpu.iota {dimensions = array<i32: 0>} : vector<16xi32>
      %scan3A_37 = arith.constant 0 : i32
      %scan3A_38 = arith.constant 0 : i32
      %scan3A_39 = arith.constant 1024 : i32
      %scan3A_40 = arith.addi %scan3A_38, %scan3A_39 : i32
      %scan3A_41 = arith.constant 1 : i32
      %scan3A_42 = scf.for %scan3A_109 = %scan3A_38 to %scan3A_40 step %scan3A_41 iter_args(%scan3A_110 = %scan3A_37) -> (i32)  : i32 {
        %mul3A_111 = arith.constant 16 : i32
        %mul3A_112 = arith.muli %scan3A_109, %mul3A_111 : i32
        %get3A = arith.index_cast %mul3A_112 : i32 to index
        %get3A_113 = tpu.vector_load %arg6[%get3A] {strides = array<i32>} : memref<16384xi32, #tpu.memory_space<vmem>>, vector<16xi32>,
        %mul3A_114 = arith.constant 16 : i32
        %mul3A_115 = arith.muli %mul3A_114, %scan3A_109 : i32
        %add3A_116 = vector.broadcast %mul3A_115 : i32 to vector<16xi32>
        %add3A_117 = arith.addi %iota3A_36, %add3A_116 : vector<16xi32>
        %gt3A = vector.broadcast %max3A_35 : i32 to vector<16xi32>
        %gt3A_118 = arith.cmpi sgt, %add3A_117, %gt3A : vector<16xi32>
        %jit3A = arith.constant 0 : i32
        %broadcast_in_dim3A_119 = vector.broadcast %jit3A : i32 to vector<16xi32>
        %select_n3A = arith.select %gt3A_118, %get3A_113, %broadcast_in_dim3A_119 : vector<16xi1>, vector<16xi32>
        %reduce_sum3A = arith.constant true
        %reduce_sum3A_120 = vector.broadcast %reduce_sum3A : i1 to vector<16xi1>
        %reduce_sum3A_121 = tpu.scan <sum>, %select_n3A masked %reduce_sum3A_120 : vector<16xi32>, vector<16xi1> -> vector<16xi32>
        %reduce_sum3A_122 = vector.extract %reduce_sum3A_121[15] : i32 from vector<16xi32>
        %add3A_123 = arith.addi %scan3A_110, %reduce_sum3A_122 : i32
        scf.yield %add3A_123 : i32
      }
      %scan3A_43 = arith.constant 1024 : i32
      %scan3A_44 = arith.constant 0 : i32
      %scan3A_45 = arith.constant 0 : i32
      %scan3A_46 = arith.constant 16 : i32
      %scan3A_47 = arith.addi %scan3A_45, %scan3A_46 : i32
      %scan3A_48 = arith.constant 1 : i32
      %scan3A_49 = scf.for %scan3A_109 = %scan3A_45 to %scan3A_47 step %scan3A_48 iter_args(%scan3A_110 = %scan3A_44) -> (i32)  : i32 {
        %mul3A_111 = arith.constant 16 : i32
        %mul3A_112 = arith.muli %scan3A_109, %mul3A_111 : i32
        %swap3A = arith.index_cast %mul3A_112 : i32 to index
        %swap3A_113 = tpu.vector_load %arg7[%swap3A] {strides = array<i32>} : memref<256xi32, #tpu.memory_space<vmem>>, vector<16xi32>,
        tpu.vector_store %arg7[%swap3A], %broadcast_in_dim3A_1 {strides = array<i32>} : memref<256xi32, #tpu.memory_space<vmem>>, vector<16xi32>,
        %mul3A_114 = arith.constant 16 : i32
        %mul3A_115 = arith.muli %scan3A_109, %mul3A_114 : i32
        %swap3A_116 = arith.index_cast %mul3A_115 : i32 to index
        %swap3A_117 = tpu.vector_load %arg8[%swap3A_116] {strides = array<i32>} : memref<256xi32, #tpu.memory_space<vmem>>, vector<16xi32>,
        tpu.vector_store %arg8[%swap3A_116], %broadcast_in_dim3A_1 {strides = array<i32>} : memref<256xi32, #tpu.memory_space<vmem>>, vector<16xi32>,
        %scan3A_118 = arith.constant 0 : i32
        scf.yield %scan3A_118 : i32
      }
      %scan3A_50 = arith.constant 16 : i32
      %scan3A_51 = arith.constant 0 : i32
      %scan3A_52 = arith.constant 0 : i32
      %scan3A_53 = arith.constant 512 : i32
      %scan3A_54 = arith.addi %scan3A_52, %scan3A_53 : i32
      %scan3A_55 = arith.constant 1 : i32
      %scan3A_56 = scf.for %scan3A_109 = %scan3A_52 to %scan3A_54 step %scan3A_55 iter_args(%scan3A_110 = %scan3A_51) -> (i32)  : i32 {
        %mul3A_111 = arith.constant 64 : i32
        %mul3A_112 = arith.muli %scan3A_109, %mul3A_111 : i32
        %add3A_113 = arith.constant 0 : i32
        %add3A_114 = arith.addi %mul3A_112, %add3A_113 : i32
        %get3A = arith.index_cast %add3A_114 : i32 to index
        %get3A_115 = tpu.vector_load %arg5[%get3A] {strides = array<i32>} : memref<32768xi32, #tpu.memory_space<vmem>>, vector<16xi32>,
        %shift_right_arithmetic3A = arith.constant 16 : i32
        %shift_right_arithmetic3A_116 = vector.broadcast %shift_right_arithmetic3A : i32 to vector<16xi32>
        %shift_right_arithmetic3A_117 = arith.shrsi %get3A_115, %shift_right_arithmetic3A_116 : vector<16xi32>
        %eq3A = vector.broadcast %max3A_35 : i32 to vector<16xi32>
        %eq3A_118 = arith.cmpi eq, %shift_right_arithmetic3A_117, %eq3A : vector<16xi32>
        %shift_right_arithmetic3A_119 = arith.constant 8 : i32
        %shift_right_arithmetic3A_120 = vector.broadcast %shift_right_arithmetic3A_119 : i32 to vector<16xi32>
        %shift_right_arithmetic3A_121 = arith.shrsi %get3A_115, %shift_right_arithmetic3A_120 : vector<16xi32>
        %and3A = arith.constant 255 : i32
        %and3A_122 = vector.broadcast %and3A : i32 to vector<16xi32>
        %and3A_123 = arith.andi %shift_right_arithmetic3A_121, %and3A_122 : vector<16xi32>
        tpu.vector_store_idx %arg7[%and3A_123], %broadcast_in_dim3A_3 masked %eq3A_118 {add = true} : memref<256xi32, #tpu.memory_space<vmem>>[vector<16xi32>], vector<16xi32>, vector<16xi1>
        %mul3A_124 = arith.constant 64 : i32
        %mul3A_125 = arith.muli %scan3A_109, %mul3A_124 : i32
        %add3A_126 = arith.constant 16 : i32
        %add3A_127 = arith.addi %mul3A_125, %add3A_126 : i32
        %get3A_128 = arith.index_cast %add3A_127 : i32 to index
        %get3A_129 = tpu.vector_load %arg5[%get3A_128] {strides = array<i32>} : memref<32768xi32, #tpu.memory_space<vmem>>, vector<16xi32>,
        %shift_right_arithmetic3A_130 = arith.constant 16 : i32
        %shift_right_arithmetic3A_131 = vector.broadcast %shift_right_arithmetic3A_130 : i32 to vector<16xi32>
        %shift_right_arithmetic3A_132 = arith.shrsi %get3A_129, %shift_right_arithmetic3A_131 : vector<16xi32>
        %eq3A_133 = vector.broadcast %max3A_35 : i32 to vector<16xi32>
        %eq3A_134 = arith.cmpi eq, %shift_right_arithmetic3A_132, %eq3A_133 : vector<16xi32>
        %shift_right_arithmetic3A_135 = arith.constant 8 : i32
        %shift_right_arithmetic3A_136 = vector.broadcast %shift_right_arithmetic3A_135 : i32 to vector<16xi32>
        %shift_right_arithmetic3A_137 = arith.shrsi %get3A_129, %shift_right_arithmetic3A_136 : vector<16xi32>
        %and3A_138 = arith.constant 255 : i32
        %and3A_139 = vector.broadcast %and3A_138 : i32 to vector<16xi32>
        %and3A_140 = arith.andi %shift_right_arithmetic3A_137, %and3A_139 : vector<16xi32>
        tpu.vector_store_idx %arg7[%and3A_140], %broadcast_in_dim3A_3 masked %eq3A_134 {add = true} : memref<256xi32, #tpu.memory_space<vmem>>[vector<16xi32>], vector<16xi32>, vector<16xi1>
        %mul3A_141 = arith.constant 64 : i32
        %mul3A_142 = arith.muli %scan3A_109, %mul3A_141 : i32
        %add3A_143 = arith.constant 32 : i32
        %add3A_144 = arith.addi %mul3A_142, %add3A_143 : i32
        %get3A_145 = arith.index_cast %add3A_144 : i32 to index
        %get3A_146 = tpu.vector_load %arg5[%get3A_145] {strides = array<i32>} : memref<32768xi32, #tpu.memory_space<vmem>>, vector<16xi32>,
        %shift_right_arithmetic3A_147 = arith.constant 16 : i32
        %shift_right_arithmetic3A_148 = vector.broadcast %shift_right_arithmetic3A_147 : i32 to vector<16xi32>
        %shift_right_arithmetic3A_149 = arith.shrsi %get3A_146, %shift_right_arithmetic3A_148 : vector<16xi32>
        %eq3A_150 = vector.broadcast %max3A_35 : i32 to vector<16xi32>
        %eq3A_151 = arith.cmpi eq, %shift_right_arithmetic3A_149, %eq3A_150 : vector<16xi32>
        %shift_right_arithmetic3A_152 = arith.constant 8 : i32
        %shift_right_arithmetic3A_153 = vector.broadcast %shift_right_arithmetic3A_152 : i32 to vector<16xi32>
        %shift_right_arithmetic3A_154 = arith.shrsi %get3A_146, %shift_right_arithmetic3A_153 : vector<16xi32>
        %and3A_155 = arith.constant 255 : i32
        %and3A_156 = vector.broadcast %and3A_155 : i32 to vector<16xi32>
        %and3A_157 = arith.andi %shift_right_arithmetic3A_154, %and3A_156 : vector<16xi32>
        tpu.vector_store_idx %arg7[%and3A_157], %broadcast_in_dim3A_3 masked %eq3A_151 {add = true} : memref<256xi32, #tpu.memory_space<vmem>>[vector<16xi32>], vector<16xi32>, vector<16xi1>
        %mul3A_158 = arith.constant 64 : i32
        %mul3A_159 = arith.muli %scan3A_109, %mul3A_158 : i32
        %add3A_160 = arith.constant 48 : i32
        %add3A_161 = arith.addi %mul3A_159, %add3A_160 : i32
        %get3A_162 = arith.index_cast %add3A_161 : i32 to index
        %get3A_163 = tpu.vector_load %arg5[%get3A_162] {strides = array<i32>} : memref<32768xi32, #tpu.memory_space<vmem>>, vector<16xi32>,
        %shift_right_arithmetic3A_164 = arith.constant 16 : i32
        %shift_right_arithmetic3A_165 = vector.broadcast %shift_right_arithmetic3A_164 : i32 to vector<16xi32>
        %shift_right_arithmetic3A_166 = arith.shrsi %get3A_163, %shift_right_arithmetic3A_165 : vector<16xi32>
        %eq3A_167 = vector.broadcast %max3A_35 : i32 to vector<16xi32>
        %eq3A_168 = arith.cmpi eq, %shift_right_arithmetic3A_166, %eq3A_167 : vector<16xi32>
        %shift_right_arithmetic3A_169 = arith.constant 8 : i32
        %shift_right_arithmetic3A_170 = vector.broadcast %shift_right_arithmetic3A_169 : i32 to vector<16xi32>
        %shift_right_arithmetic3A_171 = arith.shrsi %get3A_163, %shift_right_arithmetic3A_170 : vector<16xi32>
        %and3A_172 = arith.constant 255 : i32
        %and3A_173 = vector.broadcast %and3A_172 : i32 to vector<16xi32>
        %and3A_174 = arith.andi %shift_right_arithmetic3A_171, %and3A_173 : vector<16xi32>
        tpu.vector_store_idx %arg7[%and3A_174], %broadcast_in_dim3A_3 masked %eq3A_168 {add = true} : memref<256xi32, #tpu.memory_space<vmem>>[vector<16xi32>], vector<16xi32>, vector<16xi1>
        %scan3A_175 = arith.constant 0 : i32
        scf.yield %scan3A_175 : i32
      }
      %scan3A_57 = arith.constant 512 : i32
      %iota3A_58 = tpu.iota {dimensions = array<i32: 0>} : vector<16xi32>
      %while3A_59 = arith.constant 15 : i32
      %while3A_60 = arith.constant 0 : i32
      %while3A_61 = arith.constant -1 : i32
      %while3A_62:3 = scf.while (%while3A_109 = %while3A_59, %while3A_110 = %while3A_60, %while3A_111 = %while3A_61) : (i32, i32, i32) -> (i32, i32, i32) {
        %lt3A = arith.constant 0 : i32
        %lt3A_112 = arith.cmpi slt, %while3A_111, %lt3A : i32
        %ge3A = arith.constant 0 : i32
        %ge3A_113 = arith.cmpi sge, %while3A_109, %ge3A : i32
        %and3A = arith.andi %lt3A_112, %ge3A_113 : i1
        scf.condition(%and3A) %while3A_109, %while3A_110, %while3A_111 : i32, i32, i32
      } do {
      ^bb0(%while3A_109: i32, %while3A_110: i32, %while3A_111: i32):
        %mul3A_112 = arith.constant 16 : i32
        %mul3A_113 = arith.muli %while3A_109, %mul3A_112 : i32
        %get3A = arith.index_cast %mul3A_113 : i32 to index
        %get3A_114 = tpu.vector_load %arg7[%get3A] {strides = array<i32>} : memref<256xi32, #tpu.memory_space<vmem>>, vector<16xi32>,
        %rev3A = arith.constant 15 : i32
        %rev3A_115 = vector.broadcast %rev3A : i32 to vector<16xi32>
        %rev3A_116 = tpu.iota {dimensions = array<i32: 0>} : vector<16xi32>
        %rev3A_117 = arith.subi %rev3A_115, %rev3A_116 : vector<16xi32>
        %rev3A_118 = tpu.dynamic_gather %get3A_114[%rev3A_117] in [0] : vector<16xi32>, vector<16xi32> -> vector<16xi32>
        %broadcast_in_dim3A_119 = arith.constant true
        %broadcast_in_dim3A_120 = vector.broadcast %broadcast_in_dim3A_119 : i1 to vector<16xi1>
        %masked_cumsum3A = tpu.scan <sum>, %rev3A_118 masked %broadcast_in_dim3A_120 : vector<16xi32>, vector<16xi1> -> vector<16xi32>
        %add3A_121 = vector.broadcast %while3A_110 : i32 to vector<16xi32>
        %add3A_122 = arith.addi %masked_cumsum3A, %add3A_121 : vector<16xi32>
        %add3A_123 = vector.broadcast %scan3A_42 : i32 to vector<16xi32>
        %add3A_124 = arith.addi %add3A_122, %add3A_123 : vector<16xi32>
        %ge3A = vector.broadcast %scan3A : i32 to vector<16xi32>
        %ge3A_125 = arith.cmpi sge, %add3A_124, %ge3A : vector<16xi32>
        %convert_element_type3A = arith.extui %ge3A_125 : vector<16xi1> to vector<16xi32>
        %reduce_sum3A = arith.constant true
        %reduce_sum3A_126 = vector.broadcast %reduce_sum3A : i1 to vector<16xi1>
        %reduce_sum3A_127 = tpu.scan <sum>, %convert_element_type3A masked %reduce_sum3A_126 : vector<16xi32>, vector<16xi1> -> vector<16xi32>
        %reduce_sum3A_128 = vector.extract %reduce_sum3A_127[15] : i32 from vector<16xi32>
        %gt3A = arith.constant 0 : i32
        %gt3A_129 = arith.cmpi sgt, %reduce_sum3A_128, %gt3A : i32
        %jit3A = arith.constant 16 : i32
        %broadcast_in_dim3A_130 = vector.broadcast %jit3A : i32 to vector<16xi32>
        %select_n3A = arith.select %ge3A_125, %iota3A_58, %broadcast_in_dim3A_130 : vector<16xi1>, vector<16xi32>
        %reduce_min3A = arith.constant true
        %reduce_min3A_131 = vector.broadcast %reduce_min3A : i1 to vector<16xi1>
        %reduce_min3A_132 = arith.constant -2147483648 : i32
        %reduce_min3A_133 = vector.broadcast %reduce_min3A_132 : i32 to vector<16xi32>
        %reduce_min3A_134 = arith.xori %select_n3A, %reduce_min3A_133 : vector<16xi32>
        %reduce_min3A_135 = tpu.scan <min>, %reduce_min3A_134 masked %reduce_min3A_131 : vector<16xi32>, vector<16xi1> -> vector<16xi32>
        %reduce_min3A_136 = arith.xori %reduce_min3A_135, %reduce_min3A_133 : vector<16xi32>
        %reduce_min3A_137 = vector.extract %reduce_min3A_136[15] : i32 from vector<16xi32>
        %mul3A_138 = arith.constant 16 : i32
        %mul3A_139 = arith.muli %mul3A_138, %while3A_109 : i32
        %add3A_140 = arith.constant 15 : i32
        %add3A_141 = arith.addi %mul3A_139, %add3A_140 : i32
        %sub3A_142 = arith.subi %add3A_141, %reduce_min3A_137 : i32
        %sub3A_143 = arith.constant 1 : i32
        %sub3A_144 = arith.subi %while3A_109, %sub3A_143 : i32
        %reduce_sum3A_145 = arith.constant true
        %reduce_sum3A_146 = vector.broadcast %reduce_sum3A_145 : i1 to vector<16xi1>
        %reduce_sum3A_147 = tpu.scan <sum>, %get3A_114 masked %reduce_sum3A_146 : vector<16xi32>, vector<16xi1> -> vector<16xi32>
        %reduce_sum3A_148 = vector.extract %reduce_sum3A_147[15] : i32 from vector<16xi32>
        %add3A_149 = arith.addi %while3A_110, %reduce_sum3A_148 : i32
        %jit3A_150 = arith.constant -1 : i32
        %select_n3A_151 = arith.select %gt3A_129, %sub3A_142, %jit3A_150 : i32
        scf.yield %sub3A_144, %add3A_149, %select_n3A_151 : i32, i32, i32
      }
      %max3A_63 = arith.constant 0 : i32
      %max3A_64 = arith.maxsi %while3A_62#2, %max3A_63 : i32
      %iota3A_65 = tpu.iota {dimensions = array<i32: 0>} : vector<16xi32>
      %scan3A_66 = arith.constant 0 : i32
      %scan3A_67 = arith.constant 0 : i32
      %scan3A_68 = arith.constant 16 : i32
      %scan3A_69 = arith.addi %scan3A_67, %scan3A_68 : i32
      %scan3A_70 = arith.constant 1 : i32
      %scan3A_71 = scf.for %scan3A_109 = %scan3A_67 to %scan3A_69 step %scan3A_70 iter_args(%scan3A_110 = %scan3A_66) -> (i32)  : i32 {
        %mul3A_111 = arith.constant 16 : i32
        %mul3A_112 = arith.muli %scan3A_109, %mul3A_111 : i32
        %get3A = arith.index_cast %mul3A_112 : i32 to index
        %get3A_113 = tpu.vector_load %arg7[%get3A] {strides = array<i32>} : memref<256xi32, #tpu.memory_space<vmem>>, vector<16xi32>,
        %mul3A_114 = arith.constant 16 : i32
        %mul3A_115 = arith.muli %mul3A_114, %scan3A_109 : i32
        %add3A_116 = vector.broadcast %mul3A_115 : i32 to vector<16xi32>
        %add3A_117 = arith.addi %iota3A_65, %add3A_116 : vector<16xi32>
        %gt3A = vector.broadcast %max3A_64 : i32 to vector<16xi32>
        %gt3A_118 = arith.cmpi sgt, %add3A_117, %gt3A : vector<16xi32>
        %jit3A = arith.constant 0 : i32
        %broadcast_in_dim3A_119 = vector.broadcast %jit3A : i32 to vector<16xi32>
        %select_n3A = arith.select %gt3A_118, %get3A_113, %broadcast_in_dim3A_119 : vector<16xi1>, vector<16xi32>
        %reduce_sum3A = arith.constant true
        %reduce_sum3A_120 = vector.broadcast %reduce_sum3A : i1 to vector<16xi1>
        %reduce_sum3A_121 = tpu.scan <sum>, %select_n3A masked %reduce_sum3A_120 : vector<16xi32>, vector<16xi1> -> vector<16xi32>
        %reduce_sum3A_122 = vector.extract %reduce_sum3A_121[15] : i32 from vector<16xi32>
        %add3A_123 = arith.addi %scan3A_110, %reduce_sum3A_122 : i32
        scf.yield %add3A_123 : i32
      }
      %scan3A_72 = arith.constant 16 : i32
      %add3A_73 = arith.addi %scan3A_42, %scan3A_71 : i32
      %shift_left3A = arith.constant 8 : i32
      %shift_left3A_74 = arith.shli %max3A_35, %shift_left3A : i32
      %or3A = arith.ori %shift_left3A_74, %max3A_64 : i32
      %scan3A_75 = arith.constant 0 : i32
      %scan3A_76 = arith.constant 0 : i32
      %scan3A_77 = arith.constant 512 : i32
      %scan3A_78 = arith.addi %scan3A_76, %scan3A_77 : i32
      %scan3A_79 = arith.constant 1 : i32
      %scan3A_80 = scf.for %scan3A_109 = %scan3A_76 to %scan3A_78 step %scan3A_79 iter_args(%scan3A_110 = %scan3A_75) -> (i32)  : i32 {
        %mul3A_111 = arith.constant 64 : i32
        %mul3A_112 = arith.muli %scan3A_109, %mul3A_111 : i32
        %add3A_113 = arith.constant 0 : i32
        %add3A_114 = arith.addi %mul3A_112, %add3A_113 : i32
        %get3A = arith.index_cast %add3A_114 : i32 to index
        %get3A_115 = tpu.vector_load %arg5[%get3A] {strides = array<i32>} : memref<32768xi32, #tpu.memory_space<vmem>>, vector<16xi32>,
        %shift_right_arithmetic3A = arith.constant 8 : i32
        %shift_right_arithmetic3A_116 = vector.broadcast %shift_right_arithmetic3A : i32 to vector<16xi32>
        %shift_right_arithmetic3A_117 = arith.shrsi %get3A_115, %shift_right_arithmetic3A_116 : vector<16xi32>
        %eq3A = vector.broadcast %or3A : i32 to vector<16xi32>
        %eq3A_118 = arith.cmpi eq, %shift_right_arithmetic3A_117, %eq3A : vector<16xi32>
        %and3A = arith.constant 255 : i32
        %and3A_119 = vector.broadcast %and3A : i32 to vector<16xi32>
        %and3A_120 = arith.andi %get3A_115, %and3A_119 : vector<16xi32>
        tpu.vector_store_idx %arg8[%and3A_120], %broadcast_in_dim3A_3 masked %eq3A_118 {add = true} : memref<256xi32, #tpu.memory_space<vmem>>[vector<16xi32>], vector<16xi32>, vector<16xi1>
        %mul3A_121 = arith.constant 64 : i32
        %mul3A_122 = arith.muli %scan3A_109, %mul3A_121 : i32
        %add3A_123 = arith.constant 16 : i32
        %add3A_124 = arith.addi %mul3A_122, %add3A_123 : i32
        %get3A_125 = arith.index_cast %add3A_124 : i32 to index
        %get3A_126 = tpu.vector_load %arg5[%get3A_125] {strides = array<i32>} : memref<32768xi32, #tpu.memory_space<vmem>>, vector<16xi32>,
        %shift_right_arithmetic3A_127 = arith.constant 8 : i32
        %shift_right_arithmetic3A_128 = vector.broadcast %shift_right_arithmetic3A_127 : i32 to vector<16xi32>
        %shift_right_arithmetic3A_129 = arith.shrsi %get3A_126, %shift_right_arithmetic3A_128 : vector<16xi32>
        %eq3A_130 = vector.broadcast %or3A : i32 to vector<16xi32>
        %eq3A_131 = arith.cmpi eq, %shift_right_arithmetic3A_129, %eq3A_130 : vector<16xi32>
        %and3A_132 = arith.constant 255 : i32
        %and3A_133 = vector.broadcast %and3A_132 : i32 to vector<16xi32>
        %and3A_134 = arith.andi %get3A_126, %and3A_133 : vector<16xi32>
        tpu.vector_store_idx %arg8[%and3A_134], %broadcast_in_dim3A_3 masked %eq3A_131 {add = true} : memref<256xi32, #tpu.memory_space<vmem>>[vector<16xi32>], vector<16xi32>, vector<16xi1>
        %mul3A_135 = arith.constant 64 : i32
        %mul3A_136 = arith.muli %scan3A_109, %mul3A_135 : i32
        %add3A_137 = arith.constant 32 : i32
        %add3A_138 = arith.addi %mul3A_136, %add3A_137 : i32
        %get3A_139 = arith.index_cast %add3A_138 : i32 to index
        %get3A_140 = tpu.vector_load %arg5[%get3A_139] {strides = array<i32>} : memref<32768xi32, #tpu.memory_space<vmem>>, vector<16xi32>,
        %shift_right_arithmetic3A_141 = arith.constant 8 : i32
        %shift_right_arithmetic3A_142 = vector.broadcast %shift_right_arithmetic3A_141 : i32 to vector<16xi32>
        %shift_right_arithmetic3A_143 = arith.shrsi %get3A_140, %shift_right_arithmetic3A_142 : vector<16xi32>
        %eq3A_144 = vector.broadcast %or3A : i32 to vector<16xi32>
        %eq3A_145 = arith.cmpi eq, %shift_right_arithmetic3A_143, %eq3A_144 : vector<16xi32>
        %and3A_146 = arith.constant 255 : i32
        %and3A_147 = vector.broadcast %and3A_146 : i32 to vector<16xi32>
        %and3A_148 = arith.andi %get3A_140, %and3A_147 : vector<16xi32>
        tpu.vector_store_idx %arg8[%and3A_148], %broadcast_in_dim3A_3 masked %eq3A_145 {add = true} : memref<256xi32, #tpu.memory_space<vmem>>[vector<16xi32>], vector<16xi32>, vector<16xi1>
        %mul3A_149 = arith.constant 64 : i32
        %mul3A_150 = arith.muli %scan3A_109, %mul3A_149 : i32
        %add3A_151 = arith.constant 48 : i32
        %add3A_152 = arith.addi %mul3A_150, %add3A_151 : i32
        %get3A_153 = arith.index_cast %add3A_152 : i32 to index
        %get3A_154 = tpu.vector_load %arg5[%get3A_153] {strides = array<i32>} : memref<32768xi32, #tpu.memory_space<vmem>>, vector<16xi32>,
        %shift_right_arithmetic3A_155 = arith.constant 8 : i32
        %shift_right_arithmetic3A_156 = vector.broadcast %shift_right_arithmetic3A_155 : i32 to vector<16xi32>
        %shift_right_arithmetic3A_157 = arith.shrsi %get3A_154, %shift_right_arithmetic3A_156 : vector<16xi32>
        %eq3A_158 = vector.broadcast %or3A : i32 to vector<16xi32>
        %eq3A_159 = arith.cmpi eq, %shift_right_arithmetic3A_157, %eq3A_158 : vector<16xi32>
        %and3A_160 = arith.constant 255 : i32
        %and3A_161 = vector.broadcast %and3A_160 : i32 to vector<16xi32>
        %and3A_162 = arith.andi %get3A_154, %and3A_161 : vector<16xi32>
        tpu.vector_store_idx %arg8[%and3A_162], %broadcast_in_dim3A_3 masked %eq3A_159 {add = true} : memref<256xi32, #tpu.memory_space<vmem>>[vector<16xi32>], vector<16xi32>, vector<16xi1>
        %scan3A_163 = arith.constant 0 : i32
        scf.yield %scan3A_163 : i32
      }
      %scan3A_81 = arith.constant 512 : i32
      %iota3A_82 = tpu.iota {dimensions = array<i32: 0>} : vector<16xi32>
      %while3A_83 = arith.constant 15 : i32
      %while3A_84 = arith.constant 0 : i32
      %while3A_85 = arith.constant -1 : i32
      %while3A_86:3 = scf.while (%while3A_109 = %while3A_83, %while3A_110 = %while3A_84, %while3A_111 = %while3A_85) : (i32, i32, i32) -> (i32, i32, i32) {
        %lt3A = arith.constant 0 : i32
        %lt3A_112 = arith.cmpi slt, %while3A_111, %lt3A : i32
        %ge3A = arith.constant 0 : i32
        %ge3A_113 = arith.cmpi sge, %while3A_109, %ge3A : i32
        %and3A = arith.andi %lt3A_112, %ge3A_113 : i1
        scf.condition(%and3A) %while3A_109, %while3A_110, %while3A_111 : i32, i32, i32
      } do {
      ^bb0(%while3A_109: i32, %while3A_110: i32, %while3A_111: i32):
        %mul3A_112 = arith.constant 16 : i32
        %mul3A_113 = arith.muli %while3A_109, %mul3A_112 : i32
        %get3A = arith.index_cast %mul3A_113 : i32 to index
        %get3A_114 = tpu.vector_load %arg8[%get3A] {strides = array<i32>} : memref<256xi32, #tpu.memory_space<vmem>>, vector<16xi32>,
        %rev3A = arith.constant 15 : i32
        %rev3A_115 = vector.broadcast %rev3A : i32 to vector<16xi32>
        %rev3A_116 = tpu.iota {dimensions = array<i32: 0>} : vector<16xi32>
        %rev3A_117 = arith.subi %rev3A_115, %rev3A_116 : vector<16xi32>
        %rev3A_118 = tpu.dynamic_gather %get3A_114[%rev3A_117] in [0] : vector<16xi32>, vector<16xi32> -> vector<16xi32>
        %broadcast_in_dim3A_119 = arith.constant true
        %broadcast_in_dim3A_120 = vector.broadcast %broadcast_in_dim3A_119 : i1 to vector<16xi1>
        %masked_cumsum3A = tpu.scan <sum>, %rev3A_118 masked %broadcast_in_dim3A_120 : vector<16xi32>, vector<16xi1> -> vector<16xi32>
        %add3A_121 = vector.broadcast %while3A_110 : i32 to vector<16xi32>
        %add3A_122 = arith.addi %masked_cumsum3A, %add3A_121 : vector<16xi32>
        %add3A_123 = vector.broadcast %add3A_73 : i32 to vector<16xi32>
        %add3A_124 = arith.addi %add3A_122, %add3A_123 : vector<16xi32>
        %ge3A = vector.broadcast %scan3A : i32 to vector<16xi32>
        %ge3A_125 = arith.cmpi sge, %add3A_124, %ge3A : vector<16xi32>
        %convert_element_type3A = arith.extui %ge3A_125 : vector<16xi1> to vector<16xi32>
        %reduce_sum3A = arith.constant true
        %reduce_sum3A_126 = vector.broadcast %reduce_sum3A : i1 to vector<16xi1>
        %reduce_sum3A_127 = tpu.scan <sum>, %convert_element_type3A masked %reduce_sum3A_126 : vector<16xi32>, vector<16xi1> -> vector<16xi32>
        %reduce_sum3A_128 = vector.extract %reduce_sum3A_127[15] : i32 from vector<16xi32>
        %gt3A = arith.constant 0 : i32
        %gt3A_129 = arith.cmpi sgt, %reduce_sum3A_128, %gt3A : i32
        %jit3A = arith.constant 16 : i32
        %broadcast_in_dim3A_130 = vector.broadcast %jit3A : i32 to vector<16xi32>
        %select_n3A = arith.select %ge3A_125, %iota3A_82, %broadcast_in_dim3A_130 : vector<16xi1>, vector<16xi32>
        %reduce_min3A = arith.constant true
        %reduce_min3A_131 = vector.broadcast %reduce_min3A : i1 to vector<16xi1>
        %reduce_min3A_132 = arith.constant -2147483648 : i32
        %reduce_min3A_133 = vector.broadcast %reduce_min3A_132 : i32 to vector<16xi32>
        %reduce_min3A_134 = arith.xori %select_n3A, %reduce_min3A_133 : vector<16xi32>
        %reduce_min3A_135 = tpu.scan <min>, %reduce_min3A_134 masked %reduce_min3A_131 : vector<16xi32>, vector<16xi1> -> vector<16xi32>
        %reduce_min3A_136 = arith.xori %reduce_min3A_135, %reduce_min3A_133 : vector<16xi32>
        %reduce_min3A_137 = vector.extract %reduce_min3A_136[15] : i32 from vector<16xi32>
        %mul3A_138 = arith.constant 16 : i32
        %mul3A_139 = arith.muli %mul3A_138, %while3A_109 : i32
        %add3A_140 = arith.constant 15 : i32
        %add3A_141 = arith.addi %mul3A_139, %add3A_140 : i32
        %sub3A_142 = arith.subi %add3A_141, %reduce_min3A_137 : i32
        %sub3A_143 = arith.constant 1 : i32
        %sub3A_144 = arith.subi %while3A_109, %sub3A_143 : i32
        %reduce_sum3A_145 = arith.constant true
        %reduce_sum3A_146 = vector.broadcast %reduce_sum3A_145 : i1 to vector<16xi1>
        %reduce_sum3A_147 = tpu.scan <sum>, %get3A_114 masked %reduce_sum3A_146 : vector<16xi32>, vector<16xi1> -> vector<16xi32>
        %reduce_sum3A_148 = vector.extract %reduce_sum3A_147[15] : i32 from vector<16xi32>
        %add3A_149 = arith.addi %while3A_110, %reduce_sum3A_148 : i32
        %jit3A_150 = arith.constant -1 : i32
        %select_n3A_151 = arith.select %gt3A_129, %sub3A_142, %jit3A_150 : i32
        scf.yield %sub3A_144, %add3A_149, %select_n3A_151 : i32, i32, i32
      }
      %max3A_87 = arith.constant 0 : i32
      %max3A_88 = arith.maxsi %while3A_86#2, %max3A_87 : i32
      %iota3A_89 = tpu.iota {dimensions = array<i32: 0>} : vector<16xi32>
      %scan3A_90 = arith.constant 0 : i32
      %scan3A_91 = arith.constant 0 : i32
      %scan3A_92 = arith.constant 16 : i32
      %scan3A_93 = arith.addi %scan3A_91, %scan3A_92 : i32
      %scan3A_94 = arith.constant 1 : i32
      %scan3A_95 = scf.for %scan3A_109 = %scan3A_91 to %scan3A_93 step %scan3A_94 iter_args(%scan3A_110 = %scan3A_90) -> (i32)  : i32 {
        %mul3A_111 = arith.constant 16 : i32
        %mul3A_112 = arith.muli %scan3A_109, %mul3A_111 : i32
        %get3A = arith.index_cast %mul3A_112 : i32 to index
        %get3A_113 = tpu.vector_load %arg8[%get3A] {strides = array<i32>} : memref<256xi32, #tpu.memory_space<vmem>>, vector<16xi32>,
        %mul3A_114 = arith.constant 16 : i32
        %mul3A_115 = arith.muli %mul3A_114, %scan3A_109 : i32
        %add3A_116 = vector.broadcast %mul3A_115 : i32 to vector<16xi32>
        %add3A_117 = arith.addi %iota3A_89, %add3A_116 : vector<16xi32>
        %gt3A = vector.broadcast %max3A_88 : i32 to vector<16xi32>
        %gt3A_118 = arith.cmpi sgt, %add3A_117, %gt3A : vector<16xi32>
        %jit3A = arith.constant 0 : i32
        %broadcast_in_dim3A_119 = vector.broadcast %jit3A : i32 to vector<16xi32>
        %select_n3A = arith.select %gt3A_118, %get3A_113, %broadcast_in_dim3A_119 : vector<16xi1>, vector<16xi32>
        %reduce_sum3A = arith.constant true
        %reduce_sum3A_120 = vector.broadcast %reduce_sum3A : i1 to vector<16xi1>
        %reduce_sum3A_121 = tpu.scan <sum>, %select_n3A masked %reduce_sum3A_120 : vector<16xi32>, vector<16xi1> -> vector<16xi32>
        %reduce_sum3A_122 = vector.extract %reduce_sum3A_121[15] : i32 from vector<16xi32>
        %add3A_123 = arith.addi %scan3A_110, %reduce_sum3A_122 : i32
        scf.yield %add3A_123 : i32
      }
      %scan3A_96 = arith.constant 16 : i32
      %add3A_97 = arith.addi %add3A_73, %scan3A_95 : i32
      %shift_left3A_98 = arith.constant 8 : i32
      %shift_left3A_99 = arith.shli %or3A, %shift_left3A_98 : i32
      %or3A_100 = arith.ori %shift_left3A_99, %max3A_88 : i32
      %sub3A = arith.subi %scan3A, %add3A_97 : i32
      %scan3A_101 = arith.constant 0 : i32
      %scan3A_102 = arith.constant 0 : i32
      %scan3A_103 = arith.constant 512 : i32
      %scan3A_104 = arith.addi %scan3A_102, %scan3A_103 : i32
      %scan3A_105 = arith.constant 1 : i32
      %scan3A_106:2 = scf.for %scan3A_109 = %scan3A_102 to %scan3A_104 step %scan3A_105 iter_args(%scan3A_110 = %scan3A_101, %scan3A_111 = %sub3A) -> (i32, i32)  : i32 {
        %mul3A_112 = arith.constant 64 : i32
        %mul3A_113 = arith.muli %scan3A_109, %mul3A_112 : i32
        %add3A_114 = arith.constant 0 : i32
        %add3A_115 = arith.addi %mul3A_113, %add3A_114 : i32
        %get3A = arith.index_cast %add3A_115 : i32 to index
        %get3A_116 = tpu.vector_load %arg5[%get3A] {strides = array<i32>} : memref<32768xi32, #tpu.memory_space<vmem>>, vector<16xi32>,
        %gt3A = vector.broadcast %or3A_100 : i32 to vector<16xi32>
        %gt3A_117 = arith.cmpi sgt, %get3A_116, %gt3A : vector<16xi32>
        %eq3A = vector.broadcast %or3A_100 : i32 to vector<16xi32>
        %eq3A_118 = arith.cmpi eq, %get3A_116, %eq3A : vector<16xi32>
        %convert_element_type3A = arith.extui %eq3A_118 : vector<16xi1> to vector<16xi32>
        %broadcast_in_dim3A_119 = arith.constant true
        %broadcast_in_dim3A_120 = vector.broadcast %broadcast_in_dim3A_119 : i1 to vector<16xi1>
        %masked_cumsum3A = tpu.scan <sum>, %convert_element_type3A masked %broadcast_in_dim3A_120 : vector<16xi32>, vector<16xi1> -> vector<16xi32>
        %convert_element_type3A_121 = arith.extui %eq3A_118 : vector<16xi1> to vector<16xi32>
        %sub3A_122 = arith.subi %masked_cumsum3A, %convert_element_type3A_121 : vector<16xi32>
        %lt3A = vector.broadcast %scan3A_111 : i32 to vector<16xi32>
        %lt3A_123 = arith.cmpi slt, %sub3A_122, %lt3A : vector<16xi32>
        %and3A = arith.andi %eq3A_118, %lt3A_123 : vector<16xi1>
        %or3A_124 = arith.ori %gt3A_117, %and3A : vector<16xi1>
        %mul3A_125 = arith.constant 4 : i32
        %mul3A_126 = arith.muli %mul3A_125, %scan3A_109 : i32
        %add3A_127 = arith.constant 0 : i32
        %add3A_128 = arith.addi %mul3A_126, %add3A_127 : i32
        %mul3A_129 = arith.constant 16 : i32
        %mul3A_130 = arith.muli %mul3A_129, %add3A_128 : i32
        %add3A_131 = vector.broadcast %mul3A_130 : i32 to vector<16xi32>
        %add3A_132 = arith.addi %iota3A, %add3A_131 : vector<16xi32>
        %swap3A = arith.index_cast %scan3A_110 : i32 to index
        %swap3A_133 = tpu.vector_load %arg9[%swap3A] masked %or3A_124 {strides = array<i32>} : memref<528xi32, #tpu.memory_space<vmem>>, vector<16xi32>, vector<16xi1>
        tpu.vector_store %arg9[%swap3A], %add3A_132 masked %or3A_124 {strides = array<i32>} : memref<528xi32, #tpu.memory_space<vmem>>, vector<16xi32>, vector<16xi1>
        %swap3A_134 = arith.index_cast %scan3A_110 : i32 to index
        %swap3A_135 = tpu.vector_load %arg10[%swap3A_134] masked %or3A_124 {strides = array<i32>} : memref<528xi32, #tpu.memory_space<vmem>>, vector<16xi32>, vector<16xi1>
        tpu.vector_store %arg10[%swap3A_134], %get3A_116 masked %or3A_124 {strides = array<i32>} : memref<528xi32, #tpu.memory_space<vmem>>, vector<16xi32>, vector<16xi1>
        %convert_element_type3A_136 = arith.extui %or3A_124 : vector<16xi1> to vector<16xi32>
        %reduce_sum3A = arith.constant true
        %reduce_sum3A_137 = vector.broadcast %reduce_sum3A : i1 to vector<16xi1>
        %reduce_sum3A_138 = tpu.scan <sum>, %convert_element_type3A_136 masked %reduce_sum3A_137 : vector<16xi32>, vector<16xi1> -> vector<16xi32>
        %reduce_sum3A_139 = vector.extract %reduce_sum3A_138[15] : i32 from vector<16xi32>
        %add3A_140 = arith.addi %scan3A_110, %reduce_sum3A_139 : i32
        %convert_element_type3A_141 = arith.extui %and3A : vector<16xi1> to vector<16xi32>
        %reduce_sum3A_142 = arith.constant true
        %reduce_sum3A_143 = vector.broadcast %reduce_sum3A_142 : i1 to vector<16xi1>
        %reduce_sum3A_144 = tpu.scan <sum>, %convert_element_type3A_141 masked %reduce_sum3A_143 : vector<16xi32>, vector<16xi1> -> vector<16xi32>
        %reduce_sum3A_145 = vector.extract %reduce_sum3A_144[15] : i32 from vector<16xi32>
        %sub3A_146 = arith.subi %scan3A_111, %reduce_sum3A_145 : i32
        %mul3A_147 = arith.constant 64 : i32
        %mul3A_148 = arith.muli %scan3A_109, %mul3A_147 : i32
        %add3A_149 = arith.constant 16 : i32
        %add3A_150 = arith.addi %mul3A_148, %add3A_149 : i32
        %get3A_151 = arith.index_cast %add3A_150 : i32 to index
        %get3A_152 = tpu.vector_load %arg5[%get3A_151] {strides = array<i32>} : memref<32768xi32, #tpu.memory_space<vmem>>, vector<16xi32>,
        %gt3A_153 = vector.broadcast %or3A_100 : i32 to vector<16xi32>
        %gt3A_154 = arith.cmpi sgt, %get3A_152, %gt3A_153 : vector<16xi32>
        %eq3A_155 = vector.broadcast %or3A_100 : i32 to vector<16xi32>
        %eq3A_156 = arith.cmpi eq, %get3A_152, %eq3A_155 : vector<16xi32>
        %convert_element_type3A_157 = arith.extui %eq3A_156 : vector<16xi1> to vector<16xi32>
        %broadcast_in_dim3A_158 = arith.constant true
        %broadcast_in_dim3A_159 = vector.broadcast %broadcast_in_dim3A_158 : i1 to vector<16xi1>
        %masked_cumsum3A_160 = tpu.scan <sum>, %convert_element_type3A_157 masked %broadcast_in_dim3A_159 : vector<16xi32>, vector<16xi1> -> vector<16xi32>
        %convert_element_type3A_161 = arith.extui %eq3A_156 : vector<16xi1> to vector<16xi32>
        %sub3A_162 = arith.subi %masked_cumsum3A_160, %convert_element_type3A_161 : vector<16xi32>
        %lt3A_163 = vector.broadcast %sub3A_146 : i32 to vector<16xi32>
        %lt3A_164 = arith.cmpi slt, %sub3A_162, %lt3A_163 : vector<16xi32>
        %and3A_165 = arith.andi %eq3A_156, %lt3A_164 : vector<16xi1>
        %or3A_166 = arith.ori %gt3A_154, %and3A_165 : vector<16xi1>
        %mul3A_167 = arith.constant 4 : i32
        %mul3A_168 = arith.muli %mul3A_167, %scan3A_109 : i32
        %add3A_169 = arith.constant 1 : i32
        %add3A_170 = arith.addi %mul3A_168, %add3A_169 : i32
        %mul3A_171 = arith.constant 16 : i32
        %mul3A_172 = arith.muli %mul3A_171, %add3A_170 : i32
        %add3A_173 = vector.broadcast %mul3A_172 : i32 to vector<16xi32>
        %add3A_174 = arith.addi %iota3A, %add3A_173 : vector<16xi32>
        %swap3A_175 = arith.index_cast %add3A_140 : i32 to index
        %swap3A_176 = tpu.vector_load %arg9[%swap3A_175] masked %or3A_166 {strides = array<i32>} : memref<528xi32, #tpu.memory_space<vmem>>, vector<16xi32>, vector<16xi1>
        tpu.vector_store %arg9[%swap3A_175], %add3A_174 masked %or3A_166 {strides = array<i32>} : memref<528xi32, #tpu.memory_space<vmem>>, vector<16xi32>, vector<16xi1>
        %swap3A_177 = arith.index_cast %add3A_140 : i32 to index
        %swap3A_178 = tpu.vector_load %arg10[%swap3A_177] masked %or3A_166 {strides = array<i32>} : memref<528xi32, #tpu.memory_space<vmem>>, vector<16xi32>, vector<16xi1>
        tpu.vector_store %arg10[%swap3A_177], %get3A_152 masked %or3A_166 {strides = array<i32>} : memref<528xi32, #tpu.memory_space<vmem>>, vector<16xi32>, vector<16xi1>
        %convert_element_type3A_179 = arith.extui %or3A_166 : vector<16xi1> to vector<16xi32>
        %reduce_sum3A_180 = arith.constant true
        %reduce_sum3A_181 = vector.broadcast %reduce_sum3A_180 : i1 to vector<16xi1>
        %reduce_sum3A_182 = tpu.scan <sum>, %convert_element_type3A_179 masked %reduce_sum3A_181 : vector<16xi32>, vector<16xi1> -> vector<16xi32>
        %reduce_sum3A_183 = vector.extract %reduce_sum3A_182[15] : i32 from vector<16xi32>
        %add3A_184 = arith.addi %add3A_140, %reduce_sum3A_183 : i32
        %convert_element_type3A_185 = arith.extui %and3A_165 : vector<16xi1> to vector<16xi32>
        %reduce_sum3A_186 = arith.constant true
        %reduce_sum3A_187 = vector.broadcast %reduce_sum3A_186 : i1 to vector<16xi1>
        %reduce_sum3A_188 = tpu.scan <sum>, %convert_element_type3A_185 masked %reduce_sum3A_187 : vector<16xi32>, vector<16xi1> -> vector<16xi32>
        %reduce_sum3A_189 = vector.extract %reduce_sum3A_188[15] : i32 from vector<16xi32>
        %sub3A_190 = arith.subi %sub3A_146, %reduce_sum3A_189 : i32
        %mul3A_191 = arith.constant 64 : i32
        %mul3A_192 = arith.muli %scan3A_109, %mul3A_191 : i32
        %add3A_193 = arith.constant 32 : i32
        %add3A_194 = arith.addi %mul3A_192, %add3A_193 : i32
        %get3A_195 = arith.index_cast %add3A_194 : i32 to index
        %get3A_196 = tpu.vector_load %arg5[%get3A_195] {strides = array<i32>} : memref<32768xi32, #tpu.memory_space<vmem>>, vector<16xi32>,
        %gt3A_197 = vector.broadcast %or3A_100 : i32 to vector<16xi32>
        %gt3A_198 = arith.cmpi sgt, %get3A_196, %gt3A_197 : vector<16xi32>
        %eq3A_199 = vector.broadcast %or3A_100 : i32 to vector<16xi32>
        %eq3A_200 = arith.cmpi eq, %get3A_196, %eq3A_199 : vector<16xi32>
        %convert_element_type3A_201 = arith.extui %eq3A_200 : vector<16xi1> to vector<16xi32>
        %broadcast_in_dim3A_202 = arith.constant true
        %broadcast_in_dim3A_203 = vector.broadcast %broadcast_in_dim3A_202 : i1 to vector<16xi1>
        %masked_cumsum3A_204 = tpu.scan <sum>, %convert_element_type3A_201 masked %broadcast_in_dim3A_203 : vector<16xi32>, vector<16xi1> -> vector<16xi32>
        %convert_element_type3A_205 = arith.extui %eq3A_200 : vector<16xi1> to vector<16xi32>
        %sub3A_206 = arith.subi %masked_cumsum3A_204, %convert_element_type3A_205 : vector<16xi32>
        %lt3A_207 = vector.broadcast %sub3A_190 : i32 to vector<16xi32>
        %lt3A_208 = arith.cmpi slt, %sub3A_206, %lt3A_207 : vector<16xi32>
        %and3A_209 = arith.andi %eq3A_200, %lt3A_208 : vector<16xi1>
        %or3A_210 = arith.ori %gt3A_198, %and3A_209 : vector<16xi1>
        %mul3A_211 = arith.constant 4 : i32
        %mul3A_212 = arith.muli %mul3A_211, %scan3A_109 : i32
        %add3A_213 = arith.constant 2 : i32
        %add3A_214 = arith.addi %mul3A_212, %add3A_213 : i32
        %mul3A_215 = arith.constant 16 : i32
        %mul3A_216 = arith.muli %mul3A_215, %add3A_214 : i32
        %add3A_217 = vector.broadcast %mul3A_216 : i32 to vector<16xi32>
        %add3A_218 = arith.addi %iota3A, %add3A_217 : vector<16xi32>
        %swap3A_219 = arith.index_cast %add3A_184 : i32 to index
        %swap3A_220 = tpu.vector_load %arg9[%swap3A_219] masked %or3A_210 {strides = array<i32>} : memref<528xi32, #tpu.memory_space<vmem>>, vector<16xi32>, vector<16xi1>
        tpu.vector_store %arg9[%swap3A_219], %add3A_218 masked %or3A_210 {strides = array<i32>} : memref<528xi32, #tpu.memory_space<vmem>>, vector<16xi32>, vector<16xi1>
        %swap3A_221 = arith.index_cast %add3A_184 : i32 to index
        %swap3A_222 = tpu.vector_load %arg10[%swap3A_221] masked %or3A_210 {strides = array<i32>} : memref<528xi32, #tpu.memory_space<vmem>>, vector<16xi32>, vector<16xi1>
        tpu.vector_store %arg10[%swap3A_221], %get3A_196 masked %or3A_210 {strides = array<i32>} : memref<528xi32, #tpu.memory_space<vmem>>, vector<16xi32>, vector<16xi1>
        %convert_element_type3A_223 = arith.extui %or3A_210 : vector<16xi1> to vector<16xi32>
        %reduce_sum3A_224 = arith.constant true
        %reduce_sum3A_225 = vector.broadcast %reduce_sum3A_224 : i1 to vector<16xi1>
        %reduce_sum3A_226 = tpu.scan <sum>, %convert_element_type3A_223 masked %reduce_sum3A_225 : vector<16xi32>, vector<16xi1> -> vector<16xi32>
        %reduce_sum3A_227 = vector.extract %reduce_sum3A_226[15] : i32 from vector<16xi32>
        %add3A_228 = arith.addi %add3A_184, %reduce_sum3A_227 : i32
        %convert_element_type3A_229 = arith.extui %and3A_209 : vector<16xi1> to vector<16xi32>
        %reduce_sum3A_230 = arith.constant true
        %reduce_sum3A_231 = vector.broadcast %reduce_sum3A_230 : i1 to vector<16xi1>
        %reduce_sum3A_232 = tpu.scan <sum>, %convert_element_type3A_229 masked %reduce_sum3A_231 : vector<16xi32>, vector<16xi1> -> vector<16xi32>
        %reduce_sum3A_233 = vector.extract %reduce_sum3A_232[15] : i32 from vector<16xi32>
        %sub3A_234 = arith.subi %sub3A_190, %reduce_sum3A_233 : i32
        %mul3A_235 = arith.constant 64 : i32
        %mul3A_236 = arith.muli %scan3A_109, %mul3A_235 : i32
        %add3A_237 = arith.constant 48 : i32
        %add3A_238 = arith.addi %mul3A_236, %add3A_237 : i32
        %get3A_239 = arith.index_cast %add3A_238 : i32 to index
        %get3A_240 = tpu.vector_load %arg5[%get3A_239] {strides = array<i32>} : memref<32768xi32, #tpu.memory_space<vmem>>, vector<16xi32>,
        %gt3A_241 = vector.broadcast %or3A_100 : i32 to vector<16xi32>
        %gt3A_242 = arith.cmpi sgt, %get3A_240, %gt3A_241 : vector<16xi32>
        %eq3A_243 = vector.broadcast %or3A_100 : i32 to vector<16xi32>
        %eq3A_244 = arith.cmpi eq, %get3A_240, %eq3A_243 : vector<16xi32>
        %convert_element_type3A_245 = arith.extui %eq3A_244 : vector<16xi1> to vector<16xi32>
        %broadcast_in_dim3A_246 = arith.constant true
        %broadcast_in_dim3A_247 = vector.broadcast %broadcast_in_dim3A_246 : i1 to vector<16xi1>
        %masked_cumsum3A_248 = tpu.scan <sum>, %convert_element_type3A_245 masked %broadcast_in_dim3A_247 : vector<16xi32>, vector<16xi1> -> vector<16xi32>
        %convert_element_type3A_249 = arith.extui %eq3A_244 : vector<16xi1> to vector<16xi32>
        %sub3A_250 = arith.subi %masked_cumsum3A_248, %convert_element_type3A_249 : vector<16xi32>
        %lt3A_251 = vector.broadcast %sub3A_234 : i32 to vector<16xi32>
        %lt3A_252 = arith.cmpi slt, %sub3A_250, %lt3A_251 : vector<16xi32>
        %and3A_253 = arith.andi %eq3A_244, %lt3A_252 : vector<16xi1>
        %or3A_254 = arith.ori %gt3A_242, %and3A_253 : vector<16xi1>
        %mul3A_255 = arith.constant 4 : i32
        %mul3A_256 = arith.muli %mul3A_255, %scan3A_109 : i32
        %add3A_257 = arith.constant 3 : i32
        %add3A_258 = arith.addi %mul3A_256, %add3A_257 : i32
        %mul3A_259 = arith.constant 16 : i32
        %mul3A_260 = arith.muli %mul3A_259, %add3A_258 : i32
        %add3A_261 = vector.broadcast %mul3A_260 : i32 to vector<16xi32>
        %add3A_262 = arith.addi %iota3A, %add3A_261 : vector<16xi32>
        %swap3A_263 = arith.index_cast %add3A_228 : i32 to index
        %swap3A_264 = tpu.vector_load %arg9[%swap3A_263] masked %or3A_254 {strides = array<i32>} : memref<528xi32, #tpu.memory_space<vmem>>, vector<16xi32>, vector<16xi1>
        tpu.vector_store %arg9[%swap3A_263], %add3A_262 masked %or3A_254 {strides = array<i32>} : memref<528xi32, #tpu.memory_space<vmem>>, vector<16xi32>, vector<16xi1>
        %swap3A_265 = arith.index_cast %add3A_228 : i32 to index
        %swap3A_266 = tpu.vector_load %arg10[%swap3A_265] masked %or3A_254 {strides = array<i32>} : memref<528xi32, #tpu.memory_space<vmem>>, vector<16xi32>, vector<16xi1>
        tpu.vector_store %arg10[%swap3A_265], %get3A_240 masked %or3A_254 {strides = array<i32>} : memref<528xi32, #tpu.memory_space<vmem>>, vector<16xi32>, vector<16xi1>
        %convert_element_type3A_267 = arith.extui %or3A_254 : vector<16xi1> to vector<16xi32>
        %reduce_sum3A_268 = arith.constant true
        %reduce_sum3A_269 = vector.broadcast %reduce_sum3A_268 : i1 to vector<16xi1>
        %reduce_sum3A_270 = tpu.scan <sum>, %convert_element_type3A_267 masked %reduce_sum3A_269 : vector<16xi32>, vector<16xi1> -> vector<16xi32>
        %reduce_sum3A_271 = vector.extract %reduce_sum3A_270[15] : i32 from vector<16xi32>
        %add3A_272 = arith.addi %add3A_228, %reduce_sum3A_271 : i32
        %convert_element_type3A_273 = arith.extui %and3A_253 : vector<16xi1> to vector<16xi32>
        %reduce_sum3A_274 = arith.constant true
        %reduce_sum3A_275 = vector.broadcast %reduce_sum3A_274 : i1 to vector<16xi1>
        %reduce_sum3A_276 = tpu.scan <sum>, %convert_element_type3A_273 masked %reduce_sum3A_275 : vector<16xi32>, vector<16xi1> -> vector<16xi32>
        %reduce_sum3A_277 = vector.extract %reduce_sum3A_276[15] : i32 from vector<16xi32>
        %sub3A_278 = arith.subi %sub3A_234, %reduce_sum3A_277 : i32
        scf.yield %add3A_272, %sub3A_278 : i32, i32
      }
      %scan3A_107 = arith.constant 512 : i32
      "tpu.region"() ({
        %run_scoped3A = tpu.sem_alloc : memref<!tpu.dma_semaphore, #tpu.memory_space<semaphore_mem>>
        %dma_start3A = arith.constant 0 : i32
        %dma_start3A_109 = tpu.memref_slice %arg9[%dma_start3A] : memref<528xi32, #tpu.memory_space<vmem>> -> memref<512xi32, #tpu.memory_space<vmem>>
        %dma_start3A_110 = arith.constant 0 : i32
        %dma_start3A_111 = tpu.memref_slice %arg3[%add3A_15, %dma_start3A_110] : memref<64x512xi32, #tpu.memory_space<hbm>> -> memref<1x512xi32, #tpu.memory_space<hbm>>
        %dma_start3A_112 = tpu.memref_squeeze %dma_start3A_111 : memref<1x512xi32, #tpu.memory_space<hbm>> -> memref<512xi32, #tpu.memory_space<hbm>>
        %dma_start3A_113 = arith.constant 0 : i32
        %dma_start3A_114 = tpu.memref_slice %arg3[%add3A_15, %dma_start3A_113] : memref<64x512xi32, #tpu.memory_space<hbm>> -> memref<1x512xi32, #tpu.memory_space<hbm>>
        %dma_start3A_115 = tpu.memref_squeeze %dma_start3A_114 : memref<1x512xi32, #tpu.memory_space<hbm>> -> memref<512xi32, #tpu.memory_space<hbm>>
        %dma_start3A_116 = arith.constant 0 : i32
        %dma_start3A_117 = tpu.memref_slice %arg9[%dma_start3A_116] : memref<528xi32, #tpu.memory_space<vmem>> -> memref<512xi32, #tpu.memory_space<vmem>>
        tpu.enqueue_dma source(%dma_start3A_117 : memref<512xi32, #tpu.memory_space<vmem>>) target(%dma_start3A_115 : memref<512xi32, #tpu.memory_space<hbm>>) target_semaphore(%run_scoped3A : memref<!tpu.dma_semaphore, #tpu.memory_space<semaphore_mem>>)
        %dma_wait3A = arith.constant 0 : i32
        %dma_wait3A_118 = tpu.memref_slice %arg9[%dma_wait3A] : memref<528xi32, #tpu.memory_space<vmem>> -> memref<512xi32, #tpu.memory_space<vmem>>
        %dma_wait3A_119 = arith.constant 0 : i32
        %dma_wait3A_120 = tpu.memref_slice %arg3[%add3A_15, %dma_wait3A_119] : memref<64x512xi32, #tpu.memory_space<hbm>> -> memref<1x512xi32, #tpu.memory_space<hbm>>
        %dma_wait3A_121 = tpu.memref_squeeze %dma_wait3A_120 : memref<1x512xi32, #tpu.memory_space<hbm>> -> memref<512xi32, #tpu.memory_space<hbm>>
        %dma_wait3A_122 = arith.constant 0 : i32
        %dma_wait3A_123 = tpu.memref_slice %arg3[%add3A_15, %dma_wait3A_122] : memref<64x512xi32, #tpu.memory_space<hbm>> -> memref<1x512xi32, #tpu.memory_space<hbm>>
        %dma_wait3A_124 = tpu.memref_squeeze %dma_wait3A_123 : memref<1x512xi32, #tpu.memory_space<hbm>> -> memref<512xi32, #tpu.memory_space<hbm>>
        %dma_wait3A_125 = arith.constant 0 : i32
        %dma_wait3A_126 = tpu.memref_slice %arg9[%dma_wait3A_125] : memref<528xi32, #tpu.memory_space<vmem>> -> memref<512xi32, #tpu.memory_space<vmem>>
        tpu.wait_dma2 semaphore(%run_scoped3A : memref<!tpu.dma_semaphore, #tpu.memory_space<semaphore_mem>>) src(%dma_wait3A_126 : memref<512xi32, #tpu.memory_space<vmem>>) dst(%dma_wait3A_124 : memref<512xi32, #tpu.memory_space<hbm>>)
        tpu.yield
      }) : () -> ()
      "tpu.region"() ({
        %run_scoped3A = tpu.sem_alloc : memref<!tpu.dma_semaphore, #tpu.memory_space<semaphore_mem>>
        %dma_start3A = arith.constant 0 : i32
        %dma_start3A_109 = tpu.memref_slice %arg10[%dma_start3A] : memref<528xi32, #tpu.memory_space<vmem>> -> memref<512xi32, #tpu.memory_space<vmem>>
        %dma_start3A_110 = arith.constant 0 : i32
        %dma_start3A_111 = tpu.memref_slice %arg4[%add3A_15, %dma_start3A_110] : memref<64x512xi32, #tpu.memory_space<hbm>> -> memref<1x512xi32, #tpu.memory_space<hbm>>
        %dma_start3A_112 = tpu.memref_squeeze %dma_start3A_111 : memref<1x512xi32, #tpu.memory_space<hbm>> -> memref<512xi32, #tpu.memory_space<hbm>>
        %dma_start3A_113 = arith.constant 0 : i32
        %dma_start3A_114 = tpu.memref_slice %arg4[%add3A_15, %dma_start3A_113] : memref<64x512xi32, #tpu.memory_space<hbm>> -> memref<1x512xi32, #tpu.memory_space<hbm>>
        %dma_start3A_115 = tpu.memref_squeeze %dma_start3A_114 : memref<1x512xi32, #tpu.memory_space<hbm>> -> memref<512xi32, #tpu.memory_space<hbm>>
        %dma_start3A_116 = arith.constant 0 : i32
        %dma_start3A_117 = tpu.memref_slice %arg10[%dma_start3A_116] : memref<528xi32, #tpu.memory_space<vmem>> -> memref<512xi32, #tpu.memory_space<vmem>>
        tpu.enqueue_dma source(%dma_start3A_117 : memref<512xi32, #tpu.memory_space<vmem>>) target(%dma_start3A_115 : memref<512xi32, #tpu.memory_space<hbm>>) target_semaphore(%run_scoped3A : memref<!tpu.dma_semaphore, #tpu.memory_space<semaphore_mem>>)
        %dma_wait3A = arith.constant 0 : i32
        %dma_wait3A_118 = tpu.memref_slice %arg10[%dma_wait3A] : memref<528xi32, #tpu.memory_space<vmem>> -> memref<512xi32, #tpu.memory_space<vmem>>
        %dma_wait3A_119 = arith.constant 0 : i32
        %dma_wait3A_120 = tpu.memref_slice %arg4[%add3A_15, %dma_wait3A_119] : memref<64x512xi32, #tpu.memory_space<hbm>> -> memref<1x512xi32, #tpu.memory_space<hbm>>
        %dma_wait3A_121 = tpu.memref_squeeze %dma_wait3A_120 : memref<1x512xi32, #tpu.memory_space<hbm>> -> memref<512xi32, #tpu.memory_space<hbm>>
        %dma_wait3A_122 = arith.constant 0 : i32
        %dma_wait3A_123 = tpu.memref_slice %arg4[%add3A_15, %dma_wait3A_122] : memref<64x512xi32, #tpu.memory_space<hbm>> -> memref<1x512xi32, #tpu.memory_space<hbm>>
        %dma_wait3A_124 = tpu.memref_squeeze %dma_wait3A_123 : memref<1x512xi32, #tpu.memory_space<hbm>> -> memref<512xi32, #tpu.memory_space<hbm>>
        %dma_wait3A_125 = arith.constant 0 : i32
        %dma_wait3A_126 = tpu.memref_slice %arg10[%dma_wait3A_125] : memref<528xi32, #tpu.memory_space<vmem>> -> memref<512xi32, #tpu.memory_space<vmem>>
        tpu.wait_dma2 semaphore(%run_scoped3A : memref<!tpu.dma_semaphore, #tpu.memory_space<semaphore_mem>>) src(%dma_wait3A_126 : memref<512xi32, #tpu.memory_space<vmem>>) dst(%dma_wait3A_124 : memref<512xi32, #tpu.memory_space<hbm>>)
        tpu.yield
      }) : () -> ()
      %scan3A_108 = arith.constant 0 : i32
      scf.yield %scan3A_108 : i32
    }
    %scan3A_10 = arith.constant 2 : i32
    return
  }
}

#map = affine_map<(d0, d1) -> (0, 0)>
module attributes {stable_mosaic.version = 14 : i64} {
  func.func @_gather_body(%arg0: i32, %arg1: i32, %arg2: memref<32768x768xf32, #tpu.memory_space<hbm>>, %arg3: memref<256x128xi32, #tpu.memory_space<hbm>>, %arg4: memref<32768x768xf32, #tpu.memory_space<hbm>>, %arg5: memref<128xi32, #tpu.memory_space<vmem>>, %arg6: memref<128x768xf32, #tpu.memory_space<vmem>>, %arg7: memref<!tpu.dma_semaphore, #tpu.memory_space<semaphore_mem>>) attributes {dimension_semantics = [#tpu.dimension_semantics<core_parallel>, #tpu.dimension_semantics<subcore_parallel>], iteration_bounds = array<i64: 2, 16>, scalar_prefetch = 0 : i64, scratch_operands = 3 : i64, tpu.core_type = #tpu.core_type<sc_vector_subcore>, window_params = [{transform_indices = #map}, {transform_indices = #map}, {transform_indices = #map}]} {
    %mul3A = arith.constant 2 : i32
    %mul3A_0 = arith.muli %arg1, %mul3A : i32
    %add3A = arith.addi %mul3A_0, %arg0 : i32
    %scan3A = arith.constant 0 : i32
    %scan3A_1 = arith.constant 0 : i32
    %scan3A_2 = arith.constant 8 : i32
    %scan3A_3 = arith.addi %scan3A_1, %scan3A_2 : i32
    %scan3A_4 = arith.constant 1 : i32
    %scan3A_5 = scf.for %scan3A_7 = %scan3A_1 to %scan3A_3 step %scan3A_4 iter_args(%scan3A_8 = %scan3A) -> (i32)  : i32 {
      %mul3A_9 = arith.constant 8 : i32
      %mul3A_10 = arith.muli %add3A, %mul3A_9 : i32
      %add3A_11 = arith.addi %mul3A_10, %scan3A_7 : i32
      "tpu.region"() ({
        %run_scoped3A = tpu.sem_alloc : memref<!tpu.dma_semaphore, #tpu.memory_space<semaphore_mem>>
        %dma_start3A_19 = arith.constant 0 : i32
        %dma_start3A_20 = tpu.memref_slice %arg3[%add3A_11, %dma_start3A_19] : memref<256x128xi32, #tpu.memory_space<hbm>> -> memref<1x128xi32, #tpu.memory_space<hbm>>
        %dma_start3A_21 = tpu.memref_squeeze %dma_start3A_20 : memref<1x128xi32, #tpu.memory_space<hbm>> -> memref<128xi32, #tpu.memory_space<hbm>>
        %dma_start3A_22 = arith.constant 0 : i32
        %dma_start3A_23 = tpu.memref_slice %arg3[%add3A_11, %dma_start3A_22] : memref<256x128xi32, #tpu.memory_space<hbm>> -> memref<1x128xi32, #tpu.memory_space<hbm>>
        %dma_start3A_24 = tpu.memref_squeeze %dma_start3A_23 : memref<1x128xi32, #tpu.memory_space<hbm>> -> memref<128xi32, #tpu.memory_space<hbm>>
        tpu.enqueue_dma source(%dma_start3A_24 : memref<128xi32, #tpu.memory_space<hbm>>) target(%arg5 : memref<128xi32, #tpu.memory_space<vmem>>) target_semaphore(%run_scoped3A : memref<!tpu.dma_semaphore, #tpu.memory_space<semaphore_mem>>)
        %dma_wait3A_25 = arith.constant 0 : i32
        %dma_wait3A_26 = tpu.memref_slice %arg3[%add3A_11, %dma_wait3A_25] : memref<256x128xi32, #tpu.memory_space<hbm>> -> memref<1x128xi32, #tpu.memory_space<hbm>>
        %dma_wait3A_27 = tpu.memref_squeeze %dma_wait3A_26 : memref<1x128xi32, #tpu.memory_space<hbm>> -> memref<128xi32, #tpu.memory_space<hbm>>
        %dma_wait3A_28 = arith.constant 0 : i32
        %dma_wait3A_29 = tpu.memref_slice %arg3[%add3A_11, %dma_wait3A_28] : memref<256x128xi32, #tpu.memory_space<hbm>> -> memref<1x128xi32, #tpu.memory_space<hbm>>
        %dma_wait3A_30 = tpu.memref_squeeze %dma_wait3A_29 : memref<1x128xi32, #tpu.memory_space<hbm>> -> memref<128xi32, #tpu.memory_space<hbm>>
        tpu.wait_dma2 semaphore(%run_scoped3A : memref<!tpu.dma_semaphore, #tpu.memory_space<semaphore_mem>>) src(%dma_wait3A_30 : memref<128xi32, #tpu.memory_space<hbm>>) dst(%arg5 : memref<128xi32, #tpu.memory_space<vmem>>)
        tpu.yield
      }) : () -> ()
      %dma_start3A = arith.constant 0 : i32
      %dma_start3A_12 = arith.constant 0 : i32
      %dma_start3A_13 = tpu.memref_slice %arg2[%dma_start3A, %dma_start3A_12] : memref<32768x768xf32, #tpu.memory_space<hbm>> -> memref<32768x768xf32, #tpu.memory_space<hbm>>
      tpu.enqueue_indirect_dma source(%dma_start3A_13 : memref<32768x768xf32, #tpu.memory_space<hbm>>) target(%arg6 : memref<128x768xf32, #tpu.memory_space<vmem>>) offsets(%arg5 : memref<128xi32, #tpu.memory_space<vmem>>) semaphore(%arg7 : memref<!tpu.dma_semaphore, #tpu.memory_space<semaphore_mem>>)
      %dma_wait3A = arith.constant 0 : i32
      %dma_wait3A_14 = arith.constant 0 : i32
      %dma_wait3A_15 = tpu.memref_slice %arg2[%dma_wait3A, %dma_wait3A_14] : memref<32768x768xf32, #tpu.memory_space<hbm>> -> memref<32768x768xf32, #tpu.memory_space<hbm>>
      tpu.wait_indirect_dma semaphore(%arg7 : memref<!tpu.dma_semaphore, #tpu.memory_space<semaphore_mem>>) src(%dma_wait3A_15 : memref<32768x768xf32, #tpu.memory_space<hbm>>) dst(%arg6 : memref<128x768xf32, #tpu.memory_space<vmem>>)
      %mul3A_16 = arith.constant 128 : i32
      %mul3A_17 = arith.muli %add3A_11, %mul3A_16 : i32
      "tpu.region"() ({
        %run_scoped3A = tpu.sem_alloc : memref<!tpu.dma_semaphore, #tpu.memory_space<semaphore_mem>>
        %dma_start3A_19 = arith.constant 0 : i32
        %dma_start3A_20 = tpu.memref_slice %arg4[%mul3A_17, %dma_start3A_19] : memref<32768x768xf32, #tpu.memory_space<hbm>> -> memref<128x768xf32, #tpu.memory_space<hbm>>
        %dma_start3A_21 = arith.constant 0 : i32
        %dma_start3A_22 = tpu.memref_slice %arg4[%mul3A_17, %dma_start3A_21] : memref<32768x768xf32, #tpu.memory_space<hbm>> -> memref<128x768xf32, #tpu.memory_space<hbm>>
        tpu.enqueue_dma source(%arg6 : memref<128x768xf32, #tpu.memory_space<vmem>>) target(%dma_start3A_22 : memref<128x768xf32, #tpu.memory_space<hbm>>) target_semaphore(%run_scoped3A : memref<!tpu.dma_semaphore, #tpu.memory_space<semaphore_mem>>)
        %dma_wait3A_23 = arith.constant 0 : i32
        %dma_wait3A_24 = tpu.memref_slice %arg4[%mul3A_17, %dma_wait3A_23] : memref<32768x768xf32, #tpu.memory_space<hbm>> -> memref<128x768xf32, #tpu.memory_space<hbm>>
        %dma_wait3A_25 = arith.constant 0 : i32
        %dma_wait3A_26 = tpu.memref_slice %arg4[%mul3A_17, %dma_wait3A_25] : memref<32768x768xf32, #tpu.memory_space<hbm>> -> memref<128x768xf32, #tpu.memory_space<hbm>>
        tpu.wait_dma2 semaphore(%run_scoped3A : memref<!tpu.dma_semaphore, #tpu.memory_space<semaphore_mem>>) src(%arg6 : memref<128x768xf32, #tpu.memory_space<vmem>>) dst(%dma_wait3A_26 : memref<128x768xf32, #tpu.memory_space<hbm>>)
        tpu.yield
      }) : () -> ()
      %scan3A_18 = arith.constant 0 : i32
      scf.yield %scan3A_18 : i32
    }
    %scan3A_6 = arith.constant 8 : i32
    return
  }
}

module attributes {stable_mosaic.version = 14 : i64} {
  func.func @_router_body(%arg0: i32, %arg1: memref<2048x768xf32, #tpu.memory_space<vmem>>, %arg2: memref<64x768xf32, #tpu.memory_space<vmem>>, %arg3: memref<2048x64xf32, #tpu.memory_space<vmem>>, %arg4: memref<64x2048xf32, #tpu.memory_space<vmem>>) attributes {dimension_semantics = [#tpu.dimension_semantics<arbitrary>], iteration_bounds = array<i64: 16>, scalar_prefetch = 0 : i64, scratch_operands = 0 : i64, tpu.core_type = #tpu.core_type<tc>, window_params = [{transform_indices = @transform_0, window_bounds = array<i64: 2048, 768>}, {pipeline_mode = #tpu.pipeline_mode<synchronous>, transform_indices = @transform_1, window_bounds = array<i64: 64, 768>}, {transform_indices = @transform_2, window_bounds = array<i64: 2048, 64>}, {transform_indices = @transform_3, window_bounds = array<i64: 64, 2048>}]} {
    %get3A = arith.constant 0 : index
    %get3A_0 = arith.constant 0 : index
    %get3A_1 = vector.load %arg1[%get3A, %get3A_0] : memref<2048x768xf32, #tpu.memory_space<vmem>>, vector<2048x768xf32>
    %get3A_2 = arith.constant 0 : index
    %get3A_3 = arith.constant 0 : index
    %get3A_4 = vector.load %arg2[%get3A_2, %get3A_3] : memref<64x768xf32, #tpu.memory_space<vmem>>, vector<64x768xf32>
    %dot_general3A = arith.constant dense<0.000000e+00> : vector<2048x64xf32>
    %dot_general3A_5 = tpu.matmul %get3A_1, %get3A_4, %dot_general3A {dimension_numbers = #tpu.dot_dimension_numbers<[1], [1], [0], [0], [0, 0, 1, 0], [], []>, transpose_lhs_hint = false} : vector<2048x768xf32>, vector<64x768xf32>, vector<2048x64xf32> -> vector<2048x64xf32>
    %swap3A = arith.constant 0 : index
    %swap3A_6 = arith.constant 0 : index
    %swap3A_7 = vector.load %arg3[%swap3A, %swap3A_6] : memref<2048x64xf32, #tpu.memory_space<vmem>>, vector<2048x64xf32>
    tpu.vector_store %arg3[%swap3A, %swap3A_6], %dot_general3A_5 {strides = array<i32>} : memref<2048x64xf32, #tpu.memory_space<vmem>>, vector<2048x64xf32>,
    %reduce_max3A = arith.constant dense<0xFF800000> : vector<2048xf32>
    %reduce_max3A_8 = vector.multi_reduction <maximumf>, %dot_general3A_5, %reduce_max3A [1] : vector<2048x64xf32> to vector<2048xf32>
    %broadcast_in_dim3A = vector.shape_cast %reduce_max3A_8 : vector<2048xf32> to vector<2048x1xf32>
    %sub3A = vector.broadcast %broadcast_in_dim3A : vector<2048x1xf32> to vector<2048x64xf32>
    %sub3A_9 = arith.subf %dot_general3A_5, %sub3A : vector<2048x64xf32>
    %exp3A = math.exp %sub3A_9 : vector<2048x64xf32>
    %reduce_sum3A = arith.constant dense<0.000000e+00> : vector<2048xf32>
    %reduce_sum3A_10 = vector.multi_reduction <add>, %exp3A, %reduce_sum3A [1] : vector<2048x64xf32> to vector<2048xf32>
    %broadcast_in_dim3A_11 = vector.shape_cast %reduce_sum3A_10 : vector<2048xf32> to vector<2048x1xf32>
    %div3A = vector.broadcast %broadcast_in_dim3A_11 : vector<2048x1xf32> to vector<2048x64xf32>
    %div3A_12 = arith.divf %exp3A, %div3A : vector<2048x64xf32>
    %transpose3A = tpu.transpose %div3A_12, [1, 0] : vector<2048x64xf32> -> vector<64x2048xf32>
    %swap3A_13 = arith.constant 0 : index
    %swap3A_14 = arith.constant 0 : index
    %swap3A_15 = vector.load %arg4[%swap3A_13, %swap3A_14] : memref<64x2048xf32, #tpu.memory_space<vmem>>, vector<64x2048xf32>
    tpu.vector_store %arg4[%swap3A_13, %swap3A_14], %transpose3A {strides = array<i32>} : memref<64x2048xf32, #tpu.memory_space<vmem>>, vector<64x2048xf32>,
    return
  }
  func.func @transform_0(%arg0: i32) -> (i32, i32) {
    %c0_i32 = arith.constant 0 : i32
    %c0_i32_0 = arith.constant 0 : i32
    return %arg0, %c0_i32 : i32, i32
  }
  func.func @transform_1(%arg0: i32) -> (i32, i32) {
    %c0_i32 = arith.constant 0 : i32
    %c0_i32_0 = arith.constant 0 : i32
    %c0_i32_1 = arith.constant 0 : i32
    return %c0_i32, %c0_i32_0 : i32, i32
  }
  func.func @transform_2(%arg0: i32) -> (i32, i32) {
    %c0_i32 = arith.constant 0 : i32
    %c0_i32_0 = arith.constant 0 : i32
    return %arg0, %c0_i32 : i32, i32
  }
  func.func @transform_3(%arg0: i32) -> (i32, i32) {
    %c0_i32 = arith.constant 0 : i32
    %c0_i32_0 = arith.constant 0 : i32
    return %c0_i32, %arg0 : i32, i32
  }
}

module attributes {stable_mosaic.version = 14 : i64} {
  func.func @_mlp_body(%arg0: i32, %arg1: memref<1x512x768xf32, #tpu.memory_space<vmem>>, %arg2: memref<1x768x768xf32, #tpu.memory_space<vmem>>, %arg3: memref<1x1x768xf32, #tpu.memory_space<vmem>>, %arg4: memref<1x768x768xf32, #tpu.memory_space<vmem>>, %arg5: memref<1x1x768xf32, #tpu.memory_space<vmem>>, %arg6: memref<1x1x512xf32, #tpu.memory_space<vmem>>, %arg7: memref<512x768xf32, #tpu.memory_space<vmem>>) attributes {dimension_semantics = [#tpu.dimension_semantics<arbitrary>], iteration_bounds = array<i64: 64>, scalar_prefetch = 0 : i64, scratch_operands = 0 : i64, tpu.core_type = #tpu.core_type<tc>, window_params = [{transform_indices = @transform_0, window_bounds = array<i64: 1, 512, 768>}, {transform_indices = @transform_1, window_bounds = array<i64: 1, 768, 768>}, {transform_indices = @transform_2, window_bounds = array<i64: 1, 1, 768>}, {transform_indices = @transform_3, window_bounds = array<i64: 1, 768, 768>}, {transform_indices = @transform_4, window_bounds = array<i64: 1, 1, 768>}, {transform_indices = @transform_5, window_bounds = array<i64: 1, 1, 512>}, {transform_indices = @transform_6, window_bounds = array<i64: 512, 768>}]} {
    %get3A = arith.constant 0 : index
    %get3A_0 = arith.constant 0 : index
    %get3A_1 = arith.constant 0 : index
    %get3A_2 = vector.load %arg1[%get3A, %get3A_0, %get3A_1] : memref<1x512x768xf32, #tpu.memory_space<vmem>>, vector<1x512x768xf32>
    %get3A_3 = vector.shape_cast %get3A_2 : vector<1x512x768xf32> to vector<512x768xf32>
    %convert_element_type3A = arith.truncf %get3A_3 : vector<512x768xf32> to vector<512x768xbf16>
    %get3A_4 = arith.constant 0 : index
    %get3A_5 = arith.constant 0 : index
    %get3A_6 = arith.constant 0 : index
    %get3A_7 = vector.load %arg2[%get3A_4, %get3A_5, %get3A_6] : memref<1x768x768xf32, #tpu.memory_space<vmem>>, vector<1x768x768xf32>
    %get3A_8 = vector.shape_cast %get3A_7 : vector<1x768x768xf32> to vector<768x768xf32>
    %convert_element_type3A_9 = arith.truncf %get3A_8 : vector<768x768xf32> to vector<768x768xbf16>
    %dot_general3A = arith.constant dense<0.000000e+00> : vector<512x768xf32>
    %dot_general3A_10 = tpu.matmul %convert_element_type3A, %convert_element_type3A_9, %dot_general3A {dimension_numbers = #tpu.dot_dimension_numbers<[1], [0], [0], [1], [0, 0, 1, 1], [], []>, transpose_lhs_hint = false} : vector<512x768xbf16>, vector<768x768xbf16>, vector<512x768xf32> -> vector<512x768xf32>
    %get3A_11 = arith.constant 0 : index
    %get3A_12 = arith.constant 0 : index
    %get3A_13 = arith.constant 0 : index
    %get3A_14 = vector.load %arg3[%get3A_11, %get3A_12, %get3A_13] : memref<1x1x768xf32, #tpu.memory_space<vmem>>, vector<1x1x768xf32>
    %get3A_15 = vector.shape_cast %get3A_14 : vector<1x1x768xf32> to vector<1x768xf32>
    %add3A = vector.broadcast %get3A_15 : vector<1x768xf32> to vector<512x768xf32>
    %add3A_16 = arith.addf %dot_general3A_10, %add3A : vector<512x768xf32>
    %integer_pow3A = arith.mulf %add3A_16, %add3A_16 : vector<512x768xf32>
    %integer_pow3A_17 = arith.mulf %add3A_16, %integer_pow3A : vector<512x768xf32>
    %mul3A = arith.constant 4.471500e-02 : f32
    %mul3A_18 = vector.broadcast %mul3A : f32 to vector<512x768xf32>
    %mul3A_19 = arith.mulf %mul3A_18, %integer_pow3A_17 : vector<512x768xf32>
    %add3A_20 = arith.addf %add3A_16, %mul3A_19 : vector<512x768xf32>
    %mul3A_21 = arith.constant 0.797884583 : f32
    %mul3A_22 = vector.broadcast %mul3A_21 : f32 to vector<512x768xf32>
    %mul3A_23 = arith.mulf %mul3A_22, %add3A_20 : vector<512x768xf32>
    %tanh3A = math.tanh %mul3A_23 : vector<512x768xf32>
    %add3A_24 = arith.constant 1.000000e+00 : f32
    %add3A_25 = vector.broadcast %add3A_24 : f32 to vector<512x768xf32>
    %add3A_26 = arith.addf %add3A_25, %tanh3A : vector<512x768xf32>
    %mul3A_27 = arith.constant 5.000000e-01 : f32
    %mul3A_28 = vector.broadcast %mul3A_27 : f32 to vector<512x768xf32>
    %mul3A_29 = arith.mulf %mul3A_28, %add3A_26 : vector<512x768xf32>
    %mul3A_30 = arith.mulf %add3A_16, %mul3A_29 : vector<512x768xf32>
    %convert_element_type3A_31 = arith.truncf %mul3A_30 : vector<512x768xf32> to vector<512x768xbf16>
    %get3A_32 = arith.constant 0 : index
    %get3A_33 = arith.constant 0 : index
    %get3A_34 = arith.constant 0 : index
    %get3A_35 = vector.load %arg4[%get3A_32, %get3A_33, %get3A_34] : memref<1x768x768xf32, #tpu.memory_space<vmem>>, vector<1x768x768xf32>
    %get3A_36 = vector.shape_cast %get3A_35 : vector<1x768x768xf32> to vector<768x768xf32>
    %convert_element_type3A_37 = arith.truncf %get3A_36 : vector<768x768xf32> to vector<768x768xbf16>
    %dot_general3A_38 = arith.constant dense<0.000000e+00> : vector<512x768xf32>
    %dot_general3A_39 = tpu.matmul %convert_element_type3A_31, %convert_element_type3A_37, %dot_general3A_38 {dimension_numbers = #tpu.dot_dimension_numbers<[1], [0], [0], [1], [0, 0, 1, 1], [], []>, transpose_lhs_hint = false} : vector<512x768xbf16>, vector<768x768xbf16>, vector<512x768xf32> -> vector<512x768xf32>
    %get3A_40 = arith.constant 0 : index
    %get3A_41 = arith.constant 0 : index
    %get3A_42 = arith.constant 0 : index
    %get3A_43 = vector.load %arg5[%get3A_40, %get3A_41, %get3A_42] : memref<1x1x768xf32, #tpu.memory_space<vmem>>, vector<1x1x768xf32>
    %get3A_44 = vector.shape_cast %get3A_43 : vector<1x1x768xf32> to vector<1x768xf32>
    %add3A_45 = vector.broadcast %get3A_44 : vector<1x768xf32> to vector<512x768xf32>
    %add3A_46 = arith.addf %dot_general3A_39, %add3A_45 : vector<512x768xf32>
    %get3A_47 = arith.constant 0 : index
    %get3A_48 = arith.constant 0 : index
    %get3A_49 = arith.constant 0 : index
    %get3A_50 = vector.load %arg6[%get3A_47, %get3A_48, %get3A_49] : memref<1x1x512xf32, #tpu.memory_space<vmem>>, vector<1x1x512xf32>
    %get3A_51 = vector.shape_cast %get3A_50 : vector<1x1x512xf32> to vector<1x512xf32>
    %transpose3A = tpu.transpose %get3A_51, [1, 0] : vector<1x512xf32> -> vector<512x1xf32>
    %mul3A_52 = vector.broadcast %transpose3A : vector<512x1xf32> to vector<512x768xf32>
    %mul3A_53 = arith.mulf %mul3A_52, %add3A_46 : vector<512x768xf32>
    %swap3A = arith.constant 0 : index
    %swap3A_54 = arith.constant 0 : index
    %swap3A_55 = vector.load %arg7[%swap3A, %swap3A_54] : memref<512x768xf32, #tpu.memory_space<vmem>>, vector<512x768xf32>
    tpu.vector_store %arg7[%swap3A, %swap3A_54], %mul3A_53 {strides = array<i32>} : memref<512x768xf32, #tpu.memory_space<vmem>>, vector<512x768xf32>,
    return
  }
  func.func @transform_0(%arg0: i32) -> (i32, i32, i32) {
    %c0_i32 = arith.constant 0 : i32
    %c0_i32_0 = arith.constant 0 : i32
    %c0_i32_1 = arith.constant 0 : i32
    return %arg0, %c0_i32, %c0_i32_0 : i32, i32, i32
  }
  func.func @transform_1(%arg0: i32) -> (i32, i32, i32) {
    %c0_i32 = arith.constant 0 : i32
    %c0_i32_0 = arith.constant 0 : i32
    %c0_i32_1 = arith.constant 0 : i32
    return %arg0, %c0_i32, %c0_i32_0 : i32, i32, i32
  }
  func.func @transform_2(%arg0: i32) -> (i32, i32, i32) {
    %c0_i32 = arith.constant 0 : i32
    %c0_i32_0 = arith.constant 0 : i32
    %c0_i32_1 = arith.constant 0 : i32
    return %arg0, %c0_i32, %c0_i32_0 : i32, i32, i32
  }
  func.func @transform_3(%arg0: i32) -> (i32, i32, i32) {
    %c0_i32 = arith.constant 0 : i32
    %c0_i32_0 = arith.constant 0 : i32
    %c0_i32_1 = arith.constant 0 : i32
    return %arg0, %c0_i32, %c0_i32_0 : i32, i32, i32
  }
  func.func @transform_4(%arg0: i32) -> (i32, i32, i32) {
    %c0_i32 = arith.constant 0 : i32
    %c0_i32_0 = arith.constant 0 : i32
    %c0_i32_1 = arith.constant 0 : i32
    return %arg0, %c0_i32, %c0_i32_0 : i32, i32, i32
  }
  func.func @transform_5(%arg0: i32) -> (i32, i32, i32) {
    %c0_i32 = arith.constant 0 : i32
    %c0_i32_0 = arith.constant 0 : i32
    %c0_i32_1 = arith.constant 0 : i32
    return %arg0, %c0_i32, %c0_i32_0 : i32, i32, i32
  }
  func.func @transform_6(%arg0: i32) -> (i32, i32) {
    %c0_i32 = arith.constant 0 : i32
    %c0_i32_0 = arith.constant 0 : i32
    return %arg0, %c0_i32 : i32, i32
  }
}

</mosaic_0001>

<sc_bundles>
// kernel: kernel.6.cloned.1.call-start
scs
__scs_entry_jumppad:
0x0: {  	(pc) =	sbr.rel $0x88, $3  }
0x1: {  	(tag) =	ssettag $0x0;
	lr =	simm.s32 $0x1  }
0x2: {  	[smem:$0x3F9B] =	sst lr;
	_ =	strace $0xD0000000  }
0x3: {  	_ = 	snop  }
0x4: {  	_ = 	snop  }
0x5: {  	_ = 	snop  }
0x6: {  	_ = 	snop  }
0x7: {  	_ = 	snop  }
__scs_overlays_trampoline_lowered:
0x8: {  	[smem:$0x3FAA] =	sst s0  }
0x9: {  	[smem:$0x3FAB] =	sst s1  }
0xa: {  	[smem:$0x3FAC] =	sst s2  }
0xb: {  	[smem:$0x3FAD] =	sst s3  }
0xc: {  	[smem:$0x3FAE] =	sst s4  }
0xd: {  	[smem:$0x3FAF] =	sst s5  }
0xe: {  	[smem:$0x3FB0] =	sst s6  }
0xf: {  	[smem:$0x3FB1] =	sst s7  }
0x10: {  	[smem:$0x3FB2] =	sst s8  }
0x11: {  	[smem:$0x3FB3] =	sst s9;
	s0 =	simm.s32 @!p0 $0x0  }
0x12: {  	s1 =	sld [smem:$0x3F99];
	s0 =	simm.s32 @p0 $0x1  }
0x13: {  	[smem:$0x3FB4] =	sst s0;
	s0 =	simm.s32 @!p1 $0x0  }
0x14: {  	s2 =	sld [smem:$0x3F98];
	s0 =	simm.s32 @p1 $0x1  }
0x15: {  	[smem:$0x3FB5] =	sst s0;
	s0 =	simm.s32 @!p2 $0x0  }
0x16: {  	s3 =	sld [smem:$0x3FDB];
	s0 =	simm.s32 @p2 $0x1  }
0x17: {  	s4 =	simm.s32 $0x1BF5;
	[smem:$0x3FB7] =	sst s0  }
0x18: {  	s0 =	sld [smem:$0x3F9A];
	_ =	swait.ge [sflag:s4], $0x0  }
0x19: {  	s7 =	sld [smem:$0x3F9B]  }
0x1a: {  	s8 =	sadd.s32 $0xFFFFE003, lr  }
0x1b: {  	s9 =	sadd.s32 $0xFFFFFEF7, lr;
	s5 =	simm.s32 $0xFFFFFFFF;
	p2 =	slt.u32 s8, $0xFFFFF086  }
0x1c: {  	p1 =	slt.u32 s9, $0xF7A;
	s5 =	simm.s32 @!p2 $0x0  }
0x1d: {  	s5 =	simm.s32 @p1 $0x1;
	p0 =	seq.s32 s7, s2  }
0x1e: {  	s7 =	smul.u32 @!p0 $0xF7A, s2;
	p2 =	seq.s32 @!p0 s5, $0x0  }
0x1f: {  	s9 =	smul.u32 $0xF7A, s1;
	s8 =	simm.s32 @!p0 $0x1BF5;
	p2 =	por !p2, p0  }
0x20: {  	[sflag:s8] =	ssyncset.s32 @!p0 $0xFFFFF086;
	s6 =	sadd.s32 @!p0 s3, s7;
	s7 =	simm.s32 @!p0 $0x108  }
0x21: {  	s3 =	sadd.s32 s3, s9;
	s6 =	sadd.s32 @!p0 $0x88, s6;
	s7 =	simm.s32 @p2 $0x1082  }
0x22: {  	[simem:s7], [sflag:s8] =	dma.local @!p0 [hbm:s6], $0xF7A  }
0x23: {  	s9 =	sor.u32 $0xD0000000, s2;
	s6 =	simm.s32 $0x108;
	_ =	swait.ge @!p0 [sflag:s8], $0x0  }
0x24: {  	s3 =	sadd.s32 $0x88, s3;
	s6 =	simm.s32 @!p1 $0x1082;
	[sflag:s4] =	ssyncset.s32 $0xFFFFF086  }
0x25: {  	[simem:s6], [sflag:s4] =	dma.local [hbm:s3], $0xF7A  }
0x26: {  	[smem:$0x3F9B] =	sst s1;
	(tag) =	ssettag s2;
	_ =	strace s9  }
0x27: {  	s1 =	sld [smem:$0x3FAB]  }
0x28: {  	s2 =	sld [smem:$0x3FAC]  }
0x29: {  	s4 =	sld [smem:$0x3FAE]  }
0x2a: {  	p0 =	seq.s32 s5, $0x0;
	s5 =	sld [smem:$0x3FAF]  }
0x2b: {  	s6 =	sld [smem:$0x3FB0]  }
0x2c: {  	s7 =	sld [smem:$0x3FB1]  }
0x2d: {  	s3 =	simm.s32 $0x108;
	s8 =	sld [smem:$0x3FB2]  }
0x2e: {  	s3 =	simm.s32 @!p0 $0x1082;
	s9 =	sld [smem:$0x3FB3]  }
0x2f: {  	lr =	sadd.s32 s0, s3;
	s0 =	sld [smem:$0x3FAA]  }
0x30: {  	s3 =	sld [smem:$0x3FAD]  }
0x31: {  	[smem:$0x3FB6] =	sst s10  }
0x32: {  	s10 =	sld [smem:$0x3FB4];
	_ =	sdelay $0x3  }
0x33: {  	p0 =	seq.s32 s10, $0x1;
	s10 =	sld [smem:$0x3FB6];
	_ =	sdelay $0x3  }
0x34: {  	[smem:$0x3FB6] =	sst s10  }
0x35: {  	s10 =	sld [smem:$0x3FB5];
	_ =	sdelay $0x3  }
0x36: {  	p1 =	seq.s32 s10, $0x1;
	s10 =	sld [smem:$0x3FB6];
	_ =	sdelay $0x3  }
0x37: {  	[smem:$0x3FB6] =	sst s10  }
0x38: {  	s10 =	sld [smem:$0x3FB7]  }
0x39: {  	_ = 	snop;
	(pc) =	sbr.ind lr, $3  }
0x3a: {  	_ = 	snop  }
0x3b: {  	_ = 	snop  }
0x3c: {  	p2 =	seq.s32 s10, $0x1;
	s10 =	sld [smem:$0x3FB6]  }
0x3d: {  	_ =	shalt  }
0x3e: {  	_ =	shalt  }
0x3f: {  	_ =	shalt  }
0x40: {  	_ =	shalt  }
0x41: {  	_ =	shalt  }
0x42: {  	_ =	shalt  }
0x43: {  	_ =	shalt  }
0x44: {  	_ =	shalt  }
0x45: {  	_ =	shalt  }
0x46: {  	_ =	shalt  }
0x47: {  	_ =	shalt  }
0x48: {  	_ =	shalt  }
0x49: {  	_ =	shalt  }
0x4a: {  	_ =	shalt  }
0x4b: {  	_ =	shalt  }
0x4c: {  	_ =	shalt  }
0x4d: {  	_ =	shalt  }
0x4e: {  	_ =	shalt  }
0x4f: {  	_ =	shalt  }
0x50: {  	_ =	shalt  }
0x51: {  	_ =	shalt  }
0x52: {  	_ =	shalt  }
0x53: {  	_ =	shalt  }
0x54: {  	_ =	shalt  }
0x55: {  	_ =	shalt  }
0x56: {  	_ =	shalt  }
0x57: {  	_ =	shalt  }
0x58: {  	_ =	shalt  }
0x59: {  	_ =	shalt  }
0x5a: {  	_ =	shalt  }
0x5b: {  	_ =	shalt  }
0x5c: {  	_ =	shalt  }
0x5d: {  	_ =	shalt  }
0x5e: {  	_ =	shalt  }
0x5f: {  	_ =	shalt  }
0x60: {  	_ =	shalt  }
0x61: {  	_ =	shalt  }
0x62: {  	_ =	shalt  }
0x63: {  	_ =	shalt  }
0x64: {  	_ =	shalt  }
0x65: {  	_ =	shalt  }
0x66: {  	_ =	shalt  }
0x67: {  	_ =	shalt  }
0x68: {  	_ =	shalt  }
0x69: {  	_ =	shalt  }
0x6a: {  	_ =	shalt  }
0x6b: {  	_ =	shalt  }
0x6c: {  	_ =	shalt  }
0x6d: {  	_ =	shalt  }
0x6e: {  	_ =	shalt  }
0x6f: {  	_ =	shalt  }
0x70: {  	_ =	shalt  }
0x71: {  	_ =	shalt  }
0x72: {  	_ =	shalt  }
0x73: {  	_ =	shalt  }
0x74: {  	_ =	shalt  }
0x75: {  	_ =	shalt  }
0x76: {  	_ =	shalt  }
0x77: {  	_ =	shalt  }
0x78: {  	_ =	shalt  }
0x79: {  	_ =	shalt  }
0x7a: {  	_ =	shalt  }
0x7b: {  	_ =	shalt  }
0x7c: {  	_ =	shalt  }
0x7d: {  	_ =	shalt  }
0x7e: {  	_ =	shalt  }
0x7f: {  	_ =	shalt  }
0x80: {  	_ =	shalt  }
0x81: {  	_ =	shalt  }
0x82: {  	_ =	shalt  }
0x83: {  	_ =	shalt  }
0x84: {  	_ =	shalt  }
0x85: {  	_ =	shalt  }
0x86: {  	_ =	shalt  }
0x87: {  	_ =	shalt  }
.Lfunc_end0:
.L_simem_size_0:
called_computation.1_lowered:
.L_overlay_start_0:
0x88: {  	s2 =	sld [smem:$0x3FD9]  }
0x89: {  	s3 =	sld [smem:$0x3FFE];
	_ =	sdelay $0x1  }
0x8a: {  	s1 =	srdreg.scid  }
0x8b: {  	s0 =	sand.u32 $0x1, s1  }
0x8c: {  	s14 =	sshll.u32 s0, $0xA;
	s2 =	sadd.s32 s3, s2  }
0x8d: {  	s2 =	sadd.s32 s2, s14  }
0x8e: {  	[smem:$0x3FC2] =	sst s2  }
0x8f: {  	_ = 	snop  }
0x90: {  	s2 =	sld [smem:$0x3FD0];
	_ =	sdelay $0x2  }
0x91: {  	s15 =	simm.s32 $0xA;
	s4 =	simm.s32 $0x10  }
0x92: {  	[smem:s4], [sflag:s15] =	dma.local [hbm:s2], $0x1  }
0x93: {  	_ =	swait.eq [sflag:s15], $0x1  }
0x94: {  	[sflag:s15] =	ssyncset.done $0x0  }
0x95: {  	[sflag:s15] =	ssyncadd.s32 $0xFFFFFFFF  }
0x96: {  	s16 =	sld [smem:$0x11];
	(tm) =	ssettm $0x1  }
0x97: {  	s17 =	sld [smem:$0x3FFB];
	_ =	sdelay $0x3  }
0x98: {  	_ =	strace s17  }
0x99: {  	s3 =	sld [smem:$0x3FFC];
	_ =	sdelay $0x3  }
0x9a: {  	_ =	strace s3  }
0x9b: {  	s3 =	sld [smem:$0x3FFD];
	_ =	sdelay $0x3  }
0x9c: {  	_ =	strace s3  }
0x9d: {  	_ =	strace $0x8FFFFFFF  }
0x9e: {  	s18 =	sld [smem:$0x3FDB];
	_ =	sdelay $0x1  }
0x9f: {  	s19 =	simm.s32 $_scs_section_size  }
0xa0: {  	s5 =	simm.s32 $_size__tile_overlayer_lowered;
	s6 =	simm.s32 $_tile_overlayer_lowered  }
0xa1: {  	s22 =	simm.s32 $0x1BFF;
	s21 =	sshll.u32 s6, $0x1;
	s3 =	sadd.s32 s19, s18  }
0xa2: {  	s7 =	simm.s32 $0x0;
	s20 =	sshll.u32 s5, $0x1;
	s5 =	sadd.s32 s21, s3  }
0xa3: {  	[timem:s7], [sflag:s22] =	dma.local [hbm:s5], s20  }
0xa4: {  	_ =	swait.ge [sflag:s22], s20  }
0xa5: {  	s4 =	ssub.s32 $0x0, s20;
	[sflag:s22] =	ssyncset.done $0x0  }
0xa6: {  	[sflag:s22] =	ssyncadd.s32 s4;
	_ =	sdelay $0x1  }
0xa7: {  	s23 =	simm.s32 $0x1B8B  }
0xa8: {  	_ =	swait.ge [sflag:s23], $0x1  }
0xa9: {  	[sflag:s23] =	ssyncset.done $0x0  }
0xaa: {  	s25 =	simm.s32 $0x1B8E;
	s24 =	sld [smem:$0x3FFE];
	[sflag:s23] =	ssyncadd.s32 $0xFFFFFFFF  }
0xab: {  	s26 =	simm.s32 $execute0_lowered;
	[smem:$0x3FD2] =	sst s25  }
0xac: {  	s5 =	sshll.u32 s26, $0x1;
	_ =	strace $0x80000046;
	[dreg:$0x1] =	wrdreg $0xFFFFFFFF  }
0xad: {  	s28 =	simm.s32 $_size_execute0_lowered;
	s3 =	sadd.s32 s3, s5;
	[dreg:$0x0] =	wrdreg $0x0  }
0xae: {  	s5 =	sshll.u32 s28, $0x1;
	[dreg:$0x2] =	wrdreg s3  }
0xaf: {  	[dreg:$0x3] =	wrdreg s5  }
0xb0: {  	[dreg:$0x4] =	wrdreg $0xC0  }
0xb1: {  	_ =	task [dreg:s7], $0x5FFFF  }
0xb2: {  	[dreg:$0x1] =	wrdreg $0xFFFFFFFF  }
0xb3: {  	[dreg:$0x0] =	wrdreg $0x60  }
0xb4: {  	[dreg:$0x2] =	wrdreg s16  }
0xb5: {  	[dreg:$0x3] =	wrdreg s24  }
0xb6: {  	[dreg:$0x4] =	wrdreg $0x9  }
0xb7: {  	_ =	task.clear_ibuf [dreg:s7], $0x5FFFF;
	_ =	strace $0x90000046  }
0xb8: {  	s29 =	simm.s32 $0x9;
	_ =	strace $0x80000048  }
0xb9: {  	_ =	swait.ge [sflag:s29], $0x1  }
0xba: {  	[sflag:s29] =	ssyncadd.s32 $0xFFFFFFFF  }
0xbb: {  	_ =	strace $0x90000048  }
0xbc: {  	_ =	sfence  }
0xbd: {  	s30 =	sld [smem:$0x0];
	_ =	sdelay $0x2  }
0xbe: {  	s31 =	sshll.u32 s1, $0xD;
	s1 =	sshrl.u32 s1, $0x2  }
0xbf: {  	s3 =	sand.u32 $0x4000, s31;
	s1 =	sadd.s32 s1, s30  }
0xc0: {  	s0 =	sor.u32 s3, s0;
	s1 =	sshll.u32 s1, $0x11  }
0xc1: {  	s0 =	sor.u32 s1, s0  }
0xc2: {  	s0 =	sadd.s32 $0x8F2B, s0  }
0xc3: {  	[sflag:s0] =	ssyncadd.remote.s32 $0x1  }
0xc4: {  	_ =	sfence.sel $0xFFFF  }
0xc5: {  	[dreg:$0x0] =	wrdreg $0xFFFFFFFF;
	(pc) =	sbr.abs _section_cstart, $3  }
0xc6: {  	[dreg:$0x1] =	wrdreg $0xFFFFFFFF  }
0xc7: {  	_ =	task.clear_ibuf [dreg:s7], $0x2FFFF;
	_ =	strace $0x9FFFFFFF  }
0xc8: {  	(tm) =	ssettm $0x7FFFFFFF  }
0xc9: {  	_ =	shalt  }
tec
execute0_lowered:
.L_overlay_start_1:
0x0: {  	(tag) =	ssettag $0x1  }
0x1: {  	s1 =	rddreg [dreg:$0x0]  }
0x2: {  	s5 =	rddreg [dreg:$0x1]  }
0x3: {  	s0 =	rddreg [dreg:$0x2]  }
0x4: {  	s2 =	simm.s32 $0x0;
	s3 =	srdreg.scid;
	s11 =	simm.s32 $0x400  }
0x5: {  	s12 =	simm.s32 $0x1;
	s13 =	simm.s32 $0x8000;
	s14 =	simm.s32 $0xC000  }
0x6: {  	s15 =	simm.s32 $0xC100;
	s16 =	simm.s32 $0xC200;
	s17 =	simm.s32 $0xC480  }
0x7: {  	[smem:$0x7FF] =	sst s2;
	s6 =	sand.u32 $0x1, s3;
	s4 =	sadd.s32 $0x81C00, s5  }
0x8: {  	s3 =	stileid.u32;
	s5 =	sadd.s32 $0x80C00, s5;
	_ =	strace $0x80000047  }
0x9: {  	v0 =	vlaneseq.u32;
	s7 =	ssub.s32 $0x2, s6;
	s31 =	sshrl.u32 s3, $0x1;
	s9 =	sshll.u32 s3, $0x9  }
0xa: {  	v3 =	vmul.u32 $0xFFFFFFFF, v0;
	s10 =	sshll.u32 s6, $0x8;
	s8 =	sshrl.u32 s7, $0x1;
	s6 =	sshll.u32 s31, $0x12  }
0xb: {  	v1 =	vimm.s32 $0x0;
	s9 =	sand.u32 $0x200, s9;
	s8 =	ssub.s32 s7, s8;
	s7 =	sshll.u32 s31, $0xC  }
0xc: {  	v2 =	vimm.s32 $0x1;
	v4 =	vor.u32 $0x80000000, v0;
	v3 =	vadd.s32 $0xF, v3;
	s9 =	sor.u32 s10, s9;
	s10 =	simm.s32 $0x80;
	s8 =	smax.u32 s8, $0x1  }
.LBB2_1:
0xd: {  	p1 =	por $0x1, $0x1;
	s18 =	simm.s32 $0x0  }
.LBB2_2:
0xe: {  	s18 =	sor.u32 s9, s18  }
0xf: {  	s19 =	sor.u32 s6, s18  }
0x10: {  	s19 =	sshrl.u32 s19, $0x3  }
0x11: {  	s20 =	sadd.s32 s1, s19;
	s19 =	simm.s32 $0x0  }
0x12: {  	[tilespmem:s19], [sflag:$0x1] =	stream.strided.gather [hbm4b:s20+s10], $0x8000, s11, s10, $0x38;
	[tilespmem:$0xC700] =	vst v63  }
0x13: {  	_ =	swait.ge [sflag:s12], $0x8000  }
0x14: {  	p0 =	por p1, p1;
	[sflag:s12] =	ssyncset.done $0x0  }
0x15: {  	s21 =	simm.s32 $0x100;
	s20 =	simm.s32 $0x0;
	[sflag:s12] =	ssyncadd.s32 $0xFFFF8000  }
.LBB2_3:
0x16: {  	p1 =	sne.s32 s21, $0xFF00;
	[tilespmem:s20+$0x8030] =	vst v1;
	s22 =	smov.u32 s21;
	s21 =	sadd.s32 $0x100, s21  }
.Ltmp0:
0x17: {  	[tilespmem:s20+$0x8020] =	vst v1;
	(pc) =	sbr.rel @p1 .LBB2_3-.Ltmp0, $3  }
0x18: {  	[tilespmem:s20+$0x8000] =	vst v1  }
0x19: {  	[tilespmem:s20+$0x8010] =	vst v1;
	_ =	sdelay $0x1  }
0x1a: {  	s20 =	sshra.s32 s22, $0x2  }
0x1b: {  	[tilespmem:s20+$0x8030] =	vst v1  }
0x1c: {  	[tilespmem:s20+$0x8020] =	vst v1  }
0x1d: {  	[tilespmem:s20+$0x8000] =	vst v1  }
0x1e: {  	[tilespmem:s20+$0x8010] =	vst v1  }
.LBB2_5:
0x1f: {  	s20 =	sshra.s32 s19, $0x2  }
0x20: {  	v5 =	vld [tilespmem:s20+$0x0];
	_ =	sdelay $0x4  }
0x21: {  	v5 =	vshra.s32 v5, $0x10;
	_ =	sdelay $0x4  }
0x22: {  	[tilespmem:v5+s13+$0x0] =	vst.idx.add.s32.msk $0xffff, v2  }
0x23: {  	v5 =	vld [tilespmem:s20+$0x10];
	_ =	sdelay $0x4  }
0x24: {  	v5 =	vshra.s32 v5, $0x10;
	_ =	sdelay $0x4  }
0x25: {  	[tilespmem:v5+s13+$0x0] =	vst.idx.add.s32.msk $0xffff, v2  }
0x26: {  	v5 =	vld [tilespmem:s20+$0x20];
	_ =	sdelay $0x4  }
0x27: {  	v5 =	vshra.s32 v5, $0x10;
	_ =	sdelay $0x4  }
0x28: {  	[tilespmem:v5+s13+$0x0] =	vst.idx.add.s32.msk $0xffff, v2  }
0x29: {  	v5 =	vld [tilespmem:s20+$0x30];
	_ =	sdelay $0x4  }
0x2a: {  	p1 =	sne.s32 s19, $0x1FF00;
	v5 =	vshra.s32 v5, $0x10  }
.Ltmp1:
0x2b: {  	_ = 	snop;
	(pc) =	sbr.rel @p1 .LBB2_5-.Ltmp1, $3  }
0x2c: {  	_ =	sdelay $0x1  }
0x2d: {  	s19 =	sadd.s32 $0x100, s19  }
0x2e: {  	s21 =	simm.s32 $0x4000;
	s22 =	simm.s32 $0xBFF0;
	s20 =	simm.s32 $0x0;
	[tilespmem:v5+s13+$0x0] =	vst.idx.add.s32.msk $0xffff, v2  }
.LBB2_6:
0x2f: {  	v5 =	vld [tilespmem:s22+$0x0];
	_ =	sdelay $0x4  }
0x30: {  	v6 =	vperm.xlane v5, v3;
	_ =	sdelay $0x1  }
0x31: {  	(xrf0) =	vadd.scan.msk.s32 $0xffff, v6;
	_ =	sdelay $0x5  }
0x32: {  	v6, _, _ =	vpop (xrf0)  }
0x33: {  	v6 =	vadd.s32 s20, v6  }
0x34: {  	vm0 =	vgt.s32 v6, $0x1FF  }
0x35: {  	v6 =	vsel vm0, $0x1, v1  }
0x36: {  	(xrf0) =	vadd.scan.msk.s32 $0xffff, v6;
	v6 =	vnsel vm0, $0x80000010, v4  }
0x37: {  	(xrf0) =	vmin.scan.msk.u32 $0xffff, v6;
	_ =	sdelay $0x4  }
0x38: {  	v6, _, _ =	vpop (xrf0)  }
0x39: {  	(xrf0) =	vadd.scan.msk.s32 $0xffff, v5;
	v5, _, _ =	vpop (xrf0);
	(v2sf) =	vpush v6, $0xF  }
0x3a: {  	(v2sf) =	vpush v5, $0xF;
	_ =	sdelay $0x7  }
0x3b: {  	v5, _, _ =	vpop (xrf0)  }
0x3c: {  	(v2sf) =	vpush v5, $0xF;
	_ =	sdelay $0x4  }
0x3d: {  	s19 =	spop (v2sf)  }
0x3e: {  	s23 =	spop (v2sf)  }
0x3f: {  	s23 =	sxor.u32 $0x7FFFFFFF, s23  }
0x40: {  	p1 =	sgt.s32 s19, $0x0;
	s19 =	sadd.s32 s23, s21  }
0x41: {  	s19 =	simm.s32 @!p1 $0xFFFFFFFF;
	p1 =	seq.s32 s21, $0x10  }
0x42: {  	p2 =	slt.s32 @!p1 s19, $0x0  }
0x43: {  	p1 =	por p1, !p2  }
.Ltmp2:
0x44: {  	_ = 	snop;
	(pc) =	sbr.rel @!p1 .LBB2_6-.Ltmp2, $3  }
0x45: {  	_ =	sdelay $0x1  }
0x46: {  	s31 =	spop (v2sf)  }
0x47: {  	s22 =	sadd.s32 $0xFFFFFFF0, s22;
	s21 =	sadd.s32 $0xFFFFFFF0, s21;
	s20 =	sadd.s32 s20, s31  }
0x48: {  	s21 =	simm.s32 $0x8000  }
0x49: {  	s26 =	simm.s32 $0x8010;
	v6 =	vld [tilespmem:s21+$0x0]  }
0x4a: {  	p1 =	sgt.s32 s19, $0x0;
	v7 =	vld [tilespmem:s26+$0x0]  }
0x4b: {  	s20 =	simm.s32 $0x0;
	s19 =	simm.s32 @!p1 $0x0  }
0x4c: {  	s28 =	simm.s32 $0x10;
	v8 =	vor.u32 s20, v0;
	v5 =	vmov s19  }
0x4d: {  	vm0 =	vgt.u32 v8, v5;
	v8 =	vor.u32 s28, v0  }
0x4e: {  	vm13 =	vgt.u32 v8, v5;
	v6 =	vnsel vm0, $0x0, v6  }
0x4f: {  	(xrf0) =	vadd.scan.msk.s32 $0xffff, v6;
	v6 =	vnsel vm13, $0x0, v7  }
0x50: {  	(xrf0) =	vadd.scan.msk.s32 $0xffff, v6  }
0x51: {  	s31 =	simm.s32 $0x20  }
0x52: {  	s22 =	simm.s32 $0x30;
	v8 =	vor.u32 s31, v0  }
0x53: {  	vm14 =	vgt.u32 v8, v5;
	v8 =	vor.u32 s22, v0  }
0x54: {  	s29 =	simm.s32 $0x8020  }
0x55: {  	v6 =	vld [tilespmem:s29+$0x0];
	v9, _, _ =	vpop (xrf0)  }
0x56: {  	vm15 =	vgt.u32 v8, v5;
	(v2sf) =	vpush v9, $0xF;
	v8, _, _ =	vpop (xrf0)  }
0x57: {  	(v2sf) =	vpush v8, $0xF;
	_ =	sdelay $0x2  }
0x58: {  	s30 =	simm.s32 $0x8030;
	v6 =	vnsel vm14, $0x0, v6  }
0x59: {  	v7 =	vld [tilespmem:s30+$0x0];
	(xrf0) =	vadd.scan.msk.s32 $0xffff, v6;
	_ =	sdelay $0x4  }
0x5a: {  	s21 =	simm.s32 $0x40;
	s22 =	simm.s32 $0x8040;
	v6 =	vnsel vm15, $0x0, v7  }
.LBB2_8:
0x5b: {  	v7 =	vld [tilespmem:s22+$0x0];
	p1 =	seq.s32 s21, $0x3FF0;
	(xrf0) =	vadd.scan.msk.s32 $0xffff, v6;
	v6, _, _ =	vpop (xrf0);
	s23 =	smov.u32 s21;
	s21 =	sadd.s32 $0x10, s21  }
.Ltmp3:
0x5c: {  	(v2sf) =	vpush v6, $0xF;
	(pc) =	sbr.rel @!p1 .LBB2_8-.Ltmp3, $4  }
0x5d: {  	_ = 	snop  }
0x5e: {  	v6 =	vor.u32 s23, v0  }
0x5f: {  	vm0 =	vgt.u32 v6, v5;
	s23 =	spop (v2sf)  }
0x60: {  	s22 =	sadd.s32 $0x10, s22;
	v6 =	vnsel vm0, $0x0, v7;
	s20 =	sadd.s32 s20, s23  }
0x61: {  	[tilespmem:$0xC000] =	vst v1  }
0x62: {  	[tilespmem:$0xC100] =	vst v1  }
0x63: {  	[tilespmem:$0xC010] =	vst v1  }
0x64: {  	[tilespmem:$0xC110] =	vst v1  }
0x65: {  	[tilespmem:$0xC020] =	vst v1  }
0x66: {  	[tilespmem:$0xC120] =	vst v1  }
0x67: {  	[tilespmem:$0xC030] =	vst v1  }
0x68: {  	[tilespmem:$0xC130] =	vst v1  }
0x69: {  	(xrf0) =	vadd.scan.msk.s32 $0xffff, v6;
	[tilespmem:$0xC040] =	vst v1  }
0x6a: {  	[tilespmem:$0xC140] =	vst v1  }
0x6b: {  	[tilespmem:$0xC050] =	vst v1  }
0x6c: {  	[tilespmem:$0xC150] =	vst v1  }
0x6d: {  	[tilespmem:$0xC060] =	vst v1  }
0x6e: {  	v6, _, _ =	vpop (xrf0);
	[tilespmem:$0xC160] =	vst v1  }
0x6f: {  	[tilespmem:$0xC070] =	vst v1;
	(v2sf) =	vpush v6, $0xF;
	v6, _, _ =	vpop (xrf0)  }
0x70: {  	[tilespmem:$0xC170] =	vst v1;
	(v2sf) =	vpush v6, $0xF  }
0x71: {  	[tilespmem:$0xC080] =	vst v1  }
0x72: {  	[tilespmem:$0xC180] =	vst v1  }
0x73: {  	[tilespmem:$0xC090] =	vst v1  }
0x74: {  	[tilespmem:$0xC190] =	vst v1  }
0x75: {  	[tilespmem:$0xC0A0] =	vst v1  }
0x76: {  	[tilespmem:$0xC1A0] =	vst v1  }
0x77: {  	[tilespmem:$0xC0B0] =	vst v1  }
0x78: {  	[tilespmem:$0xC1B0] =	vst v1  }
0x79: {  	[tilespmem:$0xC0C0] =	vst v1  }
0x7a: {  	[tilespmem:$0xC1C0] =	vst v1  }
0x7b: {  	[tilespmem:$0xC0D0] =	vst v1  }
0x7c: {  	s21 =	spop (v2sf);
	[tilespmem:$0xC1D0] =	vst v1  }
0x7d: {  	[tilespmem:$0xC0E0] =	vst v1;
	s20 =	sadd.s32 s20, s21;
	s29 =	spop (v2sf)  }
0x7e: {  	[tilespmem:$0xC1E0] =	vst v1;
	s20 =	sadd.s32 s20, s29;
	s30 =	spop (v2sf)  }
0x7f: {  	[tilespmem:$0xC0F0] =	vst v1;
	s20 =	sadd.s32 s20, s30;
	s31 =	spop (v2sf)  }
0x80: {  	[tilespmem:$0xC1F0] =	vst v1;
	s21 =	simm.s32 $0x0;
	s20 =	sadd.s32 s20, s31  }
.LBB2_10:
0x81: {  	s22 =	sshra.s32 s21, $0x2  }
0x82: {  	v6 =	vld [tilespmem:s22+$0x0];
	_ =	sdelay $0x4  }
0x83: {  	v7 =	vshra.s32 v6, $0x10  }
0x84: {  	v6 =	vshrl.u32 v6, $0x8;
	vm0 =	veq.s32 v7, v5  }
0x85: {  	v6 =	vand.u32 $0xFF, v6;
	_ =	sdelay $0x4  }
0x86: {  	[tilespmem:v6+s14+$0x0] =	vst.idx.add.s32.msk vm0, v2  }
0x87: {  	v6 =	vld [tilespmem:s22+$0x10];
	_ =	sdelay $0x4  }
0x88: {  	v7 =	vshra.s32 v6, $0x10  }
0x89: {  	v6 =	vshrl.u32 v6, $0x8;
	vm13 =	veq.s32 v7, v5  }
0x8a: {  	v6 =	vand.u32 $0xFF, v6;
	_ =	sdelay $0x4  }
0x8b: {  	[tilespmem:v6+s14+$0x0] =	vst.idx.add.s32.msk vm13, v2  }
0x8c: {  	v6 =	vld [tilespmem:s22+$0x20];
	_ =	sdelay $0x4  }
0x8d: {  	v7 =	vshra.s32 v6, $0x10  }
0x8e: {  	v6 =	vshrl.u32 v6, $0x8;
	vm14 =	veq.s32 v7, v5  }
0x8f: {  	v6 =	vand.u32 $0xFF, v6;
	_ =	sdelay $0x4  }
0x90: {  	[tilespmem:v6+s14+$0x0] =	vst.idx.add.s32.msk vm14, v2  }
0x91: {  	v6 =	vld [tilespmem:s22+$0x30];
	_ =	sdelay $0x4  }
0x92: {  	v7 =	vshra.s32 v6, $0x10  }
0x93: {  	v6 =	vshrl.u32 v6, $0x8;
	vm15 =	veq.s32 v7, v5  }
0x94: {  	p1 =	seq.s32 s21, $0x1FF00;
	v6 =	vand.u32 $0xFF, v6  }
.Ltmp4:
0x95: {  	_ = 	snop;
	(pc) =	sbr.rel @!p1 .LBB2_10-.Ltmp4, $2  }
0x96: {  	_ =	sdelay $0x2  }
0x97: {  	s21 =	sadd.s32 $0x100, s21;
	[tilespmem:v6+s14+$0x0] =	vst.idx.add.s32.msk vm15, v2  }
0x98: {  	s22 =	simm.s32 $0x0;
	s23 =	simm.s32 $0x100;
	s24 =	simm.s32 $0xC0F0  }
.LBB2_12:
0x99: {  	v5 =	vld [tilespmem:s24+$0x0];
	_ =	sdelay $0x4  }
0x9a: {  	v6 =	vperm.xlane v5, v3;
	_ =	sdelay $0x1  }
0x9b: {  	(xrf0) =	vadd.scan.msk.s32 $0xffff, v6;
	_ =	sdelay $0x5  }
0x9c: {  	s21 =	sadd.s32 s20, s22;
	v6, _, _ =	vpop (xrf0)  }
0x9d: {  	v6 =	vadd.s32 s21, v6  }
0x9e: {  	vm0 =	vgt.s32 v6, $0x1FF  }
0x9f: {  	v6 =	vsel vm0, $0x1, v1  }
0xa0: {  	(xrf0) =	vadd.scan.msk.s32 $0xffff, v6;
	v6 =	vnsel vm0, $0x80000010, v4  }
0xa1: {  	(xrf0) =	vmin.scan.msk.u32 $0xffff, v6;
	_ =	sdelay $0x4  }
0xa2: {  	v6, _, _ =	vpop (xrf0)  }
0xa3: {  	(xrf0) =	vadd.scan.msk.s32 $0xffff, v5;
	v5, _, _ =	vpop (xrf0);
	(v2sf) =	vpush v6, $0xF  }
0xa4: {  	(v2sf) =	vpush v5, $0xF;
	_ =	sdelay $0x7  }
0xa5: {  	v5, _, _ =	vpop (xrf0)  }
0xa6: {  	(v2sf) =	vpush v5, $0xF;
	_ =	sdelay $0x4  }
0xa7: {  	s30 =	spop (v2sf)  }
0xa8: {  	s25 =	spop (v2sf)  }
0xa9: {  	s25 =	sxor.u32 $0x7FFFFFFF, s25  }
0xaa: {  	p1 =	sgt.s32 s30, $0x0;
	s21 =	sadd.s32 s25, s23  }
0xab: {  	s21 =	simm.s32 @!p1 $0xFFFFFFFF;
	p1 =	seq.s32 s23, $0x10  }
0xac: {  	p2 =	slt.s32 @!p1 s21, $0x0  }
0xad: {  	p1 =	por p1, !p2  }
.Ltmp5:
0xae: {  	_ = 	snop;
	(pc) =	sbr.rel @!p1 .LBB2_12-.Ltmp5, $3  }
0xaf: {  	_ =	sdelay $0x1  }
0xb0: {  	s31 =	spop (v2sf)  }
0xb1: {  	s24 =	sadd.s32 $0xFFFFFFF0, s24;
	s23 =	sadd.s32 $0xFFFFFFF0, s23;
	s22 =	sadd.s32 s22, s31  }
0xb2: {  	s22 =	simm.s32 $0xC000  }
0xb3: {  	s28 =	simm.s32 $0xC010;
	v6 =	vld [tilespmem:s22+$0x0]  }
0xb4: {  	p1 =	sgt.s32 s21, $0x0;
	v7 =	vld [tilespmem:s28+$0x0]  }
0xb5: {  	s21 =	simm.s32 @!p1 $0x0;
	s22 =	simm.s32 $0x0  }
0xb6: {  	s23 =	simm.s32 $0x10;
	v5 =	vmov s21;
	v8 =	vor.u32 s22, v0  }
0xb7: {  	vm0 =	vgt.u32 v8, v5;
	v8 =	vor.u32 s23, v0  }
0xb8: {  	vm13 =	vgt.u32 v8, v5;
	v6 =	vnsel vm0, $0x0, v6  }
0xb9: {  	(xrf0) =	vadd.scan.msk.s32 $0xffff, v6;
	v6 =	vnsel vm13, $0x0, v7  }
0xba: {  	(xrf0) =	vadd.scan.msk.s32 $0xffff, v6  }
0xbb: {  	s31 =	simm.s32 $0x20  }
0xbc: {  	s24 =	simm.s32 $0x30;
	v8 =	vor.u32 s31, v0  }
0xbd: {  	vm14 =	vgt.u32 v8, v5;
	v8 =	vor.u32 s24, v0  }
0xbe: {  	s29 =	simm.s32 $0xC020  }
0xbf: {  	v6 =	vld [tilespmem:s29+$0x0];
	v9, _, _ =	vpop (xrf0)  }
0xc0: {  	vm15 =	vgt.u32 v8, v5;
	(v2sf) =	vpush v9, $0xF;
	v8, _, _ =	vpop (xrf0)  }
0xc1: {  	(v2sf) =	vpush v8, $0xF;
	_ =	sdelay $0x2  }
0xc2: {  	s30 =	simm.s32 $0xC030;
	v6 =	vnsel vm14, $0x0, v6  }
0xc3: {  	v7 =	vld [tilespmem:s30+$0x0];
	(xrf0) =	vadd.scan.msk.s32 $0xffff, v6;
	_ =	sdelay $0x4  }
0xc4: {  	s23 =	simm.s32 $0x40;
	s24 =	simm.s32 $0xC040;
	v6 =	vnsel vm15, $0x0, v7  }
.LBB2_14:
0xc5: {  	v7 =	vld [tilespmem:s24+$0x0];
	p1 =	sne.s32 s23, $0xF0;
	(xrf0) =	vadd.scan.msk.s32 $0xffff, v6;
	v6, _, _ =	vpop (xrf0);
	s25 =	smov.u32 s23;
	s23 =	sadd.s32 $0x10, s23  }
.Ltmp6:
0xc6: {  	(v2sf) =	vpush v6, $0xF;
	(pc) =	sbr.rel @p1 .LBB2_14-.Ltmp6, $4  }
0xc7: {  	_ = 	snop  }
0xc8: {  	v6 =	vor.u32 s25, v0  }
0xc9: {  	vm0 =	vgt.u32 v6, v5;
	s25 =	spop (v2sf)  }
0xca: {  	s24 =	sadd.s32 $0x10, s24;
	v6 =	vnsel vm0, $0x0, v7;
	s22 =	sadd.s32 s22, s25  }
0xcb: {  	(xrf0) =	vadd.scan.msk.s32 $0xffff, v6;
	_ =	sdelay $0x4  }
0xcc: {  	v5, _, _ =	vpop (xrf0)  }
0xcd: {  	(v2sf) =	vpush v5, $0xF;
	v5, _, _ =	vpop (xrf0)  }
0xce: {  	(v2sf) =	vpush v5, $0xF;
	_ =	sdelay $0xb  }
0xcf: {  	s23 =	spop (v2sf)  }
0xd0: {  	s22 =	sadd.s32 s22, s23;
	s29 =	spop (v2sf)  }
0xd1: {  	s19 =	sshll.u32 s19, $0x8;
	s22 =	sadd.s32 s22, s29;
	s30 =	spop (v2sf)  }
0xd2: {  	s19 =	sor.u32 s19, s21;
	s22 =	sadd.s32 s22, s30;
	s31 =	spop (v2sf)  }
0xd3: {  	v5 =	vmov s19;
	s21 =	sadd.s32 s22, s31;
	s22 =	simm.s32 $0x0  }
.LBB2_16:
0xd4: {  	s23 =	sshra.s32 s22, $0x2  }
0xd5: {  	v6 =	vld [tilespmem:s23+$0x0];
	_ =	sdelay $0x4  }
0xd6: {  	v7 =	vshra.s32 v6, $0x8  }
0xd7: {  	vm0 =	veq.s32 v7, v5  }
0xd8: {  	v6 =	vand.u32 $0xFF, v6;
	_ =	sdelay $0x4  }
0xd9: {  	[tilespmem:v6+s15+$0x0] =	vst.idx.add.s32.msk vm0, v2  }
0xda: {  	v6 =	vld [tilespmem:s23+$0x10];
	_ =	sdelay $0x4  }
0xdb: {  	v7 =	vshra.s32 v6, $0x8  }
0xdc: {  	vm13 =	veq.s32 v7, v5  }
0xdd: {  	v6 =	vand.u32 $0xFF, v6;
	_ =	sdelay $0x4  }
0xde: {  	[tilespmem:v6+s15+$0x0] =	vst.idx.add.s32.msk vm13, v2  }
0xdf: {  	v6 =	vld [tilespmem:s23+$0x20];
	_ =	sdelay $0x4  }
0xe0: {  	v7 =	vshra.s32 v6, $0x8  }
0xe1: {  	vm14 =	veq.s32 v7, v5  }
0xe2: {  	v6 =	vand.u32 $0xFF, v6;
	_ =	sdelay $0x4  }
0xe3: {  	[tilespmem:v6+s15+$0x0] =	vst.idx.add.s32.msk vm14, v2  }
0xe4: {  	v6 =	vld [tilespmem:s23+$0x30];
	_ =	sdelay $0x4  }
0xe5: {  	v7 =	vshra.s32 v6, $0x8  }
0xe6: {  	vm15 =	veq.s32 v7, v5  }
0xe7: {  	p1 =	seq.s32 s22, $0x1FF00;
	v6 =	vand.u32 $0xFF, v6  }
.Ltmp7:
0xe8: {  	_ = 	snop;
	(pc) =	sbr.rel @!p1 .LBB2_16-.Ltmp7, $2  }
0xe9: {  	_ =	sdelay $0x2  }
0xea: {  	s22 =	sadd.s32 $0x100, s22;
	[tilespmem:v6+s15+$0x0] =	vst.idx.add.s32.msk vm15, v2  }
0xeb: {  	s20 =	sadd.s32 s20, s21  }
0xec: {  	s21 =	simm.s32 $0x0;
	s23 =	simm.s32 $0x100;
	s24 =	simm.s32 $0xC1F0  }
.LBB2_18:
0xed: {  	v5 =	vld [tilespmem:s24+$0x0];
	_ =	sdelay $0x4  }
0xee: {  	v6 =	vperm.xlane v5, v3;
	_ =	sdelay $0x1  }
0xef: {  	(xrf0) =	vadd.scan.msk.s32 $0xffff, v6;
	_ =	sdelay $0x5  }
0xf0: {  	s22 =	sadd.s32 s20, s21;
	v6, _, _ =	vpop (xrf0)  }
0xf1: {  	v6 =	vadd.s32 s22, v6  }
0xf2: {  	vm0 =	vgt.s32 v6, $0x1FF  }
0xf3: {  	v6 =	vsel vm0, $0x1, v1  }
0xf4: {  	(xrf0) =	vadd.scan.msk.s32 $0xffff, v6;
	v6 =	vnsel vm0, $0x80000010, v4  }
0xf5: {  	(xrf0) =	vmin.scan.msk.u32 $0xffff, v6;
	_ =	sdelay $0x4  }
0xf6: {  	v6, _, _ =	vpop (xrf0)  }
0xf7: {  	(xrf0) =	vadd.scan.msk.s32 $0xffff, v5;
	v5, _, _ =	vpop (xrf0);
	(v2sf) =	vpush v6, $0xF  }
0xf8: {  	(v2sf) =	vpush v5, $0xF;
	_ =	sdelay $0x7  }
0xf9: {  	v5, _, _ =	vpop (xrf0)  }
0xfa: {  	(v2sf) =	vpush v5, $0xF;
	_ =	sdelay $0x4  }
0xfb: {  	s30 =	spop (v2sf)  }
0xfc: {  	s25 =	spop (v2sf)  }
0xfd: {  	s25 =	sxor.u32 $0x7FFFFFFF, s25  }
0xfe: {  	p1 =	sgt.s32 s30, $0x0;
	s22 =	sadd.s32 s25, s23  }
0xff: {  	s22 =	simm.s32 @!p1 $0xFFFFFFFF;
	p1 =	seq.s32 s23, $0x10  }
0x100: {  	p2 =	slt.s32 @!p1 s22, $0x0  }
0x101: {  	p1 =	por p1, !p2  }
.Ltmp8:
0x102: {  	_ = 	snop;
	(pc) =	sbr.rel @!p1 .LBB2_18-.Ltmp8, $3  }
0x103: {  	_ =	sdelay $0x1  }
0x104: {  	s31 =	spop (v2sf)  }
0x105: {  	s24 =	sadd.s32 $0xFFFFFFF0, s24;
	s23 =	sadd.s32 $0xFFFFFFF0, s23;
	s21 =	sadd.s32 s21, s31  }
0x106: {  	s21 =	simm.s32 $0xC100  }
0x107: {  	s26 =	simm.s32 $0xC110;
	v6 =	vld [tilespmem:s21+$0x0]  }
0x108: {  	p1 =	sgt.s32 s22, $0x0;
	v7 =	vld [tilespmem:s26+$0x0]  }
0x109: {  	s23 =	simm.s32 $0x0;
	s22 =	simm.s32 @!p1 $0x0  }
0x10a: {  	s28 =	simm.s32 $0x10;
	v8 =	vor.u32 s23, v0;
	v5 =	vmov s22  }
0x10b: {  	vm0 =	vgt.u32 v8, v5;
	v8 =	vor.u32 s28, v0  }
0x10c: {  	vm13 =	vgt.u32 v8, v5;
	v6 =	vnsel vm0, $0x0, v6  }
0x10d: {  	(xrf0) =	vadd.scan.msk.s32 $0xffff, v6;
	v6 =	vnsel vm13, $0x0, v7  }
0x10e: {  	(xrf0) =	vadd.scan.msk.s32 $0xffff, v6  }
0x10f: {  	s31 =	simm.s32 $0x20  }
0x110: {  	s24 =	simm.s32 $0x30;
	v8 =	vor.u32 s31, v0  }
0x111: {  	vm14 =	vgt.u32 v8, v5;
	v8 =	vor.u32 s24, v0  }
0x112: {  	s29 =	simm.s32 $0xC120  }
0x113: {  	v6 =	vld [tilespmem:s29+$0x0];
	v9, _, _ =	vpop (xrf0)  }
0x114: {  	vm15 =	vgt.u32 v8, v5;
	(v2sf) =	vpush v9, $0xF;
	v8, _, _ =	vpop (xrf0)  }
0x115: {  	(v2sf) =	vpush v8, $0xF;
	_ =	sdelay $0x2  }
0x116: {  	s30 =	simm.s32 $0xC130;
	v6 =	vnsel vm14, $0x0, v6  }
0x117: {  	v7 =	vld [tilespmem:s30+$0x0];
	(xrf0) =	vadd.scan.msk.s32 $0xffff, v6;
	_ =	sdelay $0x4  }
0x118: {  	s21 =	simm.s32 $0x40;
	s24 =	simm.s32 $0xC140;
	v6 =	vnsel vm15, $0x0, v7  }
.LBB2_20:
0x119: {  	v7 =	vld [tilespmem:s24+$0x0];
	p1 =	sne.s32 s21, $0xF0;
	(xrf0) =	vadd.scan.msk.s32 $0xffff, v6;
	v6, _, _ =	vpop (xrf0);
	s25 =	smov.u32 s21;
	s21 =	sadd.s32 $0x10, s21  }
.Ltmp9:
0x11a: {  	(v2sf) =	vpush v6, $0xF;
	(pc) =	sbr.rel @p1 .LBB2_20-.Ltmp9, $4  }
0x11b: {  	_ = 	snop  }
0x11c: {  	v6 =	vor.u32 s25, v0  }
0x11d: {  	vm0 =	vgt.u32 v6, v5;
	s25 =	spop (v2sf)  }
0x11e: {  	s24 =	sadd.s32 $0x10, s24;
	v6 =	vnsel vm0, $0x0, v7;
	s23 =	sadd.s32 s23, s25  }
0x11f: {  	(xrf0) =	vadd.scan.msk.s32 $0xffff, v6;
	_ =	sdelay $0x4  }
0x120: {  	v5, _, _ =	vpop (xrf0)  }
0x121: {  	(v2sf) =	vpush v5, $0xF;
	v5, _, _ =	vpop (xrf0)  }
0x122: {  	(v2sf) =	vpush v5, $0xF;
	_ =	sdelay $0x2  }
0x123: {  	s21 =	simm.s32 $0x20  }
0x124: {  	v6 =	vld [tilespmem:s21+$0xFFFFFFE0];
	_ =	sdelay $0x1  }
0x125: {  	s19 =	sshll.u32 s19, $0x8  }
0x126: {  	s19 =	sor.u32 s19, s22  }
0x127: {  	v5 =	vmov s19  }
0x128: {  	vm0 =	veq.s32 v6, v5  }
0x129: {  	v7 =	vsel vm0, $0x1, v1  }
0x12a: {  	(xrf0) =	vadd.scan.msk.s32 $0xffff, v7  }
0x12b: {  	s25 =	spop (v2sf)  }
0x12c: {  	s19 =	sadd.s32 s23, s25;
	s26 =	spop (v2sf)  }
0x12d: {  	s19 =	sadd.s32 s19, s26;
	s28 =	spop (v2sf)  }
0x12e: {  	s19 =	sadd.s32 s19, s28;
	s29 =	spop (v2sf)  }
0x12f: {  	s19 =	sadd.s32 s19, s29  }
0x130: {  	v8, _, _ =	vpop (xrf0);
	s19 =	sadd.s32 s19, s20  }
0x131: {  	v7 =	vsub.s32 v8, v7;
	s19 =	ssub.s32 $0x200, s19  }
0x132: {  	vm1 =	vlt.s32 v7, s19  }
0x133: {  	vm0 =	vmand vm0, vm1  }
0x134: {  	v7 =	vsel vm0, $0x1, v1  }
0x135: {  	(xrf0) =	vadd.scan.msk.s32 $0xffff, v7;
	_ =	sdelay $0x4  }
0x136: {  	s30 =	simm.s32 $0x0;
	vm1 =	vgt.s32 v6, v5  }
0x137: {  	vm0 =	vmor vm1, vm0;
	v7 =	vor.u32 s30, v0;
	v8, _, _ =	vpop (xrf0)  }
0x138: {  	[tilespmem:s30+$0xC200] =	vst.msk vm0, v7;
	(v2sf) =	vpush v8, $0xF  }
0x139: {  	[tilespmem:s30+$0xC480] =	vst.msk vm0, v6  }
0x13a: {  	v6 =	vsel vm0, $0x1, v1;
	v7 =	vld [tilespmem:s21+$0xFFFFFFF0]  }
0x13b: {  	(xrf0) =	vadd.scan.msk.s32 $0xffff, v6;
	_ =	sdelay $0x3  }
0x13c: {  	vm0 =	veq.s32 v7, v5  }
0x13d: {  	v6 =	vsel vm0, $0x1, v1  }
0x13e: {  	v8, _, _ =	vpop (xrf0);
	(xrf0) =	vadd.scan.msk.s32 $0xffff, v6  }
0x13f: {  	(v2sf) =	vpush v8, $0xF;
	_ =	sdelay $0x4  }
0x140: {  	v8, _, _ =	vpop (xrf0);
	s31 =	spop (v2sf)  }
0x141: {  	v6 =	vsub.s32 v8, v6;
	s19 =	ssub.s32 s19, s31  }
0x142: {  	vm1 =	vlt.s32 v6, s19  }
0x143: {  	vm0 =	vmand vm0, vm1  }
0x144: {  	v6 =	vsel vm0, $0x1, v1  }
0x145: {  	(xrf0) =	vadd.scan.msk.s32 $0xffff, v6;
	_ =	sdelay $0x4  }
0x146: {  	s23 =	simm.s32 $0x10;
	vm1 =	vgt.s32 v7, v5;
	s22 =	spop (v2sf)  }
0x147: {  	vm0 =	vmor vm1, vm0;
	v6 =	vor.u32 s23, v0;
	s20 =	sadd.s32 $0x0, s22;
	v8, _, _ =	vpop (xrf0)  }
0x148: {  	[tilespmem:s20+$0xC200] =	vst.msk vm0, v6;
	(v2sf) =	vpush v8, $0xF  }
0x149: {  	[tilespmem:s20+$0xC480] =	vst.msk vm0, v7  }
0x14a: {  	v6 =	vsel vm0, $0x1, v1;
	v7 =	vld [tilespmem:s21+$0x0]  }
0x14b: {  	(xrf0) =	vadd.scan.msk.s32 $0xffff, v6;
	_ =	sdelay $0x3  }
0x14c: {  	vm0 =	veq.s32 v7, v5  }
0x14d: {  	v6 =	vsel vm0, $0x1, v1  }
0x14e: {  	v8, _, _ =	vpop (xrf0);
	(xrf0) =	vadd.scan.msk.s32 $0xffff, v6  }
0x14f: {  	(v2sf) =	vpush v8, $0xF;
	_ =	sdelay $0x4  }
0x150: {  	v8, _, _ =	vpop (xrf0);
	s24 =	spop (v2sf)  }
0x151: {  	v6 =	vsub.s32 v8, v6;
	s19 =	ssub.s32 s19, s24  }
0x152: {  	vm1 =	vlt.s32 v6, s19  }
0x153: {  	vm0 =	vmand vm0, vm1  }
0x154: {  	v6 =	vsel vm0, $0x1, v1  }
0x155: {  	(xrf0) =	vadd.scan.msk.s32 $0xffff, v6;
	_ =	sdelay $0x4  }
0x156: {  	s26 =	simm.s32 $0x20;
	vm1 =	vgt.s32 v7, v5;
	s25 =	spop (v2sf)  }
0x157: {  	vm0 =	vmor vm1, vm0;
	v6 =	vor.u32 s26, v0;
	s20 =	sadd.s32 s20, s25;
	v8, _, _ =	vpop (xrf0)  }
0x158: {  	[tilespmem:s20+$0xC200] =	vst.msk vm0, v6;
	(v2sf) =	vpush v8, $0xF  }
0x159: {  	[tilespmem:s20+$0xC480] =	vst.msk vm0, v7  }
0x15a: {  	v6 =	vsel vm0, $0x1, v1;
	v7 =	vld [tilespmem:s21+$0x10]  }
0x15b: {  	(xrf0) =	vadd.scan.msk.s32 $0xffff, v6;
	_ =	sdelay $0x3  }
0x15c: {  	vm0 =	veq.s32 v7, v5  }
0x15d: {  	v6 =	vsel vm0, $0x1, v1  }
0x15e: {  	v8, _, _ =	vpop (xrf0);
	(xrf0) =	vadd.scan.msk.s32 $0xffff, v6  }
0x15f: {  	(v2sf) =	vpush v8, $0xF;
	_ =	sdelay $0x4  }
0x160: {  	v8, _, _ =	vpop (xrf0);
	s28 =	spop (v2sf)  }
0x161: {  	v6 =	vsub.s32 v8, v6;
	s29 =	ssub.s32 s19, s28  }
0x162: {  	vm1 =	vlt.s32 v6, s29  }
0x163: {  	vm2 =	vgt.s32 v7, v5;
	vm0 =	vmand vm0, vm1  }
0x164: {  	vm1 =	vmor vm2, vm0;
	v6 =	vsel vm0, $0x1, v1  }
0x165: {  	v8 =	vsel vm1, $0x1, v1;
	(xrf0) =	vadd.scan.msk.s32 $0xffff, v6  }
0x166: {  	(xrf0) =	vadd.scan.msk.s32 $0xffff, v8;
	_ =	sdelay $0x1  }
0x167: {  	s30 =	simm.s32 $0x30  }
0x168: {  	v6 =	vor.u32 s30, v0  }
0x169: {  	s31 =	spop (v2sf)  }
0x16a: {  	s22 =	sadd.s32 s20, s31;
	v8, _, _ =	vpop (xrf0)  }
0x16b: {  	[tilespmem:s22+$0xC200] =	vst.msk vm1, v6;
	v6, _, _ =	vpop (xrf0);
	(v2sf) =	vpush v8, $0xF  }
0x16c: {  	s20 =	simm.s32 $0x60;
	[tilespmem:s22+$0xC480] =	vst.msk vm1, v7;
	(v2sf) =	vpush v6, $0xF  }
0x16d: {  	v6 =	vld [tilespmem:s20+$0xFFFFFFE0];
	_ =	sdelay $0x4  }
0x16e: {  	vm0 =	veq.s32 v6, v5  }
0x16f: {  	v7 =	vsel vm0, $0x1, v1  }
0x170: {  	(xrf0) =	vadd.scan.msk.s32 $0xffff, v7;
	_ =	sdelay $0x5  }
0x171: {  	s21 =	simm.s32 $0x80;
	v8, _, _ =	vpop (xrf0);
	s24 =	spop (v2sf)  }
0x172: {  	s19 =	simm.s32 $0x40;
	v7 =	vsub.s32 v8, v7;
	s23 =	ssub.s32 s29, s24;
	s24 =	spop (v2sf)  }
.LBB2_22:
0x173: {  	p1 =	sne.s32 s21, $0x7FC0  }
0x174: {  	vm1 =	vlt.s32 v7, s23;
	s24 =	sadd.s32 s22, s24;
	s22 =	smov.u32 s21;
	s21 =	sadd.s32 $0x40, s21  }
0x175: {  	vm2 =	vgt.s32 v6, v5;
	vm0 =	vmand vm0, vm1  }
0x176: {  	v7 =	vor.u32 s19, v0;
	vm1 =	vmor vm2, vm0;
	v8 =	vsel vm0, $0x1, v1  }
0x177: {  	[tilespmem:s24+$0xC200] =	vst.msk vm1, v7;
	v7 =	vsel vm1, $0x1, v1;
	(xrf0) =	vadd.scan.msk.s32 $0xffff, v8  }
0x178: {  	[tilespmem:s24+$0xC480] =	vst.msk vm1, v6;
	(xrf0) =	vadd.scan.msk.s32 $0xffff, v7  }
0x179: {  	v6 =	vld [tilespmem:s20+$0xFFFFFFF0];
	_ =	sdelay $0x3  }
0x17a: {  	v7, _, _ =	vpop (xrf0)  }
0x17b: {  	v8, _, _ =	vpop (xrf0);
	(v2sf) =	vpush v7, $0xF  }
0x17c: {  	(v2sf) =	vpush v8, $0xF;
	_ =	sdelay $0x5  }
0x17d: {  	vm0 =	veq.s32 v6, v5  }
0x17e: {  	v7 =	vsel vm0, $0x1, v1  }
0x17f: {  	(xrf0) =	vadd.scan.msk.s32 $0xffff, v7;
	_ =	sdelay $0x5  }
0x180: {  	s25 =	spop (v2sf);
	v8, _, _ =	vpop (xrf0)  }
0x181: {  	s23 =	ssub.s32 s23, s25;
	v7 =	vsub.s32 v8, v7;
	s25 =	spop (v2sf)  }
0x182: {  	vm1 =	vlt.s32 v7, s23  }
0x183: {  	s26 =	sadd.s32 $0x10, s19;
	vm2 =	vgt.s32 v6, v5;
	vm0 =	vmand vm0, vm1  }
0x184: {  	s24 =	sadd.s32 s24, s25;
	v7 =	vor.u32 s26, v0;
	vm1 =	vmor vm2, vm0;
	v8 =	vsel vm0, $0x1, v1  }
0x185: {  	[tilespmem:s24+$0xC200] =	vst.msk vm1, v7;
	v7 =	vsel vm1, $0x1, v1;
	(xrf0) =	vadd.scan.msk.s32 $0xffff, v8  }
0x186: {  	[tilespmem:s24+$0xC480] =	vst.msk vm1, v6;
	(xrf0) =	vadd.scan.msk.s32 $0xffff, v7  }
0x187: {  	v6 =	vld [tilespmem:s20+$0x0];
	_ =	sdelay $0x3  }
0x188: {  	v7, _, _ =	vpop (xrf0)  }
0x189: {  	v8, _, _ =	vpop (xrf0);
	(v2sf) =	vpush v7, $0xF  }
0x18a: {  	(v2sf) =	vpush v8, $0xF;
	_ =	sdelay $0x5  }
0x18b: {  	vm0 =	veq.s32 v6, v5  }
0x18c: {  	v7 =	vsel vm0, $0x1, v1  }
0x18d: {  	(xrf0) =	vadd.scan.msk.s32 $0xffff, v7;
	_ =	sdelay $0x5  }
0x18e: {  	s25 =	spop (v2sf);
	v8, _, _ =	vpop (xrf0)  }
0x18f: {  	s23 =	ssub.s32 s23, s25;
	v7 =	vsub.s32 v8, v7;
	s25 =	spop (v2sf)  }
0x190: {  	vm1 =	vlt.s32 v7, s23  }
0x191: {  	s26 =	sadd.s32 $0x20, s19;
	vm2 =	vgt.s32 v6, v5;
	vm0 =	vmand vm0, vm1  }
0x192: {  	s24 =	sadd.s32 s24, s25;
	v7 =	vor.u32 s26, v0;
	vm1 =	vmor vm2, vm0;
	v8 =	vsel vm0, $0x1, v1  }
0x193: {  	[tilespmem:s24+$0xC200] =	vst.msk vm1, v7;
	v7 =	vsel vm1, $0x1, v1;
	(xrf0) =	vadd.scan.msk.s32 $0xffff, v8  }
0x194: {  	[tilespmem:s24+$0xC480] =	vst.msk vm1, v6;
	(xrf0) =	vadd.scan.msk.s32 $0xffff, v7  }
0x195: {  	v6 =	vld [tilespmem:s20+$0x10];
	_ =	sdelay $0x3  }
0x196: {  	v7, _, _ =	vpop (xrf0)  }
0x197: {  	v8, _, _ =	vpop (xrf0);
	(v2sf) =	vpush v7, $0xF;
	_ =	sdelay $0x2  }
0x198: {  	(v2sf) =	vpush v8, $0xF;
	_ =	sdelay $0x3  }
0x199: {  	vm0 =	veq.s32 v6, v5  }
0x19a: {  	v7 =	vsel vm0, $0x1, v1  }
0x19b: {  	(xrf0) =	vadd.scan.msk.s32 $0xffff, v7;
	_ =	sdelay $0x5  }
0x19c: {  	s25 =	spop (v2sf);
	v8, _, _ =	vpop (xrf0)  }
0x19d: {  	s23 =	ssub.s32 s23, s25;
	v7 =	vsub.s32 v8, v7  }
0x19e: {  	vm1 =	vlt.s32 v7, s23  }
0x19f: {  	vm2 =	vgt.s32 v6, v5;
	s25 =	sadd.s32 $0x30, s19;
	s19 =	smov.u32 s22;
	vm0 =	vmand vm0, vm1;
	s26 =	spop (v2sf)  }
0x1a0: {  	v7 =	vor.u32 s25, v0;
	s22 =	sadd.s32 s24, s26;
	vm1 =	vmor vm2, vm0;
	v8 =	vsel vm0, $0x1, v1  }
0x1a1: {  	[tilespmem:s22+$0xC200] =	vst.msk vm1, v7;
	v7 =	vsel vm1, $0x1, v1;
	(xrf0) =	vadd.scan.msk.s32 $0xffff, v8  }
0x1a2: {  	[tilespmem:s22+$0xC480] =	vst.msk vm1, v6;
	(xrf0) =	vadd.scan.msk.s32 $0xffff, v7;
	_ =	sdelay $0x4  }
0x1a3: {  	v6, _, _ =	vpop (xrf0)  }
0x1a4: {  	v7, _, _ =	vpop (xrf0);
	(v2sf) =	vpush v6, $0xF  }
0x1a5: {  	s20 =	sadd.s32 $0x40, s20;
	(v2sf) =	vpush v7, $0xF  }
0x1a6: {  	v6 =	vld [tilespmem:s20+$0xFFFFFFE0];
	_ =	sdelay $0x4  }
0x1a7: {  	vm0 =	veq.s32 v6, v5  }
0x1a8: {  	v7 =	vsel vm0, $0x1, v1  }
0x1a9: {  	(xrf0) =	vadd.scan.msk.s32 $0xffff, v7;
	_ =	sdelay $0x2  }
.Ltmp10:
0x1aa: {  	(pc) =	sbr.rel @p1 .LBB2_22-.Ltmp10, $3  }
0x1ab: {  	_ =	sdelay $0x1  }
0x1ac: {  	v8, _, _ =	vpop (xrf0);
	s24 =	spop (v2sf)  }
0x1ad: {  	v7 =	vsub.s32 v8, v7;
	s23 =	ssub.s32 s23, s24;
	s24 =	spop (v2sf)  }
0x1ae: {  	vm1 =	vlt.s32 v7, s23  }
0x1af: {  	vm0 =	vmand vm0, vm1  }
0x1b0: {  	v7 =	vsel vm0, $0x1, v1  }
0x1b1: {  	(xrf0) =	vadd.scan.msk.s32 $0xffff, v7;
	_ =	sdelay $0x4  }
0x1b2: {  	vm7 =	vgt.s32 v6, v5  }
0x1b3: {  	s21 =	sadd.s32 s22, s24;
	vm0 =	vmor vm7, vm0;
	v7 =	vor.u32 s19, v0;
	v8, _, _ =	vpop (xrf0)  }
0x1b4: {  	[tilespmem:s21+$0xC200] =	vst.msk vm0, v7;
	(v2sf) =	vpush v8, $0xF  }
0x1b5: {  	[tilespmem:s21+$0xC480] =	vst.msk vm0, v6  }
0x1b6: {  	v6 =	vsel vm0, $0x1, v1;
	v7 =	vld [tilespmem:s20+$0xFFFFFFF0]  }
0x1b7: {  	(xrf0) =	vadd.scan.msk.s32 $0xffff, v6;
	_ =	sdelay $0x3  }
0x1b8: {  	vm8 =	veq.s32 v7, v5  }
0x1b9: {  	v6 =	vsel vm8, $0x1, v1  }
0x1ba: {  	v57, _, _ =	vpop (xrf0);
	(xrf0) =	vadd.scan.msk.s32 $0xffff, v6  }
0x1bb: {  	(v2sf) =	vpush v57, $0xF;
	_ =	sdelay $0x4  }
0x1bc: {  	v58, _, _ =	vpop (xrf0);
	s25 =	spop (v2sf)  }
0x1bd: {  	v6 =	vsub.s32 v58, v6;
	s22 =	ssub.s32 s23, s25  }
0x1be: {  	vm9 =	vlt.s32 v6, s22  }
0x1bf: {  	vm0 =	vmand vm8, vm9  }
0x1c0: {  	v6 =	vsel vm0, $0x1, v1  }
0x1c1: {  	(xrf0) =	vadd.scan.msk.s32 $0xffff, v6;
	_ =	sdelay $0x4  }
0x1c2: {  	s28 =	sadd.s32 $0x10, s19;
	vm10 =	vgt.s32 v7, v5;
	s26 =	spop (v2sf)  }
0x1c3: {  	s21 =	sadd.s32 s21, s26;
	vm0 =	vmor vm10, vm0;
	v6 =	vor.u32 s28, v0;
	v59, _, _ =	vpop (xrf0)  }
0x1c4: {  	[tilespmem:s21+$0xC200] =	vst.msk vm0, v6;
	(v2sf) =	vpush v59, $0xF  }
0x1c5: {  	[tilespmem:s21+$0xC480] =	vst.msk vm0, v7  }
0x1c6: {  	v6 =	vsel vm0, $0x1, v1;
	v7 =	vld [tilespmem:s20+$0x0]  }
0x1c7: {  	(xrf0) =	vadd.scan.msk.s32 $0xffff, v6;
	_ =	sdelay $0x3  }
0x1c8: {  	vm11 =	veq.s32 v7, v5  }
0x1c9: {  	v6 =	vsel vm11, $0x1, v1  }
0x1ca: {  	v60, _, _ =	vpop (xrf0);
	(xrf0) =	vadd.scan.msk.s32 $0xffff, v6  }
0x1cb: {  	(v2sf) =	vpush v60, $0xF;
	_ =	sdelay $0x4  }
0x1cc: {  	v61, _, _ =	vpop (xrf0);
	s29 =	spop (v2sf)  }
0x1cd: {  	v6 =	vsub.s32 v61, v6;
	s22 =	ssub.s32 s22, s29  }
0x1ce: {  	vm12 =	vlt.s32 v6, s22  }
0x1cf: {  	vm0 =	vmand vm11, vm12  }
0x1d0: {  	v6 =	vsel vm0, $0x1, v1  }
0x1d1: {  	(xrf0) =	vadd.scan.msk.s32 $0xffff, v6;
	_ =	sdelay $0x4  }
0x1d2: {  	s31 =	sadd.s32 $0x20, s19;
	vm13 =	vgt.s32 v7, v5;
	s30 =	spop (v2sf)  }
0x1d3: {  	vm0 =	vmor vm13, vm0;
	v6 =	vor.u32 s31, v0;
	s21 =	sadd.s32 s21, s30;
	v62, _, _ =	vpop (xrf0)  }
0x1d4: {  	[tilespmem:s21+$0xC200] =	vst.msk vm0, v6;
	(v2sf) =	vpush v62, $0xF  }
0x1d5: {  	[tilespmem:s21+$0xC480] =	vst.msk vm0, v7  }
0x1d6: {  	v6 =	vld [tilespmem:s20+$0x10];
	_ =	sdelay $0x4  }
0x1d7: {  	v7 =	vsel vm0, $0x1, v1;
	vm14 =	veq.s32 v6, v5  }
0x1d8: {  	(xrf0) =	vadd.scan.msk.s32 $0xffff, v7;
	v7 =	vsel vm14, $0x1, v1  }
0x1d9: {  	(xrf0) =	vadd.scan.msk.s32 $0xffff, v7;
	_ =	sdelay $0x4  }
0x1da: {  	v63, _, _ =	vpop (xrf0)  }
0x1db: {  	v9, _, _ =	vpop (xrf0);
	s25 =	spop (v2sf)  }
0x1dc: {  	v7 =	vsub.s32 v9, v7;
	s20 =	ssub.s32 s22, s25  }
0x1dd: {  	vm15 =	vlt.s32 v7, s20  }
0x1de: {  	vm2 =	vgt.s32 v6, v5;
	vm0 =	vmand vm14, vm15  }
0x1df: {  	vm1 =	vmor vm2, vm0;
	v5 =	vsel vm0, $0x1, v1  }
0x1e0: {  	v7 =	vsel vm1, $0x1, v1;
	(xrf0) =	vadd.scan.msk.s32 $0xffff, v5  }
0x1e1: {  	(xrf0) =	vadd.scan.msk.s32 $0xffff, v7  }
0x1e2: {  	(v2sf) =	vpush v63, $0xF;
	_ =	sdelay $0x3  }
0x1e3: {  	v5, _, _ =	vpop (xrf0)  }
0x1e4: {  	v7, _, _ =	vpop (xrf0);
	(v2sf) =	vpush v5, $0xF  }
0x1e5: {  	(v2sf) =	vpush v7, $0xF;
	_ =	sdelay $0x8  }
0x1e6: {  	s28 =	sadd.s32 $0x30, s19;
	s26 =	spop (v2sf)  }
0x1e7: {  	s18 =	sor.u32 s7, s18;
	s20 =	sadd.s32 s21, s26;
	v5 =	vor.u32 s28, v0  }
0x1e8: {  	s19 =	sshrl.u32 s18, $0x3;
	[tilespmem:s20+$0xC200] =	vst.msk vm1, v5  }
0x1e9: {  	s18 =	simm.s32 $0x80;
	s31 =	sadd.s32 s4, s19;
	[tilespmem:s20+$0xC480] =	vst.msk vm1, v6  }
0x1ea: {  	[hbm4b:s31+s18] =	stream.strided.scatter [tilespmem:s16], [sflag:$0x1], $0x200, s11, s18, $0x38;
	[tilespmem:$0xC700] =	vst v63  }
0x1eb: {  	s29 =	spop (v2sf)  }
0x1ec: {  	s30 =	spop (v2sf)  }
0x1ed: {  	_ =	swait.ge [sflag:s12], $0x200  }
0x1ee: {  	[sflag:s12] =	ssyncset.done $0x0  }
.Ltmp11:
0x1ef: {  	s19 =	sadd.s32 s5, s19;
	[sflag:s12] =	ssyncadd.s32 $0xFFFFFE00;
	(pc) =	sbr.rel @p0 .LBB2_2-.Ltmp11, $4  }
0x1f0: {  	[hbm4b:s19+s18] =	stream.strided.scatter [tilespmem:s17], [sflag:$0x1], $0x200, s11, s18, $0x38;
	[tilespmem:$0xC700] =	vst v63  }
0x1f1: {  	_ =	swait.ge [sflag:s12], $0x200  }
0x1f2: {  	[sflag:s12] =	ssyncset.done $0x0  }
0x1f3: {  	p1 =	por $0x0, $0x0;
	[sflag:s12] =	ssyncadd.s32 $0xFFFFFE00  }
0x1f4: {  	s2 =	sadd.s32 $0x1, s2  }
0x1f5: {  	p0 =	sne.s32 s2, s8  }
.Ltmp12:
0x1f6: {  	_ = 	snop;
	(pc) =	sbr.rel @p0 .LBB2_1-.Ltmp12, $1  }
0x1f7: {  	_ =	sdelay $0x3  }
0x1f8: {  	_ =	sfence.sel $0x180000  }
0x1f9: {  	[bflag:$0x0] =	sbarrier.arrive $0xFFFF  }
0x1fa: {  	p0 =	sne.s32 s3, $0x0;
	_ =	strace $0x90000047  }
0x1fb: {  	s0 =	sadd.s32 @!p0 $0x100000, s0;
	[bflag:$0x2] =	sbarrier.arrive $0xFFFF  }
0x1fc: {  	[sflag:s0] =	ssyncadd.tile.s32 @!p0 $0x1;
	_ =	shalt  }
.Lfunc_end2:
_tile_overlayer_lowered:
.L_overlay_start_2:
0x1fd: {  	(tag) =	ssettag $0x2  }
0x1fe: {  	s0 =	rddreg [dreg:$0x0];
	s2 =	stileid.u32  }
0x1ff: {  	s1 =	rddreg [dreg:$0x1];
	p0 =	sne.s32 s2, $0x0  }
0x200: {  	s3 =	rddreg [dreg:$0x2];
	[bflag:$0x3] =	sbarrier.arrive $0xFFFF;
	s2 =	simm.s32 @!p0 $0x1C01  }
0x201: {  	[timem:s3], [sflag:s2] =	dma.local @!p0 [hbm:s0], s1  }
0x202: {  	s0 =	simm.s32 @!p0 $0x1  }
0x203: {  	_ =	swait.ge @!p0 [sflag:s0], s1  }
0x204: {  	s1 =	ssub.s32 @!p0 $0x0, s1;
	[sflag:s0] =	ssyncset.done @!p0 $0x0  }
0x205: {  	[sflag:s0] =	ssyncadd.s32 @!p0 s1  }
0x206: {  	[bflag:$0x3] =	sbarrier.arrive $0xFFFF  }
0x207: {  	_ =	shalt  }

// kernel: kernel.9.cloned.1.call-start
scs
__scs_entry_jumppad:
0x0: {  	(pc) =	sbr.rel $0x88, $3  }
0x1: {  	(tag) =	ssettag $0x0;
	lr =	simm.s32 $0x1  }
0x2: {  	[smem:$0x3F9B] =	sst lr;
	_ =	strace $0xD0000000  }
0x3: {  	_ = 	snop  }
0x4: {  	_ = 	snop  }
0x5: {  	_ = 	snop  }
0x6: {  	_ = 	snop  }
0x7: {  	_ = 	snop  }
__scs_overlays_trampoline_lowered:
0x8: {  	[smem:$0x3FAA] =	sst s0  }
0x9: {  	[smem:$0x3FAB] =	sst s1  }
0xa: {  	[smem:$0x3FAC] =	sst s2  }
0xb: {  	[smem:$0x3FAD] =	sst s3  }
0xc: {  	[smem:$0x3FAE] =	sst s4  }
0xd: {  	[smem:$0x3FAF] =	sst s5  }
0xe: {  	[smem:$0x3FB0] =	sst s6  }
0xf: {  	[smem:$0x3FB1] =	sst s7  }
0x10: {  	[smem:$0x3FB2] =	sst s8  }
0x11: {  	[smem:$0x3FB3] =	sst s9;
	s0 =	simm.s32 @!p0 $0x0  }
0x12: {  	s1 =	sld [smem:$0x3F99];
	s0 =	simm.s32 @p0 $0x1  }
0x13: {  	[smem:$0x3FB4] =	sst s0;
	s0 =	simm.s32 @!p1 $0x0  }
0x14: {  	s2 =	sld [smem:$0x3F98];
	s0 =	simm.s32 @p1 $0x1  }
0x15: {  	[smem:$0x3FB5] =	sst s0;
	s0 =	simm.s32 @!p2 $0x0  }
0x16: {  	s3 =	sld [smem:$0x3FDB];
	s0 =	simm.s32 @p2 $0x1  }
0x17: {  	s4 =	simm.s32 $0x1BF5;
	[smem:$0x3FB7] =	sst s0  }
0x18: {  	s0 =	sld [smem:$0x3F9A];
	_ =	swait.ge [sflag:s4], $0x0  }
0x19: {  	s7 =	sld [smem:$0x3F9B]  }
0x1a: {  	s8 =	sadd.s32 $0xFFFFE003, lr  }
0x1b: {  	s9 =	sadd.s32 $0xFFFFFEF7, lr;
	s5 =	simm.s32 $0xFFFFFFFF;
	p2 =	slt.u32 s8, $0xFFFFF086  }
0x1c: {  	p1 =	slt.u32 s9, $0xF7A;
	s5 =	simm.s32 @!p2 $0x0  }
0x1d: {  	s5 =	simm.s32 @p1 $0x1;
	p0 =	seq.s32 s7, s2  }
0x1e: {  	s7 =	smul.u32 @!p0 $0xF7A, s2;
	p2 =	seq.s32 @!p0 s5, $0x0  }
0x1f: {  	s9 =	smul.u32 $0xF7A, s1;
	s8 =	simm.s32 @!p0 $0x1BF5;
	p2 =	por !p2, p0  }
0x20: {  	[sflag:s8] =	ssyncset.s32 @!p0 $0xFFFFF086;
	s6 =	sadd.s32 @!p0 s3, s7;
	s7 =	simm.s32 @!p0 $0x108  }
0x21: {  	s3 =	sadd.s32 s3, s9;
	s6 =	sadd.s32 @!p0 $0x88, s6;
	s7 =	simm.s32 @p2 $0x1082  }
0x22: {  	[simem:s7], [sflag:s8] =	dma.local @!p0 [hbm:s6], $0xF7A  }
0x23: {  	s9 =	sor.u32 $0xD0000000, s2;
	s6 =	simm.s32 $0x108;
	_ =	swait.ge @!p0 [sflag:s8], $0x0  }
0x24: {  	s3 =	sadd.s32 $0x88, s3;
	s6 =	simm.s32 @!p1 $0x1082;
	[sflag:s4] =	ssyncset.s32 $0xFFFFF086  }
0x25: {  	[simem:s6], [sflag:s4] =	dma.local [hbm:s3], $0xF7A  }
0x26: {  	[smem:$0x3F9B] =	sst s1;
	(tag) =	ssettag s2;
	_ =	strace s9  }
0x27: {  	s1 =	sld [smem:$0x3FAB]  }
0x28: {  	s2 =	sld [smem:$0x3FAC]  }
0x29: {  	s4 =	sld [smem:$0x3FAE]  }
0x2a: {  	p0 =	seq.s32 s5, $0x0;
	s5 =	sld [smem:$0x3FAF]  }
0x2b: {  	s6 =	sld [smem:$0x3FB0]  }
0x2c: {  	s7 =	sld [smem:$0x3FB1]  }
0x2d: {  	s3 =	simm.s32 $0x108;
	s8 =	sld [smem:$0x3FB2]  }
0x2e: {  	s3 =	simm.s32 @!p0 $0x1082;
	s9 =	sld [smem:$0x3FB3]  }
0x2f: {  	lr =	sadd.s32 s0, s3;
	s0 =	sld [smem:$0x3FAA]  }
0x30: {  	s3 =	sld [smem:$0x3FAD]  }
0x31: {  	[smem:$0x3FB6] =	sst s10  }
0x32: {  	s10 =	sld [smem:$0x3FB4];
	_ =	sdelay $0x3  }
0x33: {  	p0 =	seq.s32 s10, $0x1;
	s10 =	sld [smem:$0x3FB6];
	_ =	sdelay $0x3  }
0x34: {  	[smem:$0x3FB6] =	sst s10  }
0x35: {  	s10 =	sld [smem:$0x3FB5];
	_ =	sdelay $0x3  }
0x36: {  	p1 =	seq.s32 s10, $0x1;
	s10 =	sld [smem:$0x3FB6];
	_ =	sdelay $0x3  }
0x37: {  	[smem:$0x3FB6] =	sst s10  }
0x38: {  	s10 =	sld [smem:$0x3FB7]  }
0x39: {  	_ = 	snop;
	(pc) =	sbr.ind lr, $3  }
0x3a: {  	_ = 	snop  }
0x3b: {  	_ = 	snop  }
0x3c: {  	p2 =	seq.s32 s10, $0x1;
	s10 =	sld [smem:$0x3FB6]  }
0x3d: {  	_ =	shalt  }
0x3e: {  	_ =	shalt  }
0x3f: {  	_ =	shalt  }
0x40: {  	_ =	shalt  }
0x41: {  	_ =	shalt  }
0x42: {  	_ =	shalt  }
0x43: {  	_ =	shalt  }
0x44: {  	_ =	shalt  }
0x45: {  	_ =	shalt  }
0x46: {  	_ =	shalt  }
0x47: {  	_ =	shalt  }
0x48: {  	_ =	shalt  }
0x49: {  	_ =	shalt  }
0x4a: {  	_ =	shalt  }
0x4b: {  	_ =	shalt  }
0x4c: {  	_ =	shalt  }
0x4d: {  	_ =	shalt  }
0x4e: {  	_ =	shalt  }
0x4f: {  	_ =	shalt  }
0x50: {  	_ =	shalt  }
0x51: {  	_ =	shalt  }
0x52: {  	_ =	shalt  }
0x53: {  	_ =	shalt  }
0x54: {  	_ =	shalt  }
0x55: {  	_ =	shalt  }
0x56: {  	_ =	shalt  }
0x57: {  	_ =	shalt  }
0x58: {  	_ =	shalt  }
0x59: {  	_ =	shalt  }
0x5a: {  	_ =	shalt  }
0x5b: {  	_ =	shalt  }
0x5c: {  	_ =	shalt  }
0x5d: {  	_ =	shalt  }
0x5e: {  	_ =	shalt  }
0x5f: {  	_ =	shalt  }
0x60: {  	_ =	shalt  }
0x61: {  	_ =	shalt  }
0x62: {  	_ =	shalt  }
0x63: {  	_ =	shalt  }
0x64: {  	_ =	shalt  }
0x65: {  	_ =	shalt  }
0x66: {  	_ =	shalt  }
0x67: {  	_ =	shalt  }
0x68: {  	_ =	shalt  }
0x69: {  	_ =	shalt  }
0x6a: {  	_ =	shalt  }
0x6b: {  	_ =	shalt  }
0x6c: {  	_ =	shalt  }
0x6d: {  	_ =	shalt  }
0x6e: {  	_ =	shalt  }
0x6f: {  	_ =	shalt  }
0x70: {  	_ =	shalt  }
0x71: {  	_ =	shalt  }
0x72: {  	_ =	shalt  }
0x73: {  	_ =	shalt  }
0x74: {  	_ =	shalt  }
0x75: {  	_ =	shalt  }
0x76: {  	_ =	shalt  }
0x77: {  	_ =	shalt  }
0x78: {  	_ =	shalt  }
0x79: {  	_ =	shalt  }
0x7a: {  	_ =	shalt  }
0x7b: {  	_ =	shalt  }
0x7c: {  	_ =	shalt  }
0x7d: {  	_ =	shalt  }
0x7e: {  	_ =	shalt  }
0x7f: {  	_ =	shalt  }
0x80: {  	_ =	shalt  }
0x81: {  	_ =	shalt  }
0x82: {  	_ =	shalt  }
0x83: {  	_ =	shalt  }
0x84: {  	_ =	shalt  }
0x85: {  	_ =	shalt  }
0x86: {  	_ =	shalt  }
0x87: {  	_ =	shalt  }
.Lfunc_end0:
.L_simem_size_0:
called_computation.2_lowered:
.L_overlay_start_0:
0x88: {  	s2 =	sld [smem:$0x3FD9]  }
0x89: {  	s3 =	sld [smem:$0x3FFE];
	_ =	sdelay $0x1  }
0x8a: {  	s1 =	srdreg.scid  }
0x8b: {  	s0 =	sand.u32 $0x1, s1  }
0x8c: {  	s15 =	sshll.u32 s0, $0xA;
	s2 =	sadd.s32 s3, s2  }
0x8d: {  	s2 =	sadd.s32 s2, s15  }
0x8e: {  	[smem:$0x3FC2] =	sst s2  }
0x8f: {  	_ = 	snop  }
0x90: {  	s2 =	sld [smem:$0x3FD0];
	_ =	sdelay $0x2  }
0x91: {  	s4 =	simm.s32 $0xA;
	s5 =	simm.s32 $0x10;
	s16 =	sld [smem:$0x3FC9]  }
0x92: {  	[smem:s5], [sflag:s4] =	dma.local [hbm:s2], $0x1  }
0x93: {  	_ =	swait.eq [sflag:s4], $0x1  }
0x94: {  	[sflag:s4] =	ssyncset.done $0x0  }
0x95: {  	s17 =	sld [smem:$0x10];
	[sflag:s4] =	ssyncadd.s32 $0xFFFFFFFF  }
0x96: {  	s18 =	sld [smem:$0x11];
	(tm) =	ssettm $0x1  }
0x97: {  	s19 =	sld [smem:$0x3FFB];
	_ =	sdelay $0x3  }
0x98: {  	_ =	strace s19  }
0x99: {  	s5 =	sld [smem:$0x3FFC];
	_ =	sdelay $0x3  }
0x9a: {  	_ =	strace s5  }
0x9b: {  	s5 =	sld [smem:$0x3FFD];
	_ =	sdelay $0x3  }
0x9c: {  	_ =	strace s5  }
0x9d: {  	_ =	strace $0x8FFFFFFF  }
0x9e: {  	s20 =	sld [smem:$0x3FDB];
	_ =	sdelay $0x1  }
0x9f: {  	s6 =	simm.s32 $_scs_section_size  }
0xa0: {  	s7 =	simm.s32 $_size__tile_overlayer_lowered;
	s8 =	simm.s32 $_tile_overlayer_lowered  }
0xa1: {  	s23 =	simm.s32 $0x1BFF;
	s22 =	sshll.u32 s8, $0x1;
	s5 =	sadd.s32 s6, s20  }
0xa2: {  	s9 =	simm.s32 $0x0;
	s21 =	sshll.u32 s7, $0x1;
	s7 =	sadd.s32 s22, s5  }
0xa3: {  	[timem:s9], [sflag:s23] =	dma.local [hbm:s7], s21  }
0xa4: {  	_ =	swait.ge [sflag:s23], s21  }
0xa5: {  	s6 =	ssub.s32 $0x0, s21;
	[sflag:s23] =	ssyncset.done $0x0  }
0xa6: {  	[sflag:s23] =	ssyncadd.s32 s6;
	_ =	sdelay $0x1  }
0xa7: {  	s24 =	simm.s32 $0x1B8B  }
0xa8: {  	_ =	swait.ge [sflag:s24], $0x1  }
0xa9: {  	[sflag:s24] =	ssyncset.done $0x0  }
0xaa: {  	s25 =	simm.s32 $0x1B8E;
	[sflag:s24] =	ssyncadd.s32 $0xFFFFFFFF  }
0xab: {  	s26 =	simm.s32 $execute0_lowered;
	[smem:$0x3FD2] =	sst s25  }
0xac: {  	s6 =	sshll.u32 s26, $0x1;
	_ =	strace $0x80000049;
	[dreg:$0x1] =	wrdreg $0xFFFFFFFF  }
0xad: {  	s28 =	simm.s32 $_size_execute0_lowered;
	s5 =	sadd.s32 s5, s6;
	[dreg:$0x0] =	wrdreg $0x0  }
0xae: {  	s6 =	sshll.u32 s28, $0x1;
	[dreg:$0x2] =	wrdreg s5  }
0xaf: {  	[dreg:$0x3] =	wrdreg s6  }
0xb0: {  	[dreg:$0x4] =	wrdreg $0xC0  }
0xb1: {  	_ =	task [dreg:s9], $0x5FFFF  }
0xb2: {  	[dreg:$0x1] =	wrdreg $0xFFFFFFFF  }
0xb3: {  	[dreg:$0x0] =	wrdreg $0x60  }
0xb4: {  	[dreg:$0x2] =	wrdreg s16  }
0xb5: {  	[dreg:$0x3] =	wrdreg s18  }
0xb6: {  	[dreg:$0x4] =	wrdreg s17  }
0xb7: {  	[dreg:$0x5] =	wrdreg $0x9  }
0xb8: {  	_ =	task.clear_ibuf [dreg:s9], $0x6FFFF;
	_ =	strace $0x90000049  }
0xb9: {  	s29 =	simm.s32 $0x9;
	_ =	strace $0x8000004B  }
0xba: {  	_ =	swait.ge [sflag:s29], $0x1  }
0xbb: {  	[sflag:s29] =	ssyncadd.s32 $0xFFFFFFFF  }
0xbc: {  	_ =	strace $0x9000004B  }
0xbd: {  	_ =	sfence  }
0xbe: {  	s30 =	sld [smem:$0x0];
	_ =	sdelay $0x2  }
0xbf: {  	s31 =	sshll.u32 s1, $0xD;
	s1 =	sshrl.u32 s1, $0x2  }
0xc0: {  	s3 =	sand.u32 $0x4000, s31;
	s1 =	sadd.s32 s1, s30  }
0xc1: {  	s0 =	sor.u32 s3, s0;
	s1 =	sshll.u32 s1, $0x11  }
0xc2: {  	s0 =	sor.u32 s1, s0  }
0xc3: {  	s0 =	sadd.s32 $0x8F2B, s0  }
0xc4: {  	[sflag:s0] =	ssyncadd.remote.s32 $0x1  }
0xc5: {  	_ =	sfence.sel $0xFFFF  }
0xc6: {  	[dreg:$0x0] =	wrdreg $0xFFFFFFFF;
	(pc) =	sbr.abs _section_cstart, $3  }
0xc7: {  	[dreg:$0x1] =	wrdreg $0xFFFFFFFF  }
0xc8: {  	_ =	task.clear_ibuf [dreg:s9], $0x2FFFF;
	_ =	strace $0x9FFFFFFF  }
0xc9: {  	(tm) =	ssettm $0x7FFFFFFF  }
tec
execute0_lowered:
.L_overlay_start_1:
0x0: {  	(tag) =	ssettag $0x1  }
0x1: {  	s1 =	rddreg [dreg:$0x0]  }
0x2: {  	s4 =	rddreg [dreg:$0x1]  }
0x3: {  	s0 =	rddreg [dreg:$0x2];
	s3 =	simm.s32 $0x0  }
0x4: {  	s20 =	simm.s32 $0x880;
	[smem:$0x7FF] =	sst s3  }
0x5: {  	s21 =	simm.s32 $0x1080;
	_ =	strace $0x8000004A;
	[dreg:$0x5] =	wrdreg s20  }
0x6: {  	s22 =	simm.s32 $0x1880;
	[dreg:$0x6] =	wrdreg s21  }
0x7: {  	s23 =	simm.s32 $0x2080;
	[dreg:$0x7] =	wrdreg s22  }
0x8: {  	s24 =	simm.s32 $0x2880;
	[dreg:$0x8] =	wrdreg s23  }
0x9: {  	s2 =	srdreg.scid;
	s25 =	simm.s32 $0x3080;
	[dreg:$0x9] =	wrdreg s24  }
0xa: {  	s8 =	stileid.u32;
	s26 =	simm.s32 $0x3880;
	[dreg:$0xa] =	wrdreg s25  }
0xb: {  	s6 =	simm.s32 $0x4880;
	s7 =	simm.s32 $0x5080;
	[dreg:$0xb] =	wrdreg s26  }
0xc: {  	s9 =	simm.s32 $0x5880;
	s10 =	simm.s32 $0x6080;
	[dreg:$0xd] =	wrdreg s6  }
0xd: {  	s11 =	simm.s32 $0x6880;
	s12 =	simm.s32 $0x7080;
	[dreg:$0xe] =	wrdreg s7  }
0xe: {  	s13 =	simm.s32 $0x7880;
	s14 =	simm.s32 $0x8080;
	[dreg:$0xf] =	wrdreg s9  }
0xf: {  	s15 =	simm.s32 $0x8880;
	s16 =	simm.s32 $0x9080;
	[dreg:$0x10] =	wrdreg s10  }
0x10: {  	s18 =	simm.s32 $0x9880;
	s28 =	simm.s32 $0x17080;
	[dreg:$0x11] =	wrdreg s11  }
0x11: {  	s29 =	simm.s32 $0x17880;
	s30 =	simm.s32 $0x1;
	[dreg:$0x12] =	wrdreg s12  }
0x12: {  	s31 =	simm.s32 $0x0;
	s2 =	sand.u32 $0x1, s2;
	[dreg:$0x13] =	wrdreg s13  }
0x13: {  	s5 =	sshll.u32 s8, $0x8;
	s8 =	smul.u32 $0x30000, s8;
	[dreg:$0x14] =	wrdreg s14  }
0x14: {  	s4 =	sadd.s32 s5, s4;
	s19 =	sshll.u32 s2, $0x7;
	[dreg:$0x15] =	wrdreg s15  }
0x15: {  	s5 =	simm.s32 $0x4080;
	s17 =	ssub.s32 $0x2, s2;
	[dreg:$0x16] =	wrdreg s16  }
0x16: {  	[dreg:$0x17] =	wrdreg s18;
	s20 =	simm.s32 $0xA880;
	s7 =	simm.s32 $0xB080  }
0x17: {  	s21 =	simm.s32 $0xB880;
	s22 =	simm.s32 $0xC080;
	s23 =	simm.s32 $0xC880  }
0x18: {  	s2 =	smul.u32 $0x18000, s2;
	s24 =	simm.s32 $0xD080;
	s25 =	simm.s32 $0xD880  }
0x19: {  	s26 =	simm.s32 $0xE080;
	s9 =	simm.s32 $0x80;
	[dreg:$0xc] =	wrdreg s5  }
0x1a: {  	s10 =	simm.s32 $0xE880;
	s11 =	simm.s32 $0xF080;
	[dreg:$0x19] =	wrdreg s20  }
0x1b: {  	s12 =	simm.s32 $0xF880;
	s13 =	simm.s32 $0x10080;
	[dreg:$0x1a] =	wrdreg s7  }
0x1c: {  	s14 =	simm.s32 $0x10880;
	s15 =	simm.s32 $0x11080;
	[dreg:$0x1b] =	wrdreg s21  }
0x1d: {  	s16 =	simm.s32 $0x11880;
	s18 =	simm.s32 $0x12880;
	[dreg:$0x1c] =	wrdreg s22  }
0x1e: {  	s4 =	sadd.s32 s19, s4;
	s6 =	sshrl.u32 s17, $0x1;
	[dreg:$0x1d] =	wrdreg s23  }
0x1f: {  	s19 =	simm.s32 $0xA080;
	s5 =	sadd.s32 $0x200, s1;
	[dreg:$0x1e] =	wrdreg s24  }
0x20: {  	s0 =	sadd.s32 s8, s0;
	[dreg:$0x1f] =	wrdreg s25;
	s8 =	simm.s32 $0x2  }
0x21: {  	[smem:$0x7FD] =	sst s26;
	s20 =	simm.s32 $0x13880;
	s21 =	simm.s32 $0x14080  }
0x22: {  	s22 =	simm.s32 $0x14880;
	s23 =	simm.s32 $0x15080;
	s24 =	simm.s32 $0x15880  }
0x23: {  	s25 =	simm.s32 $0x16080;
	s26 =	simm.s32 $0x16880;
	[dreg:$0x4] =	wrdreg s4  }
0x24: {  	v2 =	vlaneseq.u32;
	s6 =	ssub.s32 s17, s6;
	[dreg:$0x18] =	wrdreg s19;
	s0 =	sadd.s32 s2, s0  }
0x25: {  	vm0 =	vmmov $0xffff;
	v1 =	vshrl.u32 v2, $0x3;
	s4 =	sadd.s32 $0x100, s1;
	s6 =	smax.u32 s6, $0x1;
	[smem:$0x7FC] =	sst s0  }
0x26: {  	v0 =	vand.u32 $0x7, v2;
	v2 =	vor.u32 $0x8, v2;
	v1 =	vmul.u32 $0x8, v1;
	s17 =	simm.s32 $0x12080;
	s19 =	simm.s32 $0x13080;
	[smem:$0x7FB] =	sst s6  }
.LBB2_1:
0x27: {  	s7 =	sld [smem:$0x7FC];
	s2 =	simm.s32 $0x0  }
.LBB2_2:
0x28: {  	s6 =	rddreg [dreg:$0x4]  }
0x29: {  	s6 =	sadd.s32 s2, s6  }
0x2a: {  	[tilespmem:s3], [sflag:$0x2] =	stream.linear.gather [hbm4b:s6+s3], $0x80, $0x38;
	[tilespmem:$0x18080] =	vst v63  }
0x2b: {  	_ =	swait.ge [sflag:s8], $0x80  }
0x2c: {  	[sflag:s8] =	ssyncset.done $0x0  }
0x2d: {  	[sflag:s8] =	ssyncadd.s32 $0xFFFFFF80  }
0x2e: {  	v3 =	vld [tilespmem:$0x0];
	_ =	sdelay $0x4  }
0x2f: {  	v4 =	vshrl.u32 v3, $0x3  }
0x30: {  	v4 =	vmul.u32 $0x30, v4  }
0x31: {  	v3 =	vand.u32 $0x7, v3  }
0x32: {  	v3 =	vor.u32 v3, v4  }
0x33: {  	v4 =	vperm.xlane v3, v0;
	_ =	sdelay $0x1  }
0x34: {  	v4 =	vadd.s32 v1, v4;
	_ =	sdelay $0x3  }
0x35: {  	v3 =	vperm.xlane v3, v2  }
0x36: {  	[tilespmem:s9], [sflag:$0x1] =	stream.indirect_vreg.gather [hbm4b:s1+s3], $0x80, v4, vm0, $0xb8;
	[tilespmem:$0x18080] =	vst v63  }
0x37: {  	s6 =	rddreg [dreg:$0x5];
	v3 =	vadd.s32 v1, v3  }
0x38: {  	[tilespmem:s6], [sflag:$0x1] =	stream.indirect_vreg.gather [hbm4b:s4+s3], $0x80, v4, vm0, $0xb8;
	[tilespmem:$0x18080] =	vst v63  }
0x39: {  	s0 =	rddreg [dreg:$0x6]  }
0x3a: {  	[tilespmem:s0], [sflag:$0x1] =	stream.indirect_vreg.gather [hbm4b:s5+s3], $0x80, v4, vm0, $0xb8;
	[tilespmem:$0x18080] =	vst v63  }
0x3b: {  	s6 =	rddreg [dreg:$0x7]  }
0x3c: {  	[tilespmem:s6], [sflag:$0x1] =	stream.indirect_vreg.gather [hbm4b:s1+s3], $0x80, v3, vm0, $0xb8;
	[tilespmem:$0x18080] =	vst v63  }
0x3d: {  	s0 =	rddreg [dreg:$0x8]  }
0x3e: {  	[tilespmem:s0], [sflag:$0x1] =	stream.indirect_vreg.gather [hbm4b:s4+s3], $0x80, v3, vm0, $0xb8;
	[tilespmem:$0x18080] =	vst v63  }
0x3f: {  	s6 =	rddreg [dreg:$0x9]  }
0x40: {  	[tilespmem:s6], [sflag:$0x1] =	stream.indirect_vreg.gather [hbm4b:s5+s3], $0x80, v3, vm0, $0xb8;
	[tilespmem:$0x18080] =	vst v63  }
0x41: {  	v3 =	vld [tilespmem:$0x10];
	_ =	sdelay $0x4  }
0x42: {  	v57 =	vshrl.u32 v3, $0x3  }
0x43: {  	v4 =	vmul.u32 $0x30, v57  }
0x44: {  	v3 =	vand.u32 $0x7, v3  }
0x45: {  	v3 =	vor.u32 v3, v4  }
0x46: {  	v4 =	vperm.xlane v3, v0;
	_ =	sdelay $0x1  }
0x47: {  	v4 =	vadd.s32 v1, v4;
	_ =	sdelay $0x3  }
0x48: {  	s0 =	rddreg [dreg:$0xa];
	v3 =	vperm.xlane v3, v2  }
0x49: {  	[tilespmem:s0], [sflag:$0x1] =	stream.indirect_vreg.gather [hbm4b:s1+s3], $0x80, v4, vm0, $0xb8;
	[tilespmem:$0x18080] =	vst v63  }
0x4a: {  	s6 =	rddreg [dreg:$0xb];
	v3 =	vadd.s32 v1, v3  }
0x4b: {  	[tilespmem:s6], [sflag:$0x1] =	stream.indirect_vreg.gather [hbm4b:s4+s3], $0x80, v4, vm0, $0xb8;
	[tilespmem:$0x18080] =	vst v63  }
0x4c: {  	s0 =	rddreg [dreg:$0xc]  }
0x4d: {  	[tilespmem:s0], [sflag:$0x1] =	stream.indirect_vreg.gather [hbm4b:s5+s3], $0x80, v4, vm0, $0xb8;
	[tilespmem:$0x18080] =	vst v63  }
0x4e: {  	s6 =	rddreg [dreg:$0xd]  }
0x4f: {  	[tilespmem:s6], [sflag:$0x1] =	stream.indirect_vreg.gather [hbm4b:s1+s3], $0x80, v3, vm0, $0xb8;
	[tilespmem:$0x18080] =	vst v63  }
0x50: {  	s0 =	rddreg [dreg:$0xe]  }
0x51: {  	[tilespmem:s0], [sflag:$0x1] =	stream.indirect_vreg.gather [hbm4b:s4+s3], $0x80, v3, vm0, $0xb8;
	[tilespmem:$0x18080] =	vst v63  }
0x52: {  	s6 =	rddreg [dreg:$0xf]  }
0x53: {  	[tilespmem:s6], [sflag:$0x1] =	stream.indirect_vreg.gather [hbm4b:s5+s3], $0x80, v3, vm0, $0xb8;
	[tilespmem:$0x18080] =	vst v63  }
0x54: {  	v3 =	vld [tilespmem:$0x20];
	_ =	sdelay $0x4  }
0x55: {  	v58 =	vshrl.u32 v3, $0x3  }
0x56: {  	v4 =	vmul.u32 $0x30, v58  }
0x57: {  	v3 =	vand.u32 $0x7, v3  }
0x58: {  	v3 =	vor.u32 v3, v4  }
0x59: {  	v4 =	vperm.xlane v3, v0;
	_ =	sdelay $0x1  }
0x5a: {  	v4 =	vadd.s32 v1, v4;
	_ =	sdelay $0x3  }
0x5b: {  	s0 =	rddreg [dreg:$0x10];
	v3 =	vperm.xlane v3, v2  }
0x5c: {  	[tilespmem:s0], [sflag:$0x1] =	stream.indirect_vreg.gather [hbm4b:s1+s3], $0x80, v4, vm0, $0xb8;
	[tilespmem:$0x18080] =	vst v63  }
0x5d: {  	s6 =	rddreg [dreg:$0x11];
	v3 =	vadd.s32 v1, v3  }
0x5e: {  	[tilespmem:s6], [sflag:$0x1] =	stream.indirect_vreg.gather [hbm4b:s4+s3], $0x80, v4, vm0, $0xb8;
	[tilespmem:$0x18080] =	vst v63  }
0x5f: {  	s0 =	rddreg [dreg:$0x12]  }
0x60: {  	[tilespmem:s0], [sflag:$0x1] =	stream.indirect_vreg.gather [hbm4b:s5+s3], $0x80, v4, vm0, $0xb8;
	[tilespmem:$0x18080] =	vst v63  }
0x61: {  	s6 =	rddreg [dreg:$0x13]  }
0x62: {  	[tilespmem:s6], [sflag:$0x1] =	stream.indirect_vreg.gather [hbm4b:s1+s3], $0x80, v3, vm0, $0xb8;
	[tilespmem:$0x18080] =	vst v63  }
0x63: {  	s0 =	rddreg [dreg:$0x14]  }
0x64: {  	[tilespmem:s0], [sflag:$0x1] =	stream.indirect_vreg.gather [hbm4b:s4+s3], $0x80, v3, vm0, $0xb8;
	[tilespmem:$0x18080] =	vst v63  }
0x65: {  	s6 =	rddreg [dreg:$0x15]  }
0x66: {  	[tilespmem:s6], [sflag:$0x1] =	stream.indirect_vreg.gather [hbm4b:s5+s3], $0x80, v3, vm0, $0xb8;
	[tilespmem:$0x18080] =	vst v63  }
0x67: {  	v3 =	vld [tilespmem:$0x30];
	_ =	sdelay $0x4  }
0x68: {  	v59 =	vshrl.u32 v3, $0x3  }
0x69: {  	v4 =	vmul.u32 $0x30, v59  }
0x6a: {  	v3 =	vand.u32 $0x7, v3  }
0x6b: {  	v3 =	vor.u32 v3, v4  }
0x6c: {  	v4 =	vperm.xlane v3, v0;
	_ =	sdelay $0x1  }
0x6d: {  	v4 =	vadd.s32 v1, v4;
	_ =	sdelay $0x3  }
0x6e: {  	s0 =	rddreg [dreg:$0x16];
	v3 =	vperm.xlane v3, v2  }
0x6f: {  	[tilespmem:s0], [sflag:$0x1] =	stream.indirect_vreg.gather [hbm4b:s1+s3], $0x80, v4, vm0, $0xb8;
	[tilespmem:$0x18080] =	vst v63  }
0x70: {  	s6 =	rddreg [dreg:$0x17];
	v3 =	vadd.s32 v1, v3  }
0x71: {  	[tilespmem:s6], [sflag:$0x1] =	stream.indirect_vreg.gather [hbm4b:s4+s3], $0x80, v4, vm0, $0xb8;
	[tilespmem:$0x18080] =	vst v63  }
0x72: {  	s0 =	rddreg [dreg:$0x18]  }
0x73: {  	[tilespmem:s0], [sflag:$0x1] =	stream.indirect_vreg.gather [hbm4b:s5+s3], $0x80, v4, vm0, $0xb8;
	[tilespmem:$0x18080] =	vst v63  }
0x74: {  	s6 =	rddreg [dreg:$0x19]  }
0x75: {  	[tilespmem:s6], [sflag:$0x1] =	stream.indirect_vreg.gather [hbm4b:s1+s3], $0x80, v3, vm0, $0xb8;
	[tilespmem:$0x18080] =	vst v63  }
0x76: {  	s0 =	rddreg [dreg:$0x1a]  }
0x77: {  	[tilespmem:s0], [sflag:$0x1] =	stream.indirect_vreg.gather [hbm4b:s4+s3], $0x80, v3, vm0, $0xb8;
	[tilespmem:$0x18080] =	vst v63  }
0x78: {  	s6 =	rddreg [dreg:$0x1b]  }
0x79: {  	[tilespmem:s6], [sflag:$0x1] =	stream.indirect_vreg.gather [hbm4b:s5+s3], $0x80, v3, vm0, $0xb8;
	[tilespmem:$0x18080] =	vst v63  }
0x7a: {  	v3 =	vld [tilespmem:$0x40];
	_ =	sdelay $0x4  }
0x7b: {  	v60 =	vshrl.u32 v3, $0x3  }
0x7c: {  	v4 =	vmul.u32 $0x30, v60  }
0x7d: {  	v3 =	vand.u32 $0x7, v3  }
0x7e: {  	v3 =	vor.u32 v3, v4  }
0x7f: {  	v4 =	vperm.xlane v3, v0;
	_ =	sdelay $0x1  }
0x80: {  	v4 =	vadd.s32 v1, v4;
	_ =	sdelay $0x2  }
0x81: {  	s0 =	rddreg [dreg:$0x1c]  }
0x82: {  	s6 =	rddreg [dreg:$0x1d];
	v3 =	vperm.xlane v3, v2  }
0x83: {  	[tilespmem:s0], [sflag:$0x1] =	stream.indirect_vreg.gather [hbm4b:s1+s3], $0x80, v4, vm0, $0xb8;
	[tilespmem:$0x18080] =	vst v63  }
0x84: {  	v3 =	vadd.s32 v1, v3;
	s0 =	rddreg [dreg:$0x1e]  }
0x85: {  	[tilespmem:s6], [sflag:$0x1] =	stream.indirect_vreg.gather [hbm4b:s4+s3], $0x80, v4, vm0, $0xb8;
	[tilespmem:$0x18080] =	vst v63  }
0x86: {  	s6 =	rddreg [dreg:$0x1f]  }
0x87: {  	[tilespmem:s0], [sflag:$0x1] =	stream.indirect_vreg.gather [hbm4b:s5+s3], $0x80, v4, vm0, $0xb8;
	[tilespmem:$0x18080] =	vst v63  }
0x88: {  	s0 =	sld [smem:$0x7FD]  }
0x89: {  	[tilespmem:s6], [sflag:$0x1] =	stream.indirect_vreg.gather [hbm4b:s1+s3], $0x80, v3, vm0, $0xb8;
	[tilespmem:$0x18080] =	vst v63  }
0x8a: {  	_ = 	snop  }
0x8b: {  	[tilespmem:s0], [sflag:$0x1] =	stream.indirect_vreg.gather [hbm4b:s4+s3], $0x80, v3, vm0, $0xb8;
	[tilespmem:$0x18080] =	vst v63  }
0x8c: {  	_ = 	snop  }
0x8d: {  	[tilespmem:s10], [sflag:$0x1] =	stream.indirect_vreg.gather [hbm4b:s5+s3], $0x80, v3, vm0, $0xb8;
	[tilespmem:$0x18080] =	vst v63  }
0x8e: {  	v3 =	vld [tilespmem:$0x50];
	_ =	sdelay $0x4  }
0x8f: {  	v61 =	vshrl.u32 v3, $0x3  }
0x90: {  	v4 =	vmul.u32 $0x30, v61  }
0x91: {  	v3 =	vand.u32 $0x7, v3  }
0x92: {  	v3 =	vor.u32 v3, v4  }
0x93: {  	v4 =	vperm.xlane v3, v0;
	_ =	sdelay $0x1  }
0x94: {  	v4 =	vadd.s32 v1, v4;
	_ =	sdelay $0x3  }
0x95: {  	v3 =	vperm.xlane v3, v2  }
0x96: {  	[tilespmem:s11], [sflag:$0x1] =	stream.indirect_vreg.gather [hbm4b:s1+s3], $0x80, v4, vm0, $0xb8;
	[tilespmem:$0x18080] =	vst v63  }
0x97: {  	v3 =	vadd.s32 v1, v3  }
0x98: {  	[tilespmem:s12], [sflag:$0x1] =	stream.indirect_vreg.gather [hbm4b:s4+s3], $0x80, v4, vm0, $0xb8;
	[tilespmem:$0x18080] =	vst v63  }
0x99: {  	_ = 	snop  }
0x9a: {  	[tilespmem:s13], [sflag:$0x1] =	stream.indirect_vreg.gather [hbm4b:s5+s3], $0x80, v4, vm0, $0xb8;
	[tilespmem:$0x18080] =	vst v63  }
0x9b: {  	_ = 	snop  }
0x9c: {  	[tilespmem:s14], [sflag:$0x1] =	stream.indirect_vreg.gather [hbm4b:s1+s3], $0x80, v3, vm0, $0xb8;
	[tilespmem:$0x18080] =	vst v63  }
0x9d: {  	_ = 	snop  }
0x9e: {  	[tilespmem:s15], [sflag:$0x1] =	stream.indirect_vreg.gather [hbm4b:s4+s3], $0x80, v3, vm0, $0xb8;
	[tilespmem:$0x18080] =	vst v63  }
0x9f: {  	_ = 	snop  }
0xa0: {  	[tilespmem:s16], [sflag:$0x1] =	stream.indirect_vreg.gather [hbm4b:s5+s3], $0x80, v3, vm0, $0xb8;
	[tilespmem:$0x18080] =	vst v63  }
0xa1: {  	v3 =	vld [tilespmem:$0x60];
	_ =	sdelay $0x4  }
0xa2: {  	v62 =	vshrl.u32 v3, $0x3  }
0xa3: {  	v4 =	vmul.u32 $0x30, v62  }
0xa4: {  	v3 =	vand.u32 $0x7, v3  }
0xa5: {  	v3 =	vor.u32 v3, v4  }
0xa6: {  	v4 =	vperm.xlane v3, v0;
	_ =	sdelay $0x1  }
0xa7: {  	v4 =	vadd.s32 v1, v4;
	_ =	sdelay $0x3  }
0xa8: {  	v3 =	vperm.xlane v3, v2  }
0xa9: {  	[tilespmem:s17], [sflag:$0x1] =	stream.indirect_vreg.gather [hbm4b:s1+s3], $0x80, v4, vm0, $0xb8;
	[tilespmem:$0x18080] =	vst v63  }
0xaa: {  	v3 =	vadd.s32 v1, v3  }
0xab: {  	[tilespmem:s18], [sflag:$0x1] =	stream.indirect_vreg.gather [hbm4b:s4+s3], $0x80, v4, vm0, $0xb8;
	[tilespmem:$0x18080] =	vst v63  }
0xac: {  	_ = 	snop  }
0xad: {  	[tilespmem:s19], [sflag:$0x1] =	stream.indirect_vreg.gather [hbm4b:s5+s3], $0x80, v4, vm0, $0xb8;
	[tilespmem:$0x18080] =	vst v63  }
0xae: {  	_ = 	snop  }
0xaf: {  	[tilespmem:s20], [sflag:$0x1] =	stream.indirect_vreg.gather [hbm4b:s1+s3], $0x80, v3, vm0, $0xb8;
	[tilespmem:$0x18080] =	vst v63  }
0xb0: {  	_ = 	snop  }
0xb1: {  	[tilespmem:s21], [sflag:$0x1] =	stream.indirect_vreg.gather [hbm4b:s4+s3], $0x80, v3, vm0, $0xb8;
	[tilespmem:$0x18080] =	vst v63  }
0xb2: {  	_ = 	snop  }
0xb3: {  	[tilespmem:s22], [sflag:$0x1] =	stream.indirect_vreg.gather [hbm4b:s5+s3], $0x80, v3, vm0, $0xb8;
	[tilespmem:$0x18080] =	vst v63  }
0xb4: {  	v3 =	vld [tilespmem:$0x70];
	_ =	sdelay $0x4  }
0xb5: {  	v63 =	vshrl.u32 v3, $0x3  }
0xb6: {  	v4 =	vmul.u32 $0x30, v63  }
0xb7: {  	v3 =	vand.u32 $0x7, v3  }
0xb8: {  	v3 =	vor.u32 v3, v4  }
0xb9: {  	v4 =	vperm.xlane v3, v0;
	_ =	sdelay $0x1  }
0xba: {  	v4 =	vadd.s32 v1, v4;
	_ =	sdelay $0x3  }
0xbb: {  	v3 =	vperm.xlane v3, v2  }
0xbc: {  	[tilespmem:s23], [sflag:$0x1] =	stream.indirect_vreg.gather [hbm4b:s1+s3], $0x80, v4, vm0, $0xb8;
	[tilespmem:$0x18080] =	vst v63  }
0xbd: {  	v3 =	vadd.s32 v1, v3  }
0xbe: {  	[tilespmem:s24], [sflag:$0x1] =	stream.indirect_vreg.gather [hbm4b:s4+s3], $0x80, v4, vm0, $0xb8;
	[tilespmem:$0x18080] =	vst v63  }
0xbf: {  	_ = 	snop  }
0xc0: {  	[tilespmem:s25], [sflag:$0x1] =	stream.indirect_vreg.gather [hbm4b:s5+s3], $0x80, v4, vm0, $0xb8;
	[tilespmem:$0x18080] =	vst v63  }
0xc1: {  	_ = 	snop  }
0xc2: {  	[tilespmem:s26], [sflag:$0x1] =	stream.indirect_vreg.gather [hbm4b:s1+s3], $0x80, v3, vm0, $0xb8;
	[tilespmem:$0x18080] =	vst v63  }
0xc3: {  	_ = 	snop  }
0xc4: {  	[tilespmem:s28], [sflag:$0x1] =	stream.indirect_vreg.gather [hbm4b:s4+s3], $0x80, v3, vm0, $0xb8;
	[tilespmem:$0x18080] =	vst v63  }
0xc5: {  	_ = 	snop  }
0xc6: {  	[tilespmem:s29], [sflag:$0x1] =	stream.indirect_vreg.gather [hbm4b:s5+s3], $0x80, v3, vm0, $0xb8;
	[tilespmem:$0x18080] =	vst v63  }
0xc7: {  	_ =	swait.ge [sflag:s30], $0x18000  }
0xc8: {  	p0 =	sne.s32 s2, $0x70;
	[sflag:s30] =	ssyncset.done $0x0  }
.Ltmp0:
0xc9: {  	[sflag:s30] =	ssyncadd.s32 $0xFFFE8000;
	(pc) =	sbr.rel @p0 .LBB2_2-.Ltmp0, $4  }
0xca: {  	[hbm4b:s7+s3] =	stream.linear.scatter [tilespmem:s9], [sflag:$0x2], $0x18000, $0x38;
	[tilespmem:$0x18080] =	vst v63  }
0xcb: {  	_ =	swait.ge [sflag:s8], $0x18000  }
0xcc: {  	[sflag:s8] =	ssyncset.done $0x0  }
0xcd: {  	s2 =	sadd.s32 $0x10, s2;
	s7 =	sadd.s32 $0x3000, s7;
	[sflag:s8] =	ssyncadd.s32 $0xFFFE8000  }
0xce: {  	s0 =	sld [smem:$0x7FB];
	_ =	sdelay $0x1  }
0xcf: {  	s31 =	sadd.s32 $0x1, s31  }
0xd0: {  	p0 =	sne.s32 s31, s0  }
.Ltmp1:
0xd1: {  	_ = 	snop;
	(pc) =	sbr.rel @p0 .LBB2_1-.Ltmp1, $1  }
0xd2: {  	_ =	sdelay $0x3  }
0xd3: {  	_ =	sfence.sel $0x180000  }
0xd4: {  	[bflag:$0x0] =	sbarrier.arrive $0xFFFF  }
0xd5: {  	_ =	strace $0x9000004A  }
0xd6: {  	s0 =	stileid.u32;
	[bflag:$0x2] =	sbarrier.arrive $0xFFFF  }
0xd7: {  	p0 =	sne.s32 s0, $0x0;
	s0 =	rddreg [dreg:$0x3]  }
0xd8: {  	s0 =	sadd.s32 @!p0 $0x100000, s0  }
0xd9: {  	[sflag:s0] =	ssyncadd.tile.s32 @!p0 $0x1;
	_ =	shalt  }
.Lfunc_end2:
_tile_overlayer_lowered:
.L_overlay_start_2:
0xda: {  	(tag) =	ssettag $0x2  }
0xdb: {  	s0 =	rddreg [dreg:$0x0];
	s2 =	stileid.u32  }
0xdc: {  	s1 =	rddreg [dreg:$0x1];
	p0 =	sne.s32 s2, $0x0  }
0xdd: {  	s3 =	rddreg [dreg:$0x2];
	[bflag:$0x3] =	sbarrier.arrive $0xFFFF;
	s2 =	simm.s32 @!p0 $0x1C02  }
0xde: {  	[timem:s3], [sflag:s2] =	dma.local @!p0 [hbm:s0], s1  }
0xdf: {  	s0 =	simm.s32 @!p0 $0x2  }
0xe0: {  	_ =	swait.ge @!p0 [sflag:s0], s1  }
0xe1: {  	s1 =	ssub.s32 @!p0 $0x0, s1;
	[sflag:s0] =	ssyncset.done @!p0 $0x0  }
0xe2: {  	[sflag:s0] =	ssyncadd.s32 @!p0 s1  }
0xe3: {  	[bflag:$0x3] =	sbarrier.arrive $0xFFFF  }
0xe4: {  	_ =	shalt  }

// kernel: scatter_offload_async_start
scs
__scs_entry_jumppad:
0x0: {  	(pc) =	sbr.rel $0x88, $3  }
0x1: {  	(tag) =	ssettag $0x0;
	lr =	simm.s32 $0x1  }
0x2: {  	[smem:$0x3F9B] =	sst lr;
	_ =	strace $0xD0000000  }
0x3: {  	_ = 	snop  }
0x4: {  	_ = 	snop  }
0x5: {  	_ = 	snop  }
0x6: {  	_ = 	snop  }
0x7: {  	_ = 	snop  }
__scs_overlays_trampoline_lowered:
0x8: {  	[smem:$0x3FAA] =	sst s0  }
0x9: {  	[smem:$0x3FAB] =	sst s1  }
0xa: {  	[smem:$0x3FAC] =	sst s2  }
0xb: {  	[smem:$0x3FAD] =	sst s3  }
0xc: {  	[smem:$0x3FAE] =	sst s4  }
0xd: {  	[smem:$0x3FAF] =	sst s5  }
0xe: {  	[smem:$0x3FB0] =	sst s6  }
0xf: {  	[smem:$0x3FB1] =	sst s7  }
0x10: {  	[smem:$0x3FB2] =	sst s8  }
0x11: {  	[smem:$0x3FB3] =	sst s9;
	s0 =	simm.s32 @!p0 $0x0  }
0x12: {  	s1 =	sld [smem:$0x3F99];
	s0 =	simm.s32 @p0 $0x1  }
0x13: {  	[smem:$0x3FB4] =	sst s0;
	s0 =	simm.s32 @!p1 $0x0  }
0x14: {  	s2 =	sld [smem:$0x3F98];
	s0 =	simm.s32 @p1 $0x1  }
0x15: {  	[smem:$0x3FB5] =	sst s0;
	s0 =	simm.s32 @!p2 $0x0  }
0x16: {  	s3 =	sld [smem:$0x3FDB];
	s0 =	simm.s32 @p2 $0x1  }
0x17: {  	s4 =	simm.s32 $0x1BF5;
	[smem:$0x3FB7] =	sst s0  }
0x18: {  	s0 =	sld [smem:$0x3F9A];
	_ =	swait.ge [sflag:s4], $0x0  }
0x19: {  	s7 =	sld [smem:$0x3F9B]  }
0x1a: {  	s8 =	sadd.s32 $0xFFFFE003, lr  }
0x1b: {  	s9 =	sadd.s32 $0xFFFFFEF7, lr;
	s5 =	simm.s32 $0xFFFFFFFF;
	p2 =	slt.u32 s8, $0xFFFFF086  }
0x1c: {  	p1 =	slt.u32 s9, $0xF7A;
	s5 =	simm.s32 @!p2 $0x0  }
0x1d: {  	s5 =	simm.s32 @p1 $0x1;
	p0 =	seq.s32 s7, s2  }
0x1e: {  	s7 =	smul.u32 @!p0 $0xF7A, s2;
	p2 =	seq.s32 @!p0 s5, $0x0  }
0x1f: {  	s9 =	smul.u32 $0xF7A, s1;
	s8 =	simm.s32 @!p0 $0x1BF5;
	p2 =	por !p2, p0  }
0x20: {  	[sflag:s8] =	ssyncset.s32 @!p0 $0xFFFFF086;
	s6 =	sadd.s32 @!p0 s3, s7;
	s7 =	simm.s32 @!p0 $0x108  }
0x21: {  	s3 =	sadd.s32 s3, s9;
	s6 =	sadd.s32 @!p0 $0x88, s6;
	s7 =	simm.s32 @p2 $0x1082  }
0x22: {  	[simem:s7], [sflag:s8] =	dma.local @!p0 [hbm:s6], $0xF7A  }
0x23: {  	s9 =	sor.u32 $0xD0000000, s2;
	s6 =	simm.s32 $0x108;
	_ =	swait.ge @!p0 [sflag:s8], $0x0  }
0x24: {  	s3 =	sadd.s32 $0x88, s3;
	s6 =	simm.s32 @!p1 $0x1082;
	[sflag:s4] =	ssyncset.s32 $0xFFFFF086  }
0x25: {  	[simem:s6], [sflag:s4] =	dma.local [hbm:s3], $0xF7A  }
0x26: {  	[smem:$0x3F9B] =	sst s1;
	(tag) =	ssettag s2;
	_ =	strace s9  }
0x27: {  	s1 =	sld [smem:$0x3FAB]  }
0x28: {  	s2 =	sld [smem:$0x3FAC]  }
0x29: {  	s4 =	sld [smem:$0x3FAE]  }
0x2a: {  	p0 =	seq.s32 s5, $0x0;
	s5 =	sld [smem:$0x3FAF]  }
0x2b: {  	s6 =	sld [smem:$0x3FB0]  }
0x2c: {  	s7 =	sld [smem:$0x3FB1]  }
0x2d: {  	s3 =	simm.s32 $0x108;
	s8 =	sld [smem:$0x3FB2]  }
0x2e: {  	s3 =	simm.s32 @!p0 $0x1082;
	s9 =	sld [smem:$0x3FB3]  }
0x2f: {  	lr =	sadd.s32 s0, s3;
	s0 =	sld [smem:$0x3FAA]  }
0x30: {  	s3 =	sld [smem:$0x3FAD]  }
0x31: {  	[smem:$0x3FB6] =	sst s10  }
0x32: {  	s10 =	sld [smem:$0x3FB4];
	_ =	sdelay $0x3  }
0x33: {  	p0 =	seq.s32 s10, $0x1;
	s10 =	sld [smem:$0x3FB6];
	_ =	sdelay $0x3  }
0x34: {  	[smem:$0x3FB6] =	sst s10  }
0x35: {  	s10 =	sld [smem:$0x3FB5];
	_ =	sdelay $0x3  }
0x36: {  	p1 =	seq.s32 s10, $0x1;
	s10 =	sld [smem:$0x3FB6];
	_ =	sdelay $0x3  }
0x37: {  	[smem:$0x3FB6] =	sst s10  }
0x38: {  	s10 =	sld [smem:$0x3FB7]  }
0x39: {  	_ = 	snop;
	(pc) =	sbr.ind lr, $3  }
0x3a: {  	_ = 	snop  }
0x3b: {  	_ = 	snop  }
0x3c: {  	p2 =	seq.s32 s10, $0x1;
	s10 =	sld [smem:$0x3FB6]  }
0x3d: {  	_ =	shalt  }
0x3e: {  	_ =	shalt  }
0x3f: {  	_ =	shalt  }
0x40: {  	_ =	shalt  }
0x41: {  	_ =	shalt  }
0x42: {  	_ =	shalt  }
0x43: {  	_ =	shalt  }
0x44: {  	_ =	shalt  }
0x45: {  	_ =	shalt  }
0x46: {  	_ =	shalt  }
0x47: {  	_ =	shalt  }
0x48: {  	_ =	shalt  }
0x49: {  	_ =	shalt  }
0x4a: {  	_ =	shalt  }
0x4b: {  	_ =	shalt  }
0x4c: {  	_ =	shalt  }
0x4d: {  	_ =	shalt  }
0x4e: {  	_ =	shalt  }
0x4f: {  	_ =	shalt  }
0x50: {  	_ =	shalt  }
0x51: {  	_ =	shalt  }
0x52: {  	_ =	shalt  }
0x53: {  	_ =	shalt  }
0x54: {  	_ =	shalt  }
0x55: {  	_ =	shalt  }
0x56: {  	_ =	shalt  }
0x57: {  	_ =	shalt  }
0x58: {  	_ =	shalt  }
0x59: {  	_ =	shalt  }
0x5a: {  	_ =	shalt  }
0x5b: {  	_ =	shalt  }
0x5c: {  	_ =	shalt  }
0x5d: {  	_ =	shalt  }
0x5e: {  	_ =	shalt  }
0x5f: {  	_ =	shalt  }
0x60: {  	_ =	shalt  }
0x61: {  	_ =	shalt  }
0x62: {  	_ =	shalt  }
0x63: {  	_ =	shalt  }
0x64: {  	_ =	shalt  }
0x65: {  	_ =	shalt  }
0x66: {  	_ =	shalt  }
0x67: {  	_ =	shalt  }
0x68: {  	_ =	shalt  }
0x69: {  	_ =	shalt  }
0x6a: {  	_ =	shalt  }
0x6b: {  	_ =	shalt  }
0x6c: {  	_ =	shalt  }
0x6d: {  	_ =	shalt  }
0x6e: {  	_ =	shalt  }
0x6f: {  	_ =	shalt  }
0x70: {  	_ =	shalt  }
0x71: {  	_ =	shalt  }
0x72: {  	_ =	shalt  }
0x73: {  	_ =	shalt  }
0x74: {  	_ =	shalt  }
0x75: {  	_ =	shalt  }
0x76: {  	_ =	shalt  }
0x77: {  	_ =	shalt  }
0x78: {  	_ =	shalt  }
0x79: {  	_ =	shalt  }
0x7a: {  	_ =	shalt  }
0x7b: {  	_ =	shalt  }
0x7c: {  	_ =	shalt  }
0x7d: {  	_ =	shalt  }
0x7e: {  	_ =	shalt  }
0x7f: {  	_ =	shalt  }
0x80: {  	_ =	shalt  }
0x81: {  	_ =	shalt  }
0x82: {  	_ =	shalt  }
0x83: {  	_ =	shalt  }
0x84: {  	_ =	shalt  }
0x85: {  	_ =	shalt  }
0x86: {  	_ =	shalt  }
0x87: {  	_ =	shalt  }
.Lfunc_end0:
.L_simem_size_0:
called_computation_lowered:
.L_overlay_start_0:
0x88: {  	s2 =	sld [smem:$0x3FD9]  }
0x89: {  	s3 =	sld [smem:$0x3FFE];
	_ =	sdelay $0x1  }
0x8a: {  	s1 =	srdreg.scid  }
0x8b: {  	s0 =	sand.u32 $0x1, s1  }
0x8c: {  	s13 =	sshll.u32 s0, $0xA;
	s2 =	sadd.s32 s3, s2  }
0x8d: {  	s2 =	sadd.s32 s2, s13  }
0x8e: {  	[smem:$0x3FC2] =	sst s2  }
0x8f: {  	_ = 	snop  }
0x90: {  	s2 =	sld [smem:$0x3FD0];
	_ =	sdelay $0x2  }
0x91: {  	s14 =	simm.s32 $0xA;
	s4 =	simm.s32 $0x10  }
0x92: {  	[smem:s4], [sflag:s14] =	dma.local [hbm:s2], $0x1  }
0x93: {  	_ =	swait.eq [sflag:s14], $0x1  }
0x94: {  	[sflag:s14] =	ssyncset.done $0x0  }
0x95: {  	[sflag:s14] =	ssyncadd.s32 $0xFFFFFFFF  }
0x96: {  	s15 =	sld [smem:$0x10];
	(tm) =	ssettm $0x1  }
0x97: {  	s16 =	sld [smem:$0x3FFB];
	_ =	sdelay $0x3  }
0x98: {  	_ =	strace s16  }
0x99: {  	s3 =	sld [smem:$0x3FFC];
	_ =	sdelay $0x3  }
0x9a: {  	_ =	strace s3  }
0x9b: {  	s3 =	sld [smem:$0x3FFD];
	_ =	sdelay $0x3  }
0x9c: {  	_ =	strace s3  }
0x9d: {  	_ =	strace $0x8FFFFFFF  }
0x9e: {  	s17 =	sld [smem:$0x3FDB];
	_ =	sdelay $0x1  }
0x9f: {  	s18 =	simm.s32 $_scs_section_size  }
0xa0: {  	s5 =	simm.s32 $_size__tile_overlayer_lowered;
	s6 =	simm.s32 $_tile_overlayer_lowered  }
0xa1: {  	s21 =	simm.s32 $0x1BFF;
	s20 =	sshll.u32 s6, $0x1;
	s3 =	sadd.s32 s18, s17  }
0xa2: {  	s7 =	simm.s32 $0x0;
	s19 =	sshll.u32 s5, $0x1;
	s5 =	sadd.s32 s20, s3  }
0xa3: {  	[timem:s7], [sflag:s21] =	dma.local [hbm:s5], s19  }
0xa4: {  	_ =	swait.ge [sflag:s21], s19  }
0xa5: {  	s4 =	ssub.s32 $0x0, s19;
	[sflag:s21] =	ssyncset.done $0x0  }
0xa6: {  	[sflag:s21] =	ssyncadd.s32 s4;
	_ =	sdelay $0x1  }
0xa7: {  	s22 =	simm.s32 $0x1B8B  }
0xa8: {  	_ =	swait.ge [sflag:s22], $0x1  }
0xa9: {  	[sflag:s22] =	ssyncset.done $0x0  }
0xaa: {  	s23 =	sld [smem:$0x3FFE];
	[sflag:s22] =	ssyncadd.s32 $0xFFFFFFFF  }
0xab: {  	s25 =	simm.s32 $0x1B8E;
	s24 =	sld [smem:$0x0]  }
0xac: {  	s26 =	simm.s32 $execute0_lowered;
	[smem:$0x3FD2] =	sst s25  }
0xad: {  	s6 =	sshll.u32 s26, $0x1;
	_ =	strace $0x8000004C;
	[dreg:$0x1] =	wrdreg $0xFFFFFFFF  }
0xae: {  	s28 =	simm.s32 $_size_execute0_lowered;
	s3 =	sadd.s32 s3, s6;
	[dreg:$0x0] =	wrdreg $0x0  }
0xaf: {  	s6 =	sshll.u32 s28, $0x1;
	[dreg:$0x2] =	wrdreg s3  }
0xb0: {  	[dreg:$0x3] =	wrdreg s6  }
0xb1: {  	[dreg:$0x4] =	wrdreg $0xC0  }
0xb2: {  	_ =	task [dreg:s7], $0x5FFFF  }
0xb3: {  	[dreg:$0x1] =	wrdreg $0xFFFFFFFF  }
0xb4: {  	[dreg:$0x0] =	wrdreg $0x60  }
0xb5: {  	[dreg:$0x2] =	wrdreg s15  }
0xb6: {  	[dreg:$0x3] =	wrdreg s23  }
0xb7: {  	[dreg:$0x4] =	wrdreg s1  }
0xb8: {  	[dreg:$0x5] =	wrdreg s24  }
0xb9: {  	[dreg:$0x6] =	wrdreg $0x9  }
0xba: {  	_ =	task.clear_ibuf [dreg:s7], $0x7FFFF;
	_ =	strace $0x9000004C  }
0xbb: {  	s29 =	simm.s32 $0x9;
	_ =	strace $0x8000004E  }
0xbc: {  	_ =	swait.ge [sflag:s29], $0x1  }
0xbd: {  	[sflag:s29] =	ssyncadd.s32 $0xFFFFFFFF  }
0xbe: {  	_ =	strace $0x9000004E  }
0xbf: {  	_ =	sfence  }
0xc0: {  	s30 =	sld [smem:$0x0];
	_ =	sdelay $0x2  }
0xc1: {  	s31 =	sshll.u32 s1, $0xD;
	s1 =	sshrl.u32 s1, $0x2  }
0xc2: {  	s3 =	sand.u32 $0x4000, s31;
	s1 =	sadd.s32 s1, s30  }
0xc3: {  	s0 =	sor.u32 s3, s0;
	s1 =	sshll.u32 s1, $0x11  }
0xc4: {  	s0 =	sor.u32 s1, s0  }
0xc5: {  	s0 =	sadd.s32 $0x8F2B, s0  }
0xc6: {  	[sflag:s0] =	ssyncadd.remote.s32 $0x1  }
0xc7: {  	_ =	sfence.sel $0xFFFF  }
0xc8: {  	[dreg:$0x0] =	wrdreg $0xFFFFFFFF;
	(pc) =	sbr.abs _section_cstart, $3  }
0xc9: {  	[dreg:$0x1] =	wrdreg $0xFFFFFFFF  }
0xca: {  	_ =	task.clear_ibuf [dreg:s7], $0x2FFFF;
	_ =	strace $0x9FFFFFFF  }
0xcb: {  	(tm) =	ssettm $0x7FFFFFFF  }
tec
execute0_lowered:
.L_overlay_start_1:
0x0: {  	(tag) =	ssettag $0x1  }
0x1: {  	s1 =	rddreg [dreg:$0x0]  }
0x2: {  	s2 =	rddreg [dreg:$0x1]  }
0x3: {  	s3 =	rddreg [dreg:$0x2];
	_ =	strace $0x8000004D;
	s0 =	simm.s32 $0x1  }
0x4: {  	s5 =	simm.s32 $0x608;
	v0 =	vimm.s32 $0x0;
	[sflag:s0] =	ssyncpa.u1 $0x0  }
0x5: {  	[tilespmem:s5+$0x70] =	vst v0  }
0x6: {  	[tilespmem:s5+$0x60] =	vst v0  }
0x7: {  	[tilespmem:s5+$0x50] =	vst v0  }
0x8: {  	[tilespmem:s5+$0x40] =	vst v0  }
0x9: {  	s7 =	simm.s32 $0x40;
	[tilespmem:s5+$0x30] =	vst v0  }
0xa: {  	s0 =	sadd.s32 $0x80C00, s2;
	s6 =	sadd.s32 $0x383800, s2;
	s4 =	sand.u32 $0x1, s3;
	[tilespmem:s5+$0x20] =	vst v0  }
0xb: {  	s3 =	sadd.s32 $0x81C00, s2;
	[dreg:$0x5] =	wrdreg s4;
	s4 =	sshll.u32 s4, $0xB;
	[tilespmem:s5+$0x10] =	vst v0  }
.LBB2_1:
0xc: {  	s7 =	sadd.s32 $0x40, s7;
	[tilespmem:s5+$0x0] =	vst v0;
	s5 =	sadd.s32 $0x80, s5  }
0xd: {  	p0 =	slt.u32 s7, $0x3180;
	[tilespmem:s5+$0x70] =	vst v0  }
0xe: {  	[tilespmem:s5+$0x60] =	vst v0  }
.Ltmp0:
0xf: {  	[tilespmem:s5+$0x50] =	vst v0;
	(pc) =	sbr.rel @p0 .LBB2_1-.Ltmp0, $4  }
0x10: {  	[tilespmem:s5+$0x40] =	vst v0  }
0x11: {  	[tilespmem:s5+$0x30] =	vst v0  }
0x12: {  	[tilespmem:s5+$0x20] =	vst v0  }
0x13: {  	[tilespmem:s5+$0x10] =	vst v0  }
0x14: {  	s2 =	simm.s32 $0x2;
	s28 =	stileid.u32;
	s29 =	simm.s32 $0x9  }
0x15: {  	s30 =	simm.s32 $0xA;
	s31 =	simm.s32 $0xB;
	s7 =	sadd.s32 s4, s3  }
0x16: {  	s0 =	sadd.s32 s4, s0;
	s23 =	simm.s32 $0x0;
	p0 =	por $0x1, $0x1  }
0x17: {  	p1 =	por $0x0, $0x0;
	s16 =	simm.s32 $0x1;
	s9 =	simm.s32 $0xC  }
.Ltmp1:
0x18: {  	s18 =	simm.s32 $0x80;
	s19 =	simm.s32 $0x400;
	(pc) =	sbr.rel .LBB2_3-.Ltmp1, $4  }
0x19: {  	[tilespmem:s5+$0x0] =	vst v0;
	v0 =	vimm.s32 $0xFFFFFFFF;
	s21 =	simm.s32 $0x0;
	s20 =	simm.s32 $0x0;
	[sflag:s2] =	ssyncpa.u1 $0x0  }
0x1a: {  	s17 =	sshll.u32 s28, $0xA;
	s2 =	smul.u32 $0x1800, s28;
	[tilespmem:$0xCC08] =	vst v0;
	[sflag:s29] =	ssyncpa.u1 $0x0  }
0x1b: {  	[dreg:$0x6] =	wrdreg s0;
	s12 =	sadd.s32 $0x400, s17;
	[sflag:s30] =	ssyncpa.u1 $0x0  }
0x1c: {  	v0 =	vlaneseq.u32;
	s22 =	smov.u32 s17;
	s15 =	sshrl.u32 s2, $0x2;
	[sflag:s31] =	ssyncpa.u1 $0x0  }
.LBB2_30:
0x1d: {  	s0 =	sshrl.u32 s31, $0x2  }
.LBB2_32:
0x1e: {  	_ =	swait.ge [sflag:s9], s0  }
0x1f: {  	s31 =	ssub.s32 $0x0, s0;
	v1 =	vmov s25;
	vm0 =	veq.s32 v0, $0x0;
	[sflag:s9] =	ssyncset.done $0x0  }
0x20: {  	vm15 =	veq.s32 v0, $0x2;
	v1 =	vsel vm0, s30, v1;
	[sflag:s9] =	ssyncadd.s32 s31  }
0x21: {  	v1 =	vsel vm15, s23, v1;
	[sflag:s9] =	ssyncpa.u1 $0x1  }
0x22: {  	[tilespmem:$0xCC08] =	vst v1  }
.LBB2_33:
0x23: {  	s0 =	sadd.s32 $0x20, s22  }
0x24: {  	s2 =	smov.u32 s17;
	s20 =	sadd.s32 $0x1, s20;
	p2 =	slt.s32 s0, s12  }
0x25: {  	s2 =	smov.u32 @p2 s0;
	p2 =	sne.s32 s20, $0x22  }
.Ltmp2:
0x26: {  	_ = 	snop;
	(pc) =	sbr.rel @!p2 .LBB2_34-.Ltmp2, $3  }
0x27: {  	_ =	sdelay $0x1  }
0x28: {  	s23 =	smov.u32 s21;
	s21 =	smov.u32 s22  }
0x29: {  	p0 =	por !p0, !p0;
	p1 =	por !p1, !p1;
	s22 =	smov.u32 s2  }
.LBB2_3:
0x2a: {  	p2 =	sgt.u32 s20, $0x1F  }
0x2b: {  	s0 =	smul.u32 @!p2 $0xAB, s20  }
0x2c: {  	s2 =	smov.u32 s22;
	p3 =	sgt.s32 @!p2 s22, $0x3FE0  }
0x2d: {  	s3 =	sshra.s32 @!p2 s22, $0x1F;
	p3 =	por !p3, p2;
	s0 =	sshrl.u32 @!p2 s0, $0x9  }
0x2e: {  	s3 =	sand.u32 @!p2 s3, s22;
	s2 =	simm.s32 @p3 $0x3FE0;
	s0 =	sand.u32 @!p2 $0x7F, s0  }
0x2f: {  	s2 =	ssub.s32 @!p2 s2, s3;
	s0 =	smul.u32 @!p2 $0x3, s0  }
0x30: {  	s4 =	sand.u32 @!p2 $0x7, s22;
	s2 =	sadd.s32 @!p2 $0xFFFFC020, s2  }
0x31: {  	s3 =	sshll.u32 @!p2 s2, $0x2;
	p3 =	sgt.s32 @!p2 s2, $0x1F;
	s0 =	ssub.s32 @!p2 s20, s0  }
0x32: {  	s2 =	ssub.s32 @!p2 $0x80, s3;
	p3 =	por !p3, p2;
	s0 =	sand.u32 @!p2 $0xFF, s0  }
0x33: {  	s3 =	sshrl.u32 @!p2 s22, $0x3;
	s2 =	sshrl.u32 @!p2 s2, $0x2;
	s0 =	sshll.u32 @!p2 s0, $0x5  }
0x34: {  	s3 =	sadd.s32 @!p2 s3, s7;
	s2 =	simm.s32 @!p3 $0x0;
	s0 =	sadd.s32 @!p2 $0x12C48, s0  }
0x35: {  	[tilespmem:s0], [sflag:$0xA] =	stream.linear.gather @!p2 [hbm4b:s3+s4], s2, $0x38;
	[tilespmem:$0x1ECE8] =	vst v63  }
0x36: {  	p2 =	seq.s32 s20, $0x0  }
0x37: {  	p3 =	seq.s32 @!p2 s20, $0x21  }
0x38: {  	p2 =	por p2, p3  }
.Ltmp3:
0x39: {  	_ = 	snop;
	(pc) =	sbr.rel @p2 .LBB2_9-.Ltmp3, $1  }
0x3a: {  	_ =	sdelay $0x3  }
0x3b: {  	p2 =	sgt.s32 s21, $0x3FE0;
	s0 =	smov.u32 s21;
	s2 =	sshra.s32 s21, $0x1F  }
0x3c: {  	s3 =	sadd.s32 $0xFFFFFFFF, s20;
	s0 =	simm.s32 @!p2 $0x3FE0;
	s2 =	sand.u32 s2, s21  }
0x3d: {  	s4 =	sand.u32 $0xFF, s3;
	s0 =	ssub.s32 s0, s2  }
0x3e: {  	s5 =	smul.u32 $0xAB, s4;
	s0 =	sadd.s32 $0xFFFFC020, s0  }
0x3f: {  	s13 =	sshrl.u32 s21, $0x3;
	s24 =	sand.u32 $0x7, s21;
	s8 =	sshll.u32 s0, $0x2  }
0x40: {  	s10 =	sand.u32 $0x1, s3;
	s2 =	sshrl.u32 s5, $0x9;
	s4 =	ssub.s32 $0x80, s8  }
0x41: {  	p2 =	sgt.s32 s0, $0x1F;
	s2 =	smul.u32 $0x3, s2;
	s0 =	sshrl.u32 s4, $0x2  }
0x42: {  	s5 =	simm.s32 $0xA;
	s4 =	sshll.u32 s10, $0x5;
	s0 =	simm.s32 @p2 $0x0  }
0x43: {  	s2 =	ssub.s32 s3, s2;
	s4 =	sadd.s32 $0x12CA8, s4;
	_ =	swait.ge [sflag:s5], s0  }
0x44: {  	s11 =	ssub.s32 $0x0, s0;
	[sflag:s5] =	ssyncset.done $0x0;
	s14 =	rddreg [dreg:$0x6]  }
0x45: {  	s2 =	sand.u32 $0xFF, s2;
	[sflag:s5] =	ssyncadd.s32 s11;
	s3 =	sadd.s32 s13, s14  }
0x46: {  	[tilespmem:s4], [sflag:$0xB] =	stream.linear.gather [hbm4b:s3+s24], s0, $0x38;
	[tilespmem:$0x1ECE8] =	vst v63  }
0x47: {  	s4 =	sshll.u32 s2, $0x5  }
0x48: {  	v1 =	vld.msk [tilespmem:s4+$0x12C48], $0xffff;
	_ =	sdelay $0x3  }
0x49: {  	s25 =	simm.s32 $0x0  }
0x4a: {  	(v2sf) =	vpush v1, s25;
	_ =	sdelay $0x5  }
0x4b: {  	s26 =	simm.s32 $0x1  }
0x4c: {  	(v2sf) =	vpush v1, s26;
	_ =	sdelay $0x4  }
0x4d: {  	s30 =	simm.s32 $0x2  }
0x4e: {  	(v2sf) =	vpush v1, s30  }
0x4f: {  	s31 =	simm.s32 $0x3  }
0x50: {  	s28 =	spop (v2sf);
	(v2sf) =	vpush v1, s31;
	_ =	sdelay $0x1  }
0x51: {  	s2 =	simm.s32 $0x1;
	s29 =	sshrl.u32 s28, $0x3  }
0x52: {  	s2 =	simm.s32 @!p0 $0x0;
	s0 =	sshll.u32 s28, $0x7;
	s3 =	smul.u32 $0x1800, s29  }
0x53: {  	s2 =	smul.u32 $0x18000, s2;
	s0 =	sand.u32 $0x380, s0  }
0x54: {  	s0 =	sor.u32 s0, s3  }
0x55: {  	s2 =	sshrl.u32 s2, $0x2;
	s0 =	sshrl.u32 s0, $0x3  }
0x56: {  	s24 =	spop (v2sf);
	s3 =	sadd.s32 $0x12CE8, s2;
	s0 =	sadd.s32 s6, s0  }
0x57: {  	[tilespmem:s3], [sflag:$0x9] =	stream.strided.gather [hbm4b:s0+s18], $0x300, s19, s18, $0x38;
	[tilespmem:$0x1ECE8] =	vst v63  }
0x58: {  	s5 =	simm.s32 $0x4;
	s0 =	sadd.s32 $0x15CE8, s2;
	s2 =	sshrl.u32 s24, $0x3  }
.LBB2_5:
0x59: {  	(v2sf) =	vpush v1, s5;
	s2 =	smul.u32 $0x1800, s2;
	s14 =	sshll.u32 s24, $0x7;
	p2 =	seq.s32 s5, $0xF  }
.Ltmp4:
0x5a: {  	s5 =	sadd.s32 $0x1, s5;
	s14 =	sand.u32 $0x380, s14;
	(pc) =	sbr.rel @!p2 .LBB2_5-.Ltmp4, $4  }
0x5b: {  	s2 =	sor.u32 s14, s2  }
0x5c: {  	s24 =	spop (v2sf);
	s14 =	sshrl.u32 s2, $0x3  }
0x5d: {  	s3 =	sadd.s32 $0x300, s3;
	s2 =	sshrl.u32 s24, $0x3;
	s14 =	sadd.s32 s6, s14  }
0x5e: {  	[tilespmem:s3], [sflag:$0x9] =	stream.strided.gather [hbm4b:s14+s18], $0x300, s19, s18, $0x38;
	[tilespmem:$0x1ECE8] =	vst v63  }
0x5f: {  	s2 =	smul.u32 $0x1800, s2;
	s5 =	sshll.u32 s24, $0x7  }
0x60: {  	s5 =	sand.u32 $0x380, s5  }
0x61: {  	s8 =	spop (v2sf);
	s3 =	sadd.s32 $0x300, s3;
	s2 =	sor.u32 s5, s2  }
0x62: {  	s14 =	sshrl.u32 s8, $0x3;
	s5 =	sshll.u32 s8, $0x7;
	s2 =	sshrl.u32 s2, $0x3  }
0x63: {  	s10 =	smul.u32 $0x1800, s14;
	s5 =	sand.u32 $0x380, s5;
	s2 =	sadd.s32 s6, s2  }
0x64: {  	[tilespmem:s3], [sflag:$0x9] =	stream.strided.gather [hbm4b:s2+s18], $0x300, s19, s18, $0x38;
	[tilespmem:$0x1ECE8] =	vst v63  }
0x65: {  	s2 =	sor.u32 s5, s10  }
0x66: {  	s2 =	sshrl.u32 s2, $0x3  }
0x67: {  	s3 =	sadd.s32 $0x300, s3;
	s2 =	sadd.s32 s6, s2  }
0x68: {  	[tilespmem:s3], [sflag:$0x9] =	stream.strided.gather [hbm4b:s2+s18], $0x300, s19, s18, $0x38;
	[tilespmem:$0x1ECE8] =	vst v63  }
0x69: {  	s11 =	spop (v2sf)  }
0x6a: {  	s13 =	sshrl.u32 s11, $0x3  }
0x6b: {  	s5 =	sshll.u32 s11, $0x7;
	s24 =	smul.u32 $0x1800, s13  }
0x6c: {  	s5 =	sand.u32 $0x380, s5  }
0x6d: {  	s2 =	sor.u32 s5, s24  }
0x6e: {  	s2 =	sshrl.u32 s2, $0x3  }
0x6f: {  	s3 =	sadd.s32 $0x300, s3;
	s2 =	sadd.s32 s6, s2  }
0x70: {  	[tilespmem:s3], [sflag:$0x9] =	stream.strided.gather [hbm4b:s2+s18], $0x300, s19, s18, $0x38;
	[tilespmem:$0x1ECE8] =	vst v63  }
0x71: {  	v1 =	vld.msk [tilespmem:s4+$0x12C58], $0xffff;
	_ =	sdelay $0x3  }
0x72: {  	s25 =	simm.s32 $0x0  }
0x73: {  	(v2sf) =	vpush v1, s25;
	_ =	sdelay $0x7  }
0x74: {  	s26 =	simm.s32 $0x1  }
0x75: {  	(v2sf) =	vpush v1, s26;
	_ =	sdelay $0x4  }
0x76: {  	s30 =	simm.s32 $0x2  }
0x77: {  	s28 =	spop (v2sf);
	(v2sf) =	vpush v1, s30  }
0x78: {  	s31 =	simm.s32 $0x3  }
0x79: {  	(v2sf) =	vpush v1, s31;
	_ =	sdelay $0x1  }
0x7a: {  	s29 =	sshrl.u32 s28, $0x3  }
0x7b: {  	s2 =	sshll.u32 s28, $0x7;
	s3 =	smul.u32 $0x1800, s29  }
0x7c: {  	s2 =	sand.u32 $0x380, s2  }
0x7d: {  	s2 =	sor.u32 s2, s3  }
0x7e: {  	s2 =	sshrl.u32 s2, $0x3  }
0x7f: {  	s4 =	spop (v2sf);
	s2 =	sadd.s32 s6, s2  }
0x80: {  	[tilespmem:s0], [sflag:$0x9] =	stream.strided.gather [hbm4b:s2+s18], $0x300, s19, s18, $0x38;
	[tilespmem:$0x1ECE8] =	vst v63  }
0x81: {  	s3 =	simm.s32 $0x4;
	s2 =	sshrl.u32 s4, $0x3  }
.LBB2_7:
0x82: {  	(v2sf) =	vpush v1, s3;
	s2 =	smul.u32 $0x1800, s2;
	s4 =	sshll.u32 s4, $0x7;
	p2 =	seq.s32 s3, $0xF  }
.Ltmp5:
0x83: {  	s3 =	sadd.s32 $0x1, s3;
	s4 =	sand.u32 $0x380, s4;
	(pc) =	sbr.rel @!p2 .LBB2_7-.Ltmp5, $4  }
0x84: {  	s2 =	sor.u32 s4, s2  }
0x85: {  	s4 =	spop (v2sf);
	s5 =	sshrl.u32 s2, $0x3  }
0x86: {  	s0 =	sadd.s32 $0x300, s0;
	s2 =	sshrl.u32 s4, $0x3;
	s5 =	sadd.s32 s6, s5  }
0x87: {  	[tilespmem:s0], [sflag:$0x9] =	stream.strided.gather [hbm4b:s5+s18], $0x300, s19, s18, $0x38;
	[tilespmem:$0x1ECE8] =	vst v63  }
0x88: {  	s2 =	smul.u32 $0x1800, s2;
	s3 =	sshll.u32 s4, $0x7  }
0x89: {  	s3 =	sand.u32 $0x380, s3  }
0x8a: {  	s25 =	spop (v2sf);
	s0 =	sadd.s32 $0x300, s0;
	s2 =	sor.u32 s3, s2  }
0x8b: {  	s26 =	sshrl.u32 s25, $0x3;
	s3 =	sshll.u32 s25, $0x7;
	s2 =	sshrl.u32 s2, $0x3  }
0x8c: {  	s28 =	smul.u32 $0x1800, s26;
	s3 =	sand.u32 $0x380, s3;
	s2 =	sadd.s32 s6, s2  }
0x8d: {  	[tilespmem:s0], [sflag:$0x9] =	stream.strided.gather [hbm4b:s2+s18], $0x300, s19, s18, $0x38;
	[tilespmem:$0x1ECE8] =	vst v63  }
0x8e: {  	s2 =	sor.u32 s3, s28  }
0x8f: {  	s2 =	sshrl.u32 s2, $0x3  }
0x90: {  	s0 =	sadd.s32 $0x300, s0;
	s2 =	sadd.s32 s6, s2  }
0x91: {  	[tilespmem:s0], [sflag:$0x9] =	stream.strided.gather [hbm4b:s2+s18], $0x300, s19, s18, $0x38;
	[tilespmem:$0x1ECE8] =	vst v63  }
0x92: {  	s29 =	spop (v2sf)  }
0x93: {  	s30 =	sshrl.u32 s29, $0x3  }
0x94: {  	s3 =	sshll.u32 s29, $0x7;
	s31 =	smul.u32 $0x1800, s30  }
0x95: {  	s3 =	sand.u32 $0x380, s3  }
0x96: {  	s2 =	sor.u32 s3, s31  }
0x97: {  	s2 =	sshrl.u32 s2, $0x3  }
0x98: {  	s0 =	sadd.s32 $0x300, s0;
	s2 =	sadd.s32 s6, s2  }
0x99: {  	[tilespmem:s0], [sflag:$0x9] =	stream.strided.gather [hbm4b:s2+s18], $0x300, s19, s18, $0x38;
	[tilespmem:$0x1ECE8] =	vst v63  }
.LBB2_9:
0x9a: {  	p2 =	slt.u32 s20, $0x2  }
.Ltmp6:
0x9b: {  	_ = 	snop;
	(pc) =	sbr.rel @p2 .LBB2_33-.Ltmp6, $1  }
0x9c: {  	_ =	sdelay $0x3  }
0x9d: {  	p2 =	sgt.s32 s23, $0x3FE0;
	s0 =	smov.u32 s23;
	s2 =	sshra.s32 s23, $0x1F  }
0x9e: {  	s0 =	simm.s32 @!p2 $0x3FE0;
	s2 =	sand.u32 s2, s23  }
0x9f: {  	s0 =	ssub.s32 s0, s2  }
0xa0: {  	s0 =	sadd.s32 $0xFFFFC020, s0  }
0xa1: {  	s3 =	simm.s32 $0x9;
	s28 =	sshll.u32 s0, $0x2  }
0xa2: {  	_ =	swait.ge [sflag:s3], $0x6000;
	s2 =	ssub.s32 $0x80, s28  }
0xa3: {  	[sflag:s3] =	ssyncset.done $0x0;
	p2 =	sgt.s32 s0, $0x1F;
	s0 =	sshrl.u32 s2, $0x2  }
0xa4: {  	s29 =	simm.s32 $0xB;
	[sflag:s3] =	ssyncadd.s32 $0xFFFFA000;
	s0 =	simm.s32 @p2 $0x0  }
0xa5: {  	_ =	swait.ge [sflag:s29], s0  }
0xa6: {  	s0 =	ssub.s32 $0x0, s0;
	[sflag:s29] =	ssyncset.done $0x0  }
0xa7: {  	[sflag:s29] =	ssyncadd.s32 s0  }
0xa8: {  	v1 =	vld [tilespmem:$0xCC08];
	_ =	sdelay $0x4  }
0xa9: {  	(v2sf) =	vpush v1, $0x0  }
0xaa: {  	(v2sf) =	vpush v1, $0x1  }
0xab: {  	(v2sf) =	vpush v1, $0x2;
	_ =	sdelay $0x3  }
0xac: {  	s0 =	sadd.s32 $0x20, s23  }
0xad: {  	s2 =	ssub.s32 $0x8000, s23;
	p2 =	slt.s32 s12, s0  }
0xae: {  	s0 =	smov.u32 @p2 s12;
	p2 =	sgt.s32 s2, $0x0  }
0xaf: {  	s24 =	ssub.s32 s0, s23;
	s2 =	simm.s32 @!p2 $0x0  }
0xb0: {  	p2 =	slt.s32 s2, s24  }
0xb1: {  	s24 =	smov.u32 @p2 s2  }
0xb2: {  	p2 =	slt.s32 s24, $0x1  }
.Ltmp7:
0xb3: {  	_ = 	snop;
	(pc) =	sbr.rel @p2 .LBB2_14-.Ltmp7, $4  }
0xb4: {  	s4 =	simm.s32 $0x1  }
0xb5: {  	s4 =	simm.s32 @!p1 $0x0;
	s0 =	spop (v2sf)  }
0xb6: {  	s31 =	sshll.u32 s4, $0x5;
	s5 =	spop (v2sf)  }
0xb7: {  	s30 =	sadd.s32 $0x12CA8, s31;
	s23 =	spop (v2sf)  }
0xb8: {  	s2 =	smin.u32 s24, $0x10  }
0xb9: {  	v1 =	vmov s2  }
0xba: {  	vm1 =	vgt.u32 v1, v0;
	_ =	sdelay $0x1  }
0xbb: {  	p3 =	sgt.s32 s24, $0x10  }
.Ltmp8:
0xbc: {  	_ = 	snop;
	(pc) =	sbr.rel @!p3 .LBB2_13-.Ltmp8, $3  }
0xbd: {  	_ =	sdelay $0x1  }
0xbe: {  	v1 =	vld.msk [tilespmem:s30+$0x0 ss:$0x1], vm1  }
0xbf: {  	s25 =	simm.s32 $0x10;
	s26 =	sadd.s32 $0xFFFFFFF0, s24;
	s3 =	smov.u32 s30;
	vm0 =	vmmov vm1  }
.LBB2_12:
0xc0: {  	s2 =	smin.u32 s26, $0x10;
	s25 =	sadd.s32 $0x10, s25  }
0xc1: {  	v2 =	vmov s2;
	p3 =	slt.s32 s25, s24  }
0xc2: {  	vm1 =	vgt.u32 v2, v0  }
0xc3: {  	v2 =	vshrl.u32 v1, $0x3  }
0xc4: {  	v1 =	vshll.u32 v1, $0x4;
	v2 =	vmul.u32 $0x300, v2  }
0xc5: {  	v1 =	vand.u32 $0x70, v1  }
.Ltmp9:
0xc6: {  	v1 =	vor.u32 v1, v2;
	(pc) =	sbr.rel @p3 .LBB2_12-.Ltmp9, $3  }
0xc7: {  	[tilespmem:s3+$0x0] =	vst.msk vm0, v1;
	s3 =	sadd.s32 $0x10, s3;
	vm0 =	vmmov vm1  }
0xc8: {  	v1 =	vld.msk [tilespmem:s3+$0x0 ss:$0x1], vm1;
	_ =	sdelay $0x1  }
0xc9: {  	s26 =	sadd.s32 $0xFFFFFFF0, s26  }
.LBB2_13:
0xca: {  	_ =	sdelay $0x2  }
0xcb: {  	v2 =	vshrl.u32 v1, $0x3  }
0xcc: {  	v1 =	vshll.u32 v1, $0x4;
	v2 =	vmul.u32 $0x300, v2  }
0xcd: {  	v1 =	vand.u32 $0x70, v1  }
0xce: {  	v1 =	vor.u32 v1, v2  }
0xcf: {  	[tilespmem:s3+$0x0] =	vst.msk vm0, v1  }
.LBB2_14:
0xd0: {  	s2 =	sand.u32 $0x1, s20  }
0xd1: {  	p3 =	sne.s32 s5, $0xFFFFFFFF;
	s3 =	sshll.u32 s2, $0x5  }
0xd2: {  	v1 =	vld.msk @!p3 [tilespmem:s3+$0x12CA8], $0x1;
	_ =	sdelay $0x4  }
0xd3: {  	(v2sf) =	vpush @!p3 v1, $0x0;
	_ =	sdelay $0xc  }
.Ltmp10:
0xd4: {  	_ = 	snop;
	(pc) =	sbr.rel @p2 .LBB2_31-.Ltmp10, $4  }
0xd5: {  	_ = 	snop  }
0xd6: {  	s29 =	spop @!p3 (v2sf)  }
0xd7: {  	s23 =	simm.s32 @!p3 $0x0;
	s25 =	smov.u32 s29  }
0xd8: {  	[sflag:s9] =	ssyncpa.u1 $0x0;
	s29 =	smov.u32 @p3 s0;
	s25 =	smov.u32 @p3 s5  }
0xd9: {  	v1 =	vld.msk [tilespmem:s30+$0x0], $0x1;
	_ =	sdelay $0x4  }
0xda: {  	(v2sf) =	vpush v1, $0x0;
	_ =	sdelay $0xe  }
0xdb: {  	s0 =	spop (v2sf)  }
0xdc: {  	s2 =	smul.u32 $0x18000, s4;
	s26 =	simm.s32 $0x0;
	p2 =	seq.s32 s29, s0  }
0xdd: {  	p3 =	sgt.s32 @!p2 s29, $0x0;
	s4 =	smul.u32 @!p2 $0xC00, s26  }
0xde: {  	s5 =	smov.u32 s29;
	p3 =	por !p3, p2  }
0xdf: {  	s9 =	smov.u32 s7;
	s5 =	simm.s32 @p3 $0x0;
	s7 =	sshra.s32 @!p2 s4, $0x2  }
0xe0: {  	s14 =	smin.u32 @!p2 s5, $0x2FFD70;
	s4 =	sadd.s32 @!p2 $0x6908, s7;
	s28 =	sadd.s32 @!p2 $0x6988, s7  }
0xe1: {  	s5 =	sand.u32 @!p2 $0x3FFFF8, s14;
	s31 =	sadd.s32 @!p2 $0x80, s14;
	s8 =	sadd.s32 @!p2 $0x100, s14  }
0xe2: {  	s10 =	sadd.s32 @!p2 s1, s5;
	s5 =	sand.u32 @!p2 $0x7, s14;
	s31 =	sand.u32 @!p2 $0x7FFFF8, s31  }
0xe3: {  	[tilespmem:s4], [sflag:$0x2] =	stream.linear.gather @!p2 [hbm4b:s10+s5], $0x80, $0x38;
	[tilespmem:$0x1ECE8] =	vst v63  }
0xe4: {  	s8 =	sand.u32 @!p2 $0x7FFFF8, s8;
	s4 =	sadd.s32 @!p2 s1, s31;
	s10 =	sadd.s32 @!p2 $0x180, s14  }
0xe5: {  	[tilespmem:s28], [sflag:$0x2] =	stream.linear.gather @!p2 [hbm4b:s4+s5], $0x80, $0x38;
	[tilespmem:$0x1ECE8] =	vst v63  }
0xe6: {  	s10 =	sand.u32 @!p2 $0x7FFFF8, s10;
	s4 =	sadd.s32 @!p2 s1, s8;
	s8 =	sadd.s32 @!p2 $0x6A08, s7  }
0xe7: {  	[tilespmem:s8], [sflag:$0x2] =	stream.linear.gather @!p2 [hbm4b:s4+s5], $0x80, $0x38;
	[tilespmem:$0x1ECE8] =	vst v63  }
0xe8: {  	s4 =	sadd.s32 @!p2 s1, s10;
	s8 =	sadd.s32 @!p2 $0x6A88, s7  }
0xe9: {  	[tilespmem:s8], [sflag:$0x2] =	stream.linear.gather @!p2 [hbm4b:s4+s5], $0x80, $0x38;
	[tilespmem:$0x1ECE8] =	vst v63  }
0xea: {  	s4 =	sadd.s32 $0xFFFFFFFF, s24  }
0xeb: {  	s2 =	sshrl.u32 s2, $0x2;
	s10 =	sadd.s32 @!p2 $0x200, s14;
	p3 =	sne.s32 s4, $0x0  }
.Ltmp11:
0xec: {  	s28 =	sadd.s32 $0x12CE8, s2;
	s2 =	sand.u32 @!p2 $0x7FFFF8, s10;
	(pc) =	sbr.rel @!p3 .LBB2_17-.Ltmp11, $4  }
0xed: {  	s31 =	sadd.s32 $0x12CA8, s3;
	s3 =	sadd.s32 @!p2 $0x6B08, s7;
	s2 =	sadd.s32 @!p2 s1, s2  }
0xee: {  	[tilespmem:s3], [sflag:$0x2] =	stream.linear.gather @!p2 [hbm4b:s2+s5], $0x80, $0x38;
	[tilespmem:$0x1ECE8] =	vst v63  }
0xef: {  	s3 =	simm.s32 @!p2 $0x1;
	s2 =	sadd.s32 @!p2 $0x280, s14  }
0xf0: {  	s3 =	smov.u32 @p2 s26;
	s14 =	sand.u32 @!p2 $0x7FFFF8, s2;
	s2 =	sadd.s32 @!p2 $0x6B88, s7  }
.LBB2_16:
0xf1: {  	s7 =	smov.u32 s3  }
0xf2: {  	s4 =	sadd.s32 $0xFFFFFFFF, s4;
	s3 =	sadd.s32 @!p2 s1, s14;
	s30 =	sadd.s32 $0x1, s30  }
0xf3: {  	[tilespmem:s2], [sflag:$0x2] =	stream.linear.gather @!p2 [hbm4b:s3+s5], $0x80, $0x38;
	[tilespmem:$0x1ECE8] =	vst v63  }
0xf4: {  	p3 =	sne.s32 s4, $0x0;
	s2 =	smov.u32 s0;
	v1 =	vld.msk [tilespmem:s30+$0x0], $0x1;
	_ =	sdelay $0x4  }
0xf5: {  	(v2sf) =	vpush v1, $0x0;
	_ =	sdelay $0xe  }
0xf6: {  	s0 =	spop (v2sf)  }
0xf7: {  	p2 =	seq.s32 s2, s0  }
0xf8: {  	p4 =	sgt.s32 @!p2 s2, $0x0;
	s5 =	smul.u32 @!p2 $0xC00, s7;
	s3 =	sadd.s32 @!p2 $0x1, s7  }
0xf9: {  	p4 =	por !p4, p2;
	s3 =	smov.u32 @p2 s7  }
0xfa: {  	s2 =	simm.s32 @p4 $0x0;
	s7 =	sshra.s32 @!p2 s5, $0x2  }
0xfb: {  	s2 =	smin.u32 @!p2 s2, $0x2FFD70;
	s8 =	sadd.s32 @!p2 $0x6908, s7;
	s10 =	sadd.s32 @!p2 $0x6988, s7  }
0xfc: {  	s5 =	sand.u32 @!p2 $0x3FFFF8, s2;
	s14 =	sadd.s32 @!p2 $0x80, s2;
	s11 =	sadd.s32 @!p2 $0x100, s2  }
0xfd: {  	s13 =	sadd.s32 @!p2 s1, s5;
	s5 =	sand.u32 @!p2 $0x7, s2;
	s14 =	sand.u32 @!p2 $0x7FFFF8, s14  }
0xfe: {  	[tilespmem:s8], [sflag:$0x2] =	stream.linear.gather @!p2 [hbm4b:s13+s5], $0x80, $0x38;
	[tilespmem:$0x1ECE8] =	vst v63  }
0xff: {  	s11 =	sand.u32 @!p2 $0x7FFFF8, s11;
	s8 =	sadd.s32 @!p2 s1, s14;
	s13 =	sadd.s32 @!p2 $0x180, s2  }
0x100: {  	[tilespmem:s10], [sflag:$0x2] =	stream.linear.gather @!p2 [hbm4b:s8+s5], $0x80, $0x38;
	[tilespmem:$0x1ECE8] =	vst v63  }
0x101: {  	s8 =	sadd.s32 @!p2 s1, s11;
	s10 =	sadd.s32 @!p2 $0x6A08, s7;
	s11 =	sand.u32 @!p2 $0x7FFFF8, s13  }
0x102: {  	[tilespmem:s10], [sflag:$0x2] =	stream.linear.gather @!p2 [hbm4b:s8+s5], $0x80, $0x38;
	[tilespmem:$0x1ECE8] =	vst v63  }
0x103: {  	s8 =	sadd.s32 @!p2 s1, s11  }
.Ltmp12:
0x104: {  	s10 =	sadd.s32 @!p2 $0x6A88, s7;
	s11 =	sadd.s32 @!p2 $0x200, s2;
	(pc) =	sbr.rel @p3 .LBB2_16-.Ltmp12, $4  }
0x105: {  	[tilespmem:s10], [sflag:$0x2] =	stream.linear.gather @!p2 [hbm4b:s8+s5], $0x80, $0x38;
	[tilespmem:$0x1ECE8] =	vst v63  }
0x106: {  	s2 =	sadd.s32 @!p2 $0x280, s2;
	s8 =	sand.u32 @!p2 $0x7FFFF8, s11;
	s10 =	sadd.s32 @!p2 $0x6B08, s7  }
0x107: {  	s14 =	sand.u32 @!p2 $0x7FFFF8, s2;
	s2 =	sadd.s32 @!p2 $0x6B88, s7;
	s8 =	sadd.s32 @!p2 s1, s8  }
0x108: {  	[tilespmem:s10], [sflag:$0x2] =	stream.linear.gather @!p2 [hbm4b:s8+s5], $0x80, $0x38;
	[tilespmem:$0x1ECE8] =	vst v63  }
.LBB2_17:
0x109: {  	s0 =	sadd.s32 @!p2 s1, s14;
	s3 =	smul.u32 $0xC00, s3  }
0x10a: {  	[tilespmem:s2], [sflag:$0x2] =	stream.linear.gather @!p2 [hbm4b:s0+s5], $0x80, $0x38;
	[tilespmem:$0x1ECE8] =	vst v63  }
.Ltmp13:
0x10b: {  	_ = 	snop;
	(pc) =	sbr.rel .LBB2_18-.Ltmp13, $4  }
0x10c: {  	s30 =	simm.s32 $0x2;
	s14 =	sshrl.u32 s3, $0x2  }
0x10d: {  	v1 =	vmov s31;
	s31 =	simm.s32 $0x0;
	_ =	swait.ge [sflag:s30], s14  }
0x10e: {  	s7 =	smov.u32 s9;
	s0 =	ssub.s32 $0x0, s14;
	[sflag:s30] =	ssyncset.done $0x0  }
0x10f: {  	s9 =	simm.s32 $0xC;
	[sflag:s30] =	ssyncadd.s32 s0;
	s0 =	simm.s32 $0x0  }
.LBB2_28:
0x110: {  	[tilespmem:s2+$0x0] =	vst v2;
	s26 =	sadd.s32 $0x1, s26  }
.LBB2_29:
0x111: {  	s0 =	sadd.s32 $0x1, s0  }
0x112: {  	p2 =	sne.s32 s0, s24  }
.Ltmp14:
0x113: {  	_ = 	snop;
	(pc) =	sbr.rel @!p2 .LBB2_30-.Ltmp14, $2  }
0x114: {  	_ =	sdelay $0x2  }
0x115: {  	s28 =	sadd.s32 $0x300, s28;
	s29 =	smov.u32 s30  }
.LBB2_18:
0x116: {  	_ =	sdelay $0x3  }
0x117: {  	v2 =	vld.idx.msk [tilespmem:v1+s0+$0x0 ss:$0x1], $0x1;
	_ =	sdelay $0x4  }
0x118: {  	(v2sf) =	vpush v2, $0x0;
	_ =	sdelay $0xe  }
0x119: {  	s30 =	spop (v2sf)  }
0x11a: {  	p2 =	sne.s32 s29, s30  }
.Ltmp15:
0x11b: {  	_ = 	snop;
	(pc) =	sbr.rel @p2 .LBB2_22-.Ltmp15, $3  }
0x11c: {  	_ = 	snop  }
0x11d: {  	s2 =	smul.u32 $0xC00, s23;
	_ =	sdelay $0x1  }
0x11e: {  	s3 =	sshra.s32 s2, $0x2  }
0x11f: {  	s2 =	sadd.s32 $0x608, s3;
	s3 =	simm.s32 $0x0;
	v2 =	vld [tilespmem:s28+$0x0];
	s4 =	smov.u32 s28  }
.LBB2_20:
0x120: {  	s3 =	sadd.s32 $0x10, s3  }
0x121: {  	p2 =	slt.u32 s3, $0x2F0  }
.Ltmp16:
0x122: {  	_ = 	snop;
	(pc) =	sbr.rel @p2 .LBB2_20-.Ltmp16, $3  }
0x123: {  	_ =	sdelay $0x1  }
0x124: {  	s4 =	sadd.s32 $0x10, s4;
	[tilespmem:s2+$0x0] =	vst.add.f32.msk $0xffff, v2;
	s2 =	sadd.s32 $0x10, s2  }
0x125: {  	v2 =	vld [tilespmem:s4+$0x0]  }
.Ltmp17:
0x126: {  	_ = 	snop;
	(pc) =	sbr.rel .LBB2_29-.Ltmp17, $2  }
0x127: {  	_ =	sdelay $0x2  }
0x128: {  	[tilespmem:s2+$0x0] =	vst.add.f32.msk $0xffff, v2  }
.LBB2_22:
0x129: {  	p2 =	seq.s32 s29, s25  }
.Ltmp18:
0x12a: {  	_ = 	snop;
	(pc) =	sbr.rel @!p2 .LBB2_23-.Ltmp18, $1  }
0x12b: {  	_ =	sdelay $0x3  }
.Ltmp19:
0x12c: {  	s2 =	sadd.s32 $0x608, s3;
	(pc) =	sbr.rel .LBB2_26-.Ltmp19, $4  }
0x12d: {  	[spmem:s15] =	stream.linear.scatter [tilespmem:s2], [sflag:$0x1], $0x300, $0x38;
	[tilespmem:$0x1ECE8] =	vst v63  }
0x12e: {  	_ =	swait.ge [sflag:s16], $0x300  }
0x12f: {  	[sflag:s16] =	ssyncset.done $0x0  }
0x130: {  	[sflag:s16] =	ssyncadd.s32 $0xFFFFFD00  }
.LBB2_23:
0x131: {  	s2 =	smul.u32 $0xC00, s26;
	_ =	sdelay $0x1  }
0x132: {  	s2 =	sshra.s32 s2, $0x2  }
0x133: {  	s4 =	sadd.s32 $0x608, s3;
	s2 =	sadd.s32 $0x6908, s2  }
0x134: {  	s14 =	simm.s32 $0x0;
	s5 =	smov.u32 s4;
	v2 =	vld [tilespmem:s2+$0x0]  }
.LBB2_24:
0x135: {  	s14 =	sadd.s32 $0x10, s14  }
0x136: {  	p2 =	slt.u32 s14, $0x2F0  }
.Ltmp20:
0x137: {  	_ = 	snop;
	(pc) =	sbr.rel @p2 .LBB2_24-.Ltmp20, $3  }
0x138: {  	_ =	sdelay $0x1  }
0x139: {  	s2 =	sadd.s32 $0x10, s2;
	[tilespmem:s5+$0x0] =	vst.add.f32.msk $0xffff, v2;
	s5 =	sadd.s32 $0x10, s5  }
0x13a: {  	v2 =	vld [tilespmem:s2+$0x0]  }
0x13b: {  	_ =	sdelay $0x1  }
0x13c: {  	p2 =	sgt.u32 s29, $0x2FFD70  }
0x13d: {  	s2 =	sand.u32 @!p2 $0x3FFFF8, s29  }
0x13e: {  	s2 =	sadd.s32 @!p2 s1, s2;
	[tilespmem:s5+$0x0] =	vst.add.f32.msk $0xffff, v2;
	s5 =	sand.u32 @!p2 $0x7, s29  }
0x13f: {  	[hbm4b:s2+s5] =	stream.linear.scatter @!p2 [tilespmem:s4], [sflag:$0xC], $0x80, $0x38;
	[tilespmem:$0x1ECE8] =	vst v63  }
0x140: {  	s2 =	sadd.s32 @!p2 $0x80, s29  }
0x141: {  	s2 =	sand.u32 @!p2 $0x7FFFF8, s2  }
0x142: {  	s4 =	sadd.s32 @!p2 $0x688, s3;
	s2 =	sadd.s32 @!p2 s1, s2  }
0x143: {  	[hbm4b:s2+s5] =	stream.linear.scatter @!p2 [tilespmem:s4], [sflag:$0xC], $0x80, $0x38;
	[tilespmem:$0x1ECE8] =	vst v63  }
0x144: {  	s2 =	sadd.s32 @!p2 $0x100, s29  }
0x145: {  	s2 =	sand.u32 @!p2 $0x7FFFF8, s2  }
0x146: {  	s4 =	sadd.s32 @!p2 $0x708, s3;
	s2 =	sadd.s32 @!p2 s1, s2  }
0x147: {  	[hbm4b:s2+s5] =	stream.linear.scatter @!p2 [tilespmem:s4], [sflag:$0xC], $0x80, $0x38;
	[tilespmem:$0x1ECE8] =	vst v63  }
0x148: {  	s2 =	sadd.s32 @!p2 $0x180, s29  }
0x149: {  	s2 =	sand.u32 @!p2 $0x7FFFF8, s2  }
0x14a: {  	s4 =	sadd.s32 @!p2 $0x788, s3;
	s2 =	sadd.s32 @!p2 s1, s2  }
0x14b: {  	[hbm4b:s2+s5] =	stream.linear.scatter @!p2 [tilespmem:s4], [sflag:$0xC], $0x80, $0x38;
	[tilespmem:$0x1ECE8] =	vst v63  }
0x14c: {  	s2 =	sadd.s32 @!p2 $0x200, s29  }
0x14d: {  	s2 =	sand.u32 @!p2 $0x7FFFF8, s2  }
0x14e: {  	s4 =	sadd.s32 @!p2 $0x808, s3;
	s2 =	sadd.s32 @!p2 s1, s2  }
0x14f: {  	[hbm4b:s2+s5] =	stream.linear.scatter @!p2 [tilespmem:s4], [sflag:$0xC], $0x80, $0x38;
	[tilespmem:$0x1ECE8] =	vst v63  }
0x150: {  	s2 =	sadd.s32 @!p2 $0x280, s29;
	s4 =	simm.s32 $0x0  }
0x151: {  	s2 =	sand.u32 @!p2 $0x7FFFF8, s2;
	s4 =	simm.s32 @!p2 $0xC00  }
0x152: {  	s3 =	sadd.s32 @!p2 $0x888, s3;
	s2 =	sadd.s32 @!p2 s1, s2;
	s31 =	sadd.s32 s4, s31  }
0x153: {  	[hbm4b:s2+s5] =	stream.linear.scatter @!p2 [tilespmem:s3], [sflag:$0xC], $0x80, $0x38;
	[tilespmem:$0x1ECE8] =	vst v63  }
.LBB2_26:
0x154: {  	s2 =	sadd.s32 $0x1, s23  }
0x155: {  	s23 =	sand.u32 $0x1F, s2  }
0x156: {  	s2 =	smul.u32 $0xC00, s23;
	_ =	sdelay $0x1  }
0x157: {  	s2 =	sshrl.u32 s2, $0x2  }
0x158: {  	s3 =	simm.s32 $0x0;
	v2 =	vld [tilespmem:s28+$0x0];
	s4 =	smov.u32 s28;
	s2 =	sadd.s32 $0x608, s2  }
.LBB2_27:
0x159: {  	s3 =	sadd.s32 $0x10, s3  }
0x15a: {  	p2 =	slt.u32 s3, $0x2F0  }
.Ltmp21:
0x15b: {  	_ = 	snop;
	(pc) =	sbr.rel @p2 .LBB2_27-.Ltmp21, $3  }
0x15c: {  	_ =	sdelay $0x1  }
0x15d: {  	[tilespmem:s2+$0x0] =	vst v2;
	s2 =	sadd.s32 $0x10, s2;
	s4 =	sadd.s32 $0x10, s4  }
0x15e: {  	v2 =	vld [tilespmem:s4+$0x0]  }
.Ltmp22:
0x15f: {  	_ = 	snop;
	(pc) =	sbr.rel .LBB2_28-.Ltmp22, $1  }
0x160: {  	_ =	sdelay $0x3  }
.LBB2_31:
.Ltmp23:
0x161: {  	(pc) =	sbr.rel .LBB2_32-.Ltmp23, $4  }
0x162: {  	_ = 	snop  }
0x163: {  	s0 =	simm.s32 $0x2  }
0x164: {  	_ =	swait.ge [sflag:s0], $0x0  }
0x165: {  	s30 =	smov.u32 s29;
	[sflag:s0] =	ssyncset.done $0x0;
	s0 =	simm.s32 $0x0  }
.LBB2_34:
0x166: {  	_ =	sfence.sel $0x180000  }
0x167: {  	s0 =	simm.s32 $0x9;
	[bflag:$0x0] =	sbarrier.arrive $0xFFFF  }
0x168: {  	s24 =	simm.s32 $0xA;
	[sflag:s0] =	ssyncpa.u1 $0x1  }
0x169: {  	s25 =	simm.s32 $0xB;
	[sflag:s24] =	ssyncpa.u1 $0x1  }
0x16a: {  	s26 =	simm.s32 $0x2;
	[sflag:s25] =	ssyncpa.u1 $0x1  }
0x16b: {  	[sflag:s26] =	ssyncpa.u1 $0x1  }
0x16c: {  	v0 =	vld [tilespmem:$0xCC08];
	_ =	sdelay $0x4  }
0x16d: {  	(v2sf) =	vpush v0, $0x0  }
0x16e: {  	(v2sf) =	vpush v0, $0x1  }
0x16f: {  	(v2sf) =	vpush v0, $0x2;
	_ =	sdelay $0xc  }
0x170: {  	s0 =	spop (v2sf)  }
0x171: {  	s2 =	spop (v2sf)  }
0x172: {  	s3 =	smov.u32 s0;
	p0 =	sne.s32 s0, s2;
	s4 =	spop (v2sf)  }
0x173: {  	s3 =	simm.s32 @!p0 $0xFFFFFFFF;
	p0 =	seq.s32 s4, $0xFFFFFFFF  }
0x174: {  	v2 =	vimm.s32 $0x1;
	v3 =	vlaneseq.u32;
	v1 =	vmov s3;
	p1 =	sne.s32 @!p0 s0, s2  }
0x175: {  	s19 =	stileid.u32;
	v0 =	vperm.xlane v0, v2;
	s0 =	simm.s32 @!p0 $0x1;
	v1 =	vperm.xlane v1, v3;
	p1 =	por !p1, p0  }
0x176: {  	vm0 =	vcmask $0x3F04;
	s3 =	sshll.u32 s19, $0x1;
	s2 =	smul.u32 @!p0 $0xC00, s4;
	s0 =	simm.s32 @p1 $0x0  }
0x177: {  	s6 =	simm.s32 $0xCC08;
	v0 =	vsel vm0, v1, v0;
	s0 =	sor.u32 @!p0 s0, s3  }
0x178: {  	s5 =	sor.u32 $0x6000, s3;
	s2 =	sshra.s32 @!p0 s2, $0x2;
	[tilespmem:$0xCC08] =	vst v0;
	s0 =	smul.u32 @!p0 $0xC00, s0  }
0x179: {  	[spmem:s5] =	stream.linear.scatter [tilespmem:s6], [sflag:$0x1], $0x2, $0x38;
	[tilespmem:$0x1ECE8] =	vst v63  }
0x17a: {  	s2 =	sadd.s32 @!p0 $0x608, s2;
	s0 =	sshrl.u32 @!p0 s0, $0x2  }
0x17b: {  	[spmem:s0] =	stream.linear.scatter @!p0 [tilespmem:s2], [sflag:$0x1], $0x300, $0x38;
	[tilespmem:$0x1ECE8] =	vst v63  }
0x17c: {  	s0 =	simm.s32 @!p0 $0x302  }
0x17d: {  	s28 =	simm.s32 $0x1;
	s0 =	simm.s32 @p0 $0x2  }
0x17e: {  	_ =	swait.ge [sflag:s28], s0  }
0x17f: {  	s0 =	ssub.s32 $0x0, s0;
	[sflag:s28] =	ssyncset.done $0x0  }
0x180: {  	p0 =	sne.s32 s19, $0x0;
	[sflag:s28] =	ssyncadd.s32 s0  }
.Ltmp24:
0x181: {  	_ =	sfence.stream.spmem;
	(pc) =	sbr.rel @p0 .LBB2_59-.Ltmp24, $4  }
0x182: {  	s29 =	simm.s32 $0x3;
	[bflag:$0x0] =	sbarrier.arrive $0xFFFF  }
0x183: {  	s30 =	simm.s32 $0x4;
	[sflag:s29] =	ssyncpa.u1 $0x1  }
0x184: {  	s31 =	simm.s32 $0x3C;
	[sflag:s30] =	ssyncpa.u1 $0x1  }
0x185: {  	s18 =	rddreg [dreg:$0x5];
	[sflag:s31] =	ssyncpa.u1 $0x1  }
0x186: {  	_ =	sfence.stream.spmem;
	s0 =	simm.s32 $0x5  }
0x187: {  	s2 =	simm.s32 $0x6000;
	s3 =	simm.s32 $0xCC18;
	[sflag:s0] =	ssyncpa.u1 $0x0  }
0x188: {  	[tilespmem:s3], [sflag:$0x5] =	stream.linear.gather [spmem:s2], $0x20, $0x38;
	[tilespmem:$0x1ECE8] =	vst v63  }
0x189: {  	s26 =	simm.s32 $0x0;
	s28 =	simm.s32 $0xCC38  }
0x18a: {  	[tilespmem:s28], [sflag:$0x5] =	stream.linear.gather [spmem:s26], $0x6000, $0x38;
	[tilespmem:$0x1ECE8] =	vst v63  }
0x18b: {  	_ =	swait.ge [sflag:s0], $0x6020  }
0x18c: {  	[sflag:s0] =	ssyncset.done $0x0  }
0x18d: {  	s29 =	simm.s32 $0x0;
	[sflag:s0] =	ssyncadd.s32 $0xFFFF9FE0  }
0x18e: {  	v0 =	vld.msk [tilespmem:s29+$0xCC18], $0x1;
	_ =	sdelay $0x1  }
0x18f: {  	s30 =	simm.s32 $0x1  }
0x190: {  	v1 =	vld.msk [tilespmem:s30+$0xCC18], $0x1;
	_ =	sdelay $0x1  }
0x191: {  	(v2sf) =	vpush v0, $0x0;
	_ =	sdelay $0x2  }
0x192: {  	(v2sf) =	vpush v1, $0x0;
	_ =	sdelay $0x2  }
0x193: {  	s31 =	simm.s32 $0x2  }
0x194: {  	v0 =	vld.msk [tilespmem:s31+$0xCC18], $0x1;
	_ =	sdelay $0x2  }
0x195: {  	s4 =	simm.s32 $0xFFFFFFFF;
	s3 =	simm.s32 $0xFFFFFFFF;
	s0 =	simm.s32 $0xC  }
.LBB2_36:
0x196: {  	s2 =	smov.u32 s3;
	s5 =	smov.u32 s4  }
0x197: {  	s3 =	sshra.s32 s0, $0x2;
	p1 =	sne.s32 s0, $0x7C;
	s0 =	sadd.s32 $0x4, s0;
	(v2sf) =	vpush v0, $0x0  }
0x198: {  	v0 =	vld.msk [tilespmem:s3+$0xCC18], $0x1  }
.Ltmp25:
0x199: {  	(pc) =	sbr.rel @p1 .LBB2_36-.Ltmp25, $4  }
0x19a: {  	s3 =	spop (v2sf)  }
0x19b: {  	p2 =	sne.s32 s4, $0xFFFFFFFF;
	s4 =	smov.u32 s3  }
0x19c: {  	p3 =	seq.s32 s3, $0xFFFFFFFF;
	s4 =	smov.u32 @p2 s5  }
0x19d: {  	s3 =	smov.u32 @p3 s2;
	s4 =	smov.u32 @p3 s5  }
0x19e: {  	(v2sf) =	vpush v0, $0x0;
	_ =	sdelay $0x7  }
0x19f: {  	s0 =	spop (v2sf);
	p1 =	sne.s32 s4, $0xFFFFFFFF  }
0x1a0: {  	s9 =	simm.s32 $0x6;
	s6 =	simm.s32 $0x0;
	s10 =	simm.s32 $0xCC38  }
0x1a1: {  	s11 =	simm.s32 $0xC988;
	s12 =	simm.s32 $0xCA08;
	s2 =	smov.u32 s0  }
0x1a2: {  	s13 =	simm.s32 $0xCA88;
	p2 =	seq.s32 s0, $0xFFFFFFFF;
	s2 =	smov.u32 @p1 s4  }
0x1a3: {  	s14 =	simm.s32 $0xCB08;
	s2 =	smov.u32 @p2 s4;
	s4 =	spop (v2sf)  }
0x1a4: {  	s15 =	simm.s32 $0xCB88;
	p1 =	sne.s32 s2, $0xFFFFFFFF;
	s5 =	smov.u32 s4  }
.Ltmp26:
0x1a5: {  	s5 =	smov.u32 @p1 s2;
	p1 =	seq.s32 s4, $0xFFFFFFFF;
	(pc) =	sbr.rel .LBB2_38-.Ltmp26, $4  }
0x1a6: {  	s16 =	simm.s32 $0x0;
	s5 =	smov.u32 @p1 s2;
	s7 =	spop (v2sf)  }
0x1a7: {  	s0 =	smov.u32 @p2 s3;
	p2 =	sne.s32 s5, $0xFFFFFFFF;
	s8 =	smov.u32 s7  }
0x1a8: {  	s4 =	smov.u32 @p1 s0;
	p1 =	seq.s32 s7, $0xFFFFFFFF;
	s8 =	smov.u32 @p2 s5  }
0x1a9: {  	[sflag:s9] =	ssyncpa.u1 $0x0;
	s7 =	smov.u32 @p1 s4;
	s8 =	smov.u32 @p1 s5  }
.LBB2_53:
0x1aa: {  	s16 =	sadd.s32 $0x1, s16  }
0x1ab: {  	p1 =	sne.s32 s16, $0x20  }
.Ltmp27:
0x1ac: {  	_ = 	snop;
	(pc) =	sbr.rel @!p1 .LBB2_54-.Ltmp27, $2  }
0x1ad: {  	_ =	sdelay $0x2  }
0x1ae: {  	s10 =	sadd.s32 $0x300, s10  }
.LBB2_38:
0x1af: {  	v0 =	vld.msk [tilespmem:s16+$0xCC18], $0x1;
	_ =	sdelay $0x4  }
0x1b0: {  	(v2sf) =	vpush v0, $0x0;
	_ =	sdelay $0xe  }
0x1b1: {  	s0 =	spop (v2sf)  }
0x1b2: {  	p1 =	seq.s32 s0, $0xFFFFFFFF  }
.Ltmp28:
0x1b3: {  	_ = 	snop;
	(pc) =	sbr.rel @p1 .LBB2_53-.Ltmp28, $1  }
0x1b4: {  	_ =	sdelay $0x3  }
0x1b5: {  	p1 =	slt.s32 s6, $0x1  }
.Ltmp29:
0x1b6: {  	_ = 	snop;
	(pc) =	sbr.rel @p1 .LBB2_46-.Ltmp29, $1  }
0x1b7: {  	_ =	sdelay $0x3  }
0x1b8: {  	s3 =	simm.s32 $0xCC18;
	p1 =	por $0x0, $0x0  }
0x1b9: {  	v1 =	vld.msk @!p1 [tilespmem:s3+$0x0], $0x1;
	_ =	sdelay $0x4  }
0x1ba: {  	(v2sf) =	vpush @!p1 v1, $0x0;
	_ =	sdelay $0xd  }
0x1bb: {  	p3 =	sne.s32 s6, $0x1  }
.Ltmp30:
0x1bc: {  	s2 =	spop @!p1 (v2sf);
	(pc) =	sbr.rel @!p3 .LBB2_42-.Ltmp30, $4  }
0x1bd: {  	p2 =	seq.s32 @!p1 s0, s2  }
0x1be: {  	s4 =	simm.s32 $0x0;
	p2 =	por !p2, p1  }
0x1bf: {  	s2 =	simm.s32 $0xFFFFFFFF;
	s4 =	simm.s32 @p2 $0xFFFFFFFF  }
0x1c0: {  	s5 =	simm.s32 $0x1;
	s4 =	smov.u32 @p1 s2  }
.LBB2_41:
0x1c1: {  	s2 =	smov.u32 s4;
	p1 =	sne.s32 s4, $0xFFFFFFFF  }
0x1c2: {  	s3 =	sadd.s32 $0x1, s3;
	s4 =	smov.u32 s5;
	s5 =	sadd.s32 $0x1, s5  }
0x1c3: {  	p2 =	sne.s32 s6, s5;
	v1 =	vld.msk @!p1 [tilespmem:s3+$0x0], $0x1;
	_ =	sdelay $0x4  }
0x1c4: {  	(v2sf) =	vpush @!p1 v1, $0x0;
	_ =	sdelay $0xe  }
.Ltmp31:
0x1c5: {  	s17 =	spop @!p1 (v2sf);
	(pc) =	sbr.rel @p2 .LBB2_41-.Ltmp31, $4  }
0x1c6: {  	p3 =	seq.s32 @!p1 s0, s17  }
0x1c7: {  	p3 =	por !p3, p1  }
0x1c8: {  	s4 =	simm.s32 @p3 $0xFFFFFFFF  }
0x1c9: {  	s4 =	smov.u32 @p1 s2  }
.LBB2_42:
0x1ca: {  	p1 =	seq.s32 s4, $0xFFFFFFFF  }
.Ltmp32:
0x1cb: {  	_ = 	snop;
	(pc) =	sbr.rel @p1 .LBB2_46-.Ltmp32, $1  }
0x1cc: {  	_ =	sdelay $0x3  }
0x1cd: {  	s0 =	smul.u32 $0xC00, s4;
	_ =	sdelay $0x1  }
0x1ce: {  	s0 =	sshra.s32 s0, $0x2  }
0x1cf: {  	s2 =	simm.s32 $0x0;
	v0 =	vld [tilespmem:s10+$0x0];
	s3 =	smov.u32 s10;
	s0 =	sadd.s32 $0xCC38, s0  }
.LBB2_44:
0x1d0: {  	s2 =	sadd.s32 $0x10, s2  }
0x1d1: {  	p1 =	slt.u32 s2, $0x2F0  }
.Ltmp33:
0x1d2: {  	_ = 	snop;
	(pc) =	sbr.rel @p1 .LBB2_44-.Ltmp33, $3  }
0x1d3: {  	_ =	sdelay $0x1  }
0x1d4: {  	s3 =	sadd.s32 $0x10, s3;
	[tilespmem:s0+$0x0] =	vst.add.f32.msk $0xffff, v0;
	s0 =	sadd.s32 $0x10, s0  }
0x1d5: {  	v0 =	vld [tilespmem:s3+$0x0]  }
.Ltmp34:
0x1d6: {  	_ = 	snop;
	(pc) =	sbr.rel .LBB2_53-.Ltmp34, $2  }
0x1d7: {  	_ =	sdelay $0x2  }
0x1d8: {  	[tilespmem:s0+$0x0] =	vst.add.f32.msk $0xffff, v0  }
.LBB2_46:
0x1d9: {  	p1 =	sgt.u32 s0, $0x2FFD70  }
0x1da: {  	p2 =	seq.s32 @!p1 s0, s8  }
0x1db: {  	p1 =	por p1, p2  }
0x1dc: {  	p2 =	seq.s32 @!p1 s0, s7  }
0x1dd: {  	p1 =	por p1, p2  }
.Ltmp35:
0x1de: {  	_ = 	snop;
	(pc) =	sbr.rel @p1 .LBB2_50-.Ltmp35, $1  }
0x1df: {  	_ =	sdelay $0x3  }
0x1e0: {  	s2 =	sand.u32 $0x3FFFF8, s0;
	s4 =	sand.u32 $0x7, s0  }
0x1e1: {  	s3 =	simm.s32 $0xC908;
	s26 =	sadd.s32 $0x80, s0;
	s2 =	sadd.s32 s1, s2  }
0x1e2: {  	[tilespmem:s3], [sflag:$0x6] =	stream.linear.gather [hbm4b:s2+s4], $0x80, $0x38;
	[tilespmem:$0x1ECE8] =	vst v63  }
0x1e3: {  	s2 =	sand.u32 $0x7FFFF8, s26  }
0x1e4: {  	s28 =	sadd.s32 $0x100, s0;
	s2 =	sadd.s32 s1, s2  }
0x1e5: {  	[tilespmem:s11], [sflag:$0x6] =	stream.linear.gather [hbm4b:s2+s4], $0x80, $0x38;
	[tilespmem:$0x1ECE8] =	vst v63  }
0x1e6: {  	s2 =	sand.u32 $0x7FFFF8, s28  }
0x1e7: {  	s29 =	sadd.s32 $0x180, s0;
	s2 =	sadd.s32 s1, s2  }
0x1e8: {  	[tilespmem:s12], [sflag:$0x6] =	stream.linear.gather [hbm4b:s2+s4], $0x80, $0x38;
	[tilespmem:$0x1ECE8] =	vst v63  }
0x1e9: {  	s2 =	sand.u32 $0x7FFFF8, s29  }
0x1ea: {  	s30 =	sadd.s32 $0x200, s0;
	s2 =	sadd.s32 s1, s2  }
0x1eb: {  	[tilespmem:s13], [sflag:$0x6] =	stream.linear.gather [hbm4b:s2+s4], $0x80, $0x38;
	[tilespmem:$0x1ECE8] =	vst v63  }
0x1ec: {  	s31 =	sadd.s32 $0x280, s0;
	s2 =	sand.u32 $0x7FFFF8, s30  }
0x1ed: {  	s0 =	sand.u32 $0x7FFFF8, s31;
	s2 =	sadd.s32 s1, s2  }
0x1ee: {  	[tilespmem:s14], [sflag:$0x6] =	stream.linear.gather [hbm4b:s2+s4], $0x80, $0x38;
	[tilespmem:$0x1ECE8] =	vst v63  }
0x1ef: {  	s0 =	sadd.s32 s1, s0  }
0x1f0: {  	[tilespmem:s15], [sflag:$0x6] =	stream.linear.gather [hbm4b:s0+s4], $0x80, $0x38;
	[tilespmem:$0x1ECE8] =	vst v63  }
0x1f1: {  	_ =	swait.ge [sflag:s9], $0x300  }
0x1f2: {  	[sflag:s9] =	ssyncset.done $0x0  }
0x1f3: {  	[sflag:s9] =	ssyncadd.s32 $0xFFFFFD00  }
0x1f4: {  	s2 =	smov.u32 s10;
	s0 =	simm.s32 $0x0;
	v1 =	vld [tilespmem:s3+$0x0]  }
.LBB2_48:
0x1f5: {  	s0 =	sadd.s32 $0x10, s0  }
0x1f6: {  	p1 =	slt.u32 s0, $0x2F0  }
.Ltmp36:
0x1f7: {  	_ = 	snop;
	(pc) =	sbr.rel @p1 .LBB2_48-.Ltmp36, $3  }
0x1f8: {  	_ =	sdelay $0x1  }
0x1f9: {  	s3 =	sadd.s32 $0x10, s3;
	[tilespmem:s2+$0x0] =	vst.add.f32.msk $0xffff, v1;
	s2 =	sadd.s32 $0x10, s2  }
0x1fa: {  	v1 =	vld [tilespmem:s3+$0x0]  }
0x1fb: {  	_ =	sdelay $0x3  }
0x1fc: {  	[tilespmem:s2+$0x0] =	vst.add.f32.msk $0xffff, v1  }
.LBB2_50:
0x1fd: {  	s0 =	smul.u32 $0xC00, s6;
	_ =	sdelay $0x1  }
0x1fe: {  	[tilespmem:s6+$0xCC18] =	vst.msk $0x1, v0;
	s0 =	sshra.s32 s0, $0x2  }
0x1ff: {  	s2 =	simm.s32 $0x0;
	s3 =	smov.u32 s10;
	v0 =	vld [tilespmem:s10+$0x0];
	s0 =	sadd.s32 $0xCC38, s0  }
.LBB2_51:
0x200: {  	s2 =	sadd.s32 $0x10, s2  }
0x201: {  	p1 =	slt.u32 s2, $0x2F0  }
.Ltmp37:
0x202: {  	_ = 	snop;
	(pc) =	sbr.rel @p1 .LBB2_51-.Ltmp37, $3  }
0x203: {  	_ =	sdelay $0x1  }
0x204: {  	s3 =	sadd.s32 $0x10, s3;
	[tilespmem:s0+$0x0] =	vst v0;
	s0 =	sadd.s32 $0x10, s0  }
0x205: {  	v0 =	vld [tilespmem:s3+$0x0]  }
.Ltmp38:
0x206: {  	_ = 	snop;
	(pc) =	sbr.rel .LBB2_53-.Ltmp38, $2  }
0x207: {  	_ =	sdelay $0x2  }
0x208: {  	s6 =	sadd.s32 $0x1, s6;
	[tilespmem:s0+$0x0] =	vst v0  }
.LBB2_54:
0x209: {  	s0 =	simm.s32 $0x6;
	p1 =	seq.s32 s6, $0x0  }
0x20a: {  	[sflag:s0] =	ssyncpa.u1 $0x1;
	v0 =	vimm.s32 @p1 $0xFFFFFFFF  }
0x20b: {  	s0 =	sadd.s32 $0xFFFFFFFF, s6;
	[tilespmem:$0x12C38] =	vst @p1 v0  }
0x20c: {  	v0 =	vld.msk @!p1 [tilespmem:s0+$0xCC18], $0x1;
	_ =	sdelay $0x1  }
0x20d: {  	v1 =	vld.msk @!p1 [tilespmem:$0xCC18], $0x1;
	_ =	sdelay $0x2  }
0x20e: {  	p2 =	seq.s32 @!p1 s0, $0x0;
	v0 =	vbroadcast @!p1 v0, $0x0  }
0x20f: {  	vm0 =	vmmov @!p1 $0x1;
	p3 =	por !p2, p1  }
0x210: {  	p2 =	sne.s32 @!p1 s8, s7;
	v1 =	vnsel @!p1 vm0, $0xFFFFFFFF, v1;
	vm0 =	vcmask @!p1 $0x308;
	v0 =	vpsel !p3, $0xFFFFFFFF, v0  }
0x211: {  	p3 =	por !p2, p1;
	v0 =	vsel @!p1 vm0, v1, v0  }
0x212: {  	s2 =	simm.s32 @!p1 $0xCC38;
	s3 =	simm.s32 @!p1 $0x0;
	s4 =	smul.u32 @!p3 $0xC00, s0;
	[tilespmem:$0x12C38] =	vst @!p1 v0  }
0x213: {  	[spmem:s3] =	stream.linear.scatter @!p1 [tilespmem:s2], [sflag:$0x1], $0x300, $0x38;
	[tilespmem:$0x1ECE8] =	vst v63  }
0x214: {  	s2 =	sshra.s32 @!p3 s4, $0x2  }
0x215: {  	s3 =	simm.s32 @!p3 $0x300;
	s2 =	sadd.s32 @!p3 $0xCC38, s2  }
0x216: {  	[spmem:s3] =	stream.linear.scatter @!p3 [tilespmem:s2], [sflag:$0x1], $0x300, $0x38;
	[tilespmem:$0x1ECE8] =	vst v63  }
0x217: {  	s2 =	simm.s32 @!p3 $0x1  }
0x218: {  	_ =	swait.ge @!p3 [sflag:s2], $0x600  }
0x219: {  	p1 =	por p2, p1;
	[sflag:s2] =	ssyncset.done @!p3 $0x0  }
0x21a: {  	[sflag:s2] =	ssyncadd.s32 @!p3 $0xFFFFFA00;
	s2 =	simm.s32 @!p1 $0x1  }
0x21b: {  	_ =	swait.ge @!p1 [sflag:s2], $0x300  }
0x21c: {  	s29 =	simm.s32 $0x12C38;
	[sflag:s2] =	ssyncset.done @!p1 $0x0  }
0x21d: {  	s30 =	simm.s32 $0x6000;
	s31 =	simm.s32 $0x1;
	[sflag:s2] =	ssyncadd.s32 @!p1 $0xFFFFFD00  }
0x21e: {  	[spmem:s30] =	stream.linear.scatter [tilespmem:s29], [sflag:$0x1], $0x10, $0x38;
	[tilespmem:$0x1ECE8] =	vst v63  }
0x21f: {  	_ =	swait.ge [sflag:s31], $0x10  }
0x220: {  	[sflag:s31] =	ssyncset.done $0x0  }
0x221: {  	p1 =	seq.s32 s18, $0x0;
	s9 =	rddreg [dreg:$0x2];
	[sflag:s31] =	ssyncadd.s32 $0xFFFFFFF0  }
0x222: {  	s3 =	sshll.u32 @p1 s9, $0xE;
	s8 =	rddreg [dreg:$0x3]  }
0x223: {  	s2 =	sadd.s32 @p1 $0x15C3C, s3;
	s3 =	sshll.u32 @p1 s8, $0x11  }
0x224: {  	_ =	sfence.stream.spmem;
	s2 =	sor.u32 @p1 s3, s2  }
0x225: {  	[sflag:s2] =	ssyncadd.remote.s32 @p1 $0x1;
	s2 =	simm.s32 @p1 $0x4  }
0x226: {  	s4 =	simm.s32 @!p1 $0x3C;
	s3 =	sand.u32 $0xFFFFFFFE, s9;
	_ =	swait.ge @p1 [sflag:s2], $0xC2  }
0x227: {  	s5 =	simm.s32 @!p1 $0x0;
	s3 =	sadd.s32 @!p1 $0x4, s3;
	[sflag:s2] =	ssyncset.done @p1 $0x0  }
0x228: {  	s7 =	simm.s32 @!p1 $0x600;
	[sflag:s2] =	ssyncadd.s32 @p1 $0xFFFFFF3E;
	s2 =	sshll.u32 @!p1 s3, $0x1A  }
0x229: {  	s3 =	sshll.u32 @!p1 s3, $0xD;
	s2 =	sor.u32 @!p1 s2, s8;
	_ =	swait.eq @!p1 [sflag:s4], $0x1  }
0x22a: {  	s3 =	sor.u32 @!p1 $0x1C04, s3;
	s4 =	simm.s32 @!p1 $0x1C03;
	s2 =	sor.u32 @!p1 $0x80004000, s2  }
0x22b: {  	[spmem:s7], [sflag:s3] =	dma.general @!p1 [spmem:s5], [sflag:s4], length:$0xC0, [dreg:$0x0], stride_count:$0x0, ici_dest:s2, dma_misc:DstOpCode:WRITE  }
0x22c: {  	p2 =	slt.s32 s0, $0x2;
	s5 =	simm.s32 @!p1 $0xC00;
	s7 =	simm.s32 @!p1 $0xC02  }
0x22d: {  	[spmem:s7], [sflag:s3] =	dma.general @!p1 [spmem:s5], [sflag:s4], length:$0x2, [dreg:$0x0], stride_count:$0x0, ici_dest:s2, dma_misc:DstOpCode:WRITE  }
.Ltmp39:
0x22e: {  	s2 =	simm.s32 @!p1 $0x3;
	(pc) =	sbr.rel @p2 .LBB2_58-.Ltmp39, $4  }
0x22f: {  	s3 =	sshll.u32 @!p1 s9, $0xE;
	_ =	swait.ge @!p1 [sflag:s2], $0xC2  }
0x230: {  	s4 =	sshll.u32 @!p1 s8, $0x11;
	s3 =	sadd.s32 @!p1 $0x11C3C, s3;
	[sflag:s2] =	ssyncset.done @!p1 $0x0  }
0x231: {  	[sflag:s2] =	ssyncadd.s32 @!p1 $0xFFFFFF3E;
	s2 =	sor.u32 @!p1 s4, s3  }
0x232: {  	s0 =	simm.s32 $0x0;
	[sflag:s2] =	ssyncadd.remote.s32 @!p1 $0xFFFFFFFF  }
0x233: {  	s0 =	simm.s32 $0xCC19  }
0x234: {  	v0 =	vld.msk [tilespmem:s0+$0x0], $0x1;
	_ =	sdelay $0x4  }
0x235: {  	(v2sf) =	vpush v0, $0x0;
	_ =	sdelay $0xd  }
0x236: {  	s2 =	sadd.s32 $0xFFFFFFFE, s6;
	s5 =	simm.s32 $0xCF38  }
0x237: {  	s6 =	simm.s32 $0xCC1A;
	s4 =	sadd.s32 $0xFFFFFFFF, s2;
	s2 =	spop (v2sf)  }
0x238: {  	s7 =	simm.s32 $0xD238;
	s0 =	simm.s32 $0x0;
	p1 =	sgt.u32 s2, $0x2FFD70  }
0x239: {  	p2 =	sne.s32 s4, $0x0;
	s3 =	sand.u32 @!p1 $0x3FFFF8, s2;
	s8 =	sadd.s32 @!p1 $0x80, s2  }
0x23a: {  	s9 =	sand.u32 @!p1 $0x7, s2;
	s3 =	sadd.s32 @!p1 s1, s3;
	s8 =	sand.u32 @!p1 $0x7FFFF8, s8  }
0x23b: {  	[hbm4b:s3+s9] =	stream.linear.scatter @!p1 [tilespmem:s5], [sflag:$0x5], $0x80, $0x38;
	[tilespmem:$0x1ECE8] =	vst v63  }
0x23c: {  	s11 =	simm.s32 @!p1 $0xCFB8;
	s3 =	sadd.s32 @!p1 $0x100, s2;
	s8 =	sadd.s32 @!p1 s1, s8  }
0x23d: {  	[hbm4b:s8+s9] =	stream.linear.scatter @!p1 [tilespmem:s11], [sflag:$0x5], $0x80, $0x38;
	[tilespmem:$0x1ECE8] =	vst v63  }
.Ltmp40:
0x23e: {  	s10 =	sadd.s32 @!p1 $0x180, s2;
	s3 =	sand.u32 @!p1 $0x7FFFF8, s3;
	(pc) =	sbr.rel @!p2 .LBB2_57-.Ltmp40, $4  }
0x23f: {  	s8 =	simm.s32 @!p1 $0xD038;
	s3 =	sadd.s32 @!p1 s1, s3;
	s11 =	sand.u32 @!p1 $0x7FFFF8, s10  }
0x240: {  	[hbm4b:s3+s9] =	stream.linear.scatter @!p1 [tilespmem:s8], [sflag:$0x5], $0x80, $0x38;
	[tilespmem:$0x1ECE8] =	vst v63  }
0x241: {  	s10 =	simm.s32 @!p1 $0xD0B8;
	s11 =	sadd.s32 @!p1 s1, s11;
	s8 =	sadd.s32 @!p1 $0x200, s2  }
0x242: {  	s3 =	sadd.s32 @!p1 $0x280, s2;
	s2 =	sand.u32 @!p1 $0x7FFFF8, s8;
	s8 =	simm.s32 $0x0  }
.LBB2_56:
0x243: {  	[hbm4b:s11+s9] =	stream.linear.scatter @!p1 [tilespmem:s10], [sflag:$0x5], $0x80, $0x38;
	[tilespmem:$0x1ECE8] =	vst v63  }
0x244: {  	s10 =	sadd.s32 @!p1 $0x200, s5;
	s2 =	sadd.s32 @!p1 s1, s2;
	s3 =	sand.u32 @!p1 $0x7FFFF8, s3  }
0x245: {  	[hbm4b:s2+s9] =	stream.linear.scatter @!p1 [tilespmem:s10], [sflag:$0x5], $0x80, $0x38;
	[tilespmem:$0x1ECE8] =	vst v63  }
0x246: {  	s2 =	simm.s32 $0x0  }
0x247: {  	s5 =	sadd.s32 @!p1 $0x280, s5;
	s3 =	sadd.s32 @!p1 s1, s3;
	s2 =	simm.s32 @!p1 $0xC00  }
0x248: {  	[hbm4b:s3+s9] =	stream.linear.scatter @!p1 [tilespmem:s5], [sflag:$0x5], $0x80, $0x38;
	[tilespmem:$0x1ECE8] =	vst v63  }
0x249: {  	s4 =	sadd.s32 $0xFFFFFFFF, s4;
	s8 =	sadd.s32 s8, s2;
	s5 =	smov.u32 s7;
	v0 =	vld.msk [tilespmem:s6+$0x0], $0x1  }
0x24a: {  	p2 =	sne.s32 s4, $0x0;
	_ =	sdelay $0x3  }
0x24b: {  	(v2sf) =	vpush v0, $0x0;
	_ =	sdelay $0xe  }
0x24c: {  	s2 =	spop (v2sf)  }
0x24d: {  	p1 =	sgt.u32 s2, $0x2FFD70  }
0x24e: {  	s7 =	sadd.s32 $0x300, s7;
	s6 =	sadd.s32 $0x1, s6;
	s3 =	sand.u32 @!p1 $0x3FFFF8, s2  }
0x24f: {  	s10 =	sadd.s32 @!p1 $0x100, s2;
	s11 =	sadd.s32 @!p1 $0x180, s2;
	s9 =	sand.u32 @!p1 $0x7, s2  }
0x250: {  	s12 =	sadd.s32 @!p1 $0x80, s2;
	s13 =	sadd.s32 @!p1 $0x100, s5;
	s3 =	sadd.s32 @!p1 s1, s3  }
0x251: {  	[hbm4b:s3+s9] =	stream.linear.scatter @!p1 [tilespmem:s5], [sflag:$0x5], $0x80, $0x38;
	[tilespmem:$0x1ECE8] =	vst v63  }
0x252: {  	s12 =	sand.u32 @!p1 $0x7FFFF8, s12;
	s10 =	sand.u32 @!p1 $0x7FFFF8, s10;
	s3 =	sadd.s32 @!p1 $0x80, s5  }
.Ltmp41:
0x253: {  	s12 =	sadd.s32 @!p1 s1, s12;
	s10 =	sadd.s32 @!p1 s1, s10;
	(pc) =	sbr.rel @p2 .LBB2_56-.Ltmp41, $4  }
0x254: {  	[hbm4b:s12+s9] =	stream.linear.scatter @!p1 [tilespmem:s3], [sflag:$0x5], $0x80, $0x38;
	[tilespmem:$0x1ECE8] =	vst v63  }
0x255: {  	s11 =	sand.u32 @!p1 $0x7FFFF8, s11;
	s12 =	sadd.s32 @!p1 $0x200, s2;
	s3 =	sadd.s32 @!p1 $0x280, s2  }
0x256: {  	[hbm4b:s10+s9] =	stream.linear.scatter @!p1 [tilespmem:s13], [sflag:$0x5], $0x80, $0x38;
	[tilespmem:$0x1ECE8] =	vst v63  }
0x257: {  	s11 =	sadd.s32 @!p1 s1, s11;
	s2 =	sand.u32 @!p1 $0x7FFFF8, s12;
	s10 =	sadd.s32 @!p1 $0x180, s5  }
.LBB2_57:
0x258: {  	[hbm4b:s11+s9] =	stream.linear.scatter @!p1 [tilespmem:s10], [sflag:$0x5], $0x80, $0x38;
	[tilespmem:$0x1ECE8] =	vst v63  }
0x259: {  	s4 =	sadd.s32 @!p1 $0x200, s5;
	s0 =	simm.s32 @!p1 $0xC00  }
0x25a: {  	s2 =	sadd.s32 @!p1 s1, s2;
	s3 =	sand.u32 @!p1 $0x7FFFF8, s3;
	s0 =	sadd.s32 s8, s0  }
0x25b: {  	[hbm4b:s2+s9] =	stream.linear.scatter @!p1 [tilespmem:s4], [sflag:$0x5], $0x80, $0x38;
	[tilespmem:$0x1ECE8] =	vst v63  }
0x25c: {  	s3 =	sadd.s32 @!p1 s1, s3;
	s2 =	sadd.s32 @!p1 $0x280, s5;
	s0 =	sshrl.u32 s0, $0x2  }
0x25d: {  	[hbm4b:s3+s9] =	stream.linear.scatter @!p1 [tilespmem:s2], [sflag:$0x5], $0x80, $0x38;
	[tilespmem:$0x1ECE8] =	vst v63  }
.LBB2_58:
0x25e: {  	s2 =	simm.s32 $0x5  }
0x25f: {  	_ =	swait.ge [sflag:s2], s0  }
0x260: {  	s31 =	ssub.s32 $0x0, s0;
	[sflag:s2] =	ssyncset.done $0x0  }
0x261: {  	[sflag:s2] =	ssyncadd.s32 s31  }
0x262: {  	[sflag:s2] =	ssyncpa.u1 $0x1  }
.LBB2_59:
0x263: {  	s0 =	sor.u32 s18, s19  }
0x264: {  	p1 =	sne.s32 s0, $0x0  }
.Ltmp42:
0x265: {  	_ = 	snop;
	(pc) =	sbr.rel @p1 .LBB2_82-.Ltmp42, $3  }
0x266: {  	_ =	sdelay $0x1  }
0x267: {  	[bflag:$0x0] =	sbarrier.arrive $0xFFFF  }
0x268: {  	_ =	sfence  }
0x269: {  	s0 =	simm.s32 $0x7  }
0x26a: {  	s2 =	simm.s32 $0x6000;
	s3 =	simm.s32 $0xCC18;
	[sflag:s0] =	ssyncpa.u1 $0x0  }
0x26b: {  	[tilespmem:s3], [sflag:$0x7] =	stream.linear.gather [spmem:s2], $0x20, $0x38;
	[tilespmem:$0x1ECE8] =	vst v63  }
0x26c: {  	s2 =	simm.s32 $0x0;
	s3 =	simm.s32 $0xCC38  }
0x26d: {  	[tilespmem:s3], [sflag:$0x7] =	stream.linear.gather [spmem:s2], $0x6000, $0x38;
	[tilespmem:$0x1ECE8] =	vst v63  }
.Ltmp43:
0x26e: {  	_ = 	snop;
	(pc) =	sbr.rel .LBB2_61-.Ltmp43, $4  }
0x26f: {  	s4 =	simm.s32 $0x8;
	_ =	swait.ge [sflag:s0], $0x6020  }
0x270: {  	s5 =	simm.s32 $0xC988;
	s6 =	simm.s32 $0xCA08;
	[sflag:s0] =	ssyncset.done $0x0  }
0x271: {  	s7 =	simm.s32 $0xCA88;
	s8 =	simm.s32 $0xCB08;
	[sflag:s0] =	ssyncadd.s32 $0xFFFF9FE0  }
0x272: {  	s9 =	simm.s32 $0xCB88;
	s10 =	simm.s32 $0x0;
	[sflag:s4] =	ssyncpa.u1 $0x0  }
.LBB2_76:
0x273: {  	s10 =	sadd.s32 $0x1, s10  }
0x274: {  	p1 =	sne.s32 s10, $0x20  }
.Ltmp44:
0x275: {  	_ = 	snop;
	(pc) =	sbr.rel @!p1 .LBB2_77-.Ltmp44, $2  }
0x276: {  	_ =	sdelay $0x2  }
0x277: {  	s3 =	sadd.s32 $0x300, s3  }
.LBB2_61:
0x278: {  	v0 =	vld.msk [tilespmem:s10+$0xCC18], $0x1;
	_ =	sdelay $0x4  }
0x279: {  	(v2sf) =	vpush v0, $0x0;
	_ =	sdelay $0xe  }
0x27a: {  	s0 =	spop (v2sf)  }
0x27b: {  	p1 =	seq.s32 s0, $0xFFFFFFFF  }
.Ltmp45:
0x27c: {  	_ = 	snop;
	(pc) =	sbr.rel @p1 .LBB2_76-.Ltmp45, $1  }
0x27d: {  	_ =	sdelay $0x3  }
0x27e: {  	p1 =	slt.s32 s2, $0x1  }
.Ltmp46:
0x27f: {  	_ = 	snop;
	(pc) =	sbr.rel @p1 .LBB2_69-.Ltmp46, $1  }
0x280: {  	_ =	sdelay $0x3  }
0x281: {  	s11 =	simm.s32 $0xCC18;
	p1 =	por $0x0, $0x0  }
0x282: {  	v1 =	vld.msk @!p1 [tilespmem:s11+$0x0], $0x1;
	_ =	sdelay $0x4  }
0x283: {  	(v2sf) =	vpush @!p1 v1, $0x0;
	_ =	sdelay $0xd  }
0x284: {  	p3 =	sne.s32 s2, $0x1  }
.Ltmp47:
0x285: {  	s12 =	spop @!p1 (v2sf);
	(pc) =	sbr.rel @!p3 .LBB2_65-.Ltmp47, $4  }
0x286: {  	p2 =	seq.s32 @!p1 s0, s12  }
0x287: {  	s12 =	simm.s32 $0x0;
	p2 =	por !p2, p1  }
0x288: {  	s14 =	simm.s32 $0xFFFFFFFF;
	s12 =	simm.s32 @p2 $0xFFFFFFFF  }
0x289: {  	s13 =	simm.s32 $0x1;
	s12 =	smov.u32 @p1 s14  }
.LBB2_64:
0x28a: {  	s14 =	smov.u32 s12;
	p1 =	sne.s32 s12, $0xFFFFFFFF  }
0x28b: {  	s11 =	sadd.s32 $0x1, s11;
	s12 =	smov.u32 s13;
	s13 =	sadd.s32 $0x1, s13  }
0x28c: {  	p2 =	sne.s32 s2, s13;
	v1 =	vld.msk @!p1 [tilespmem:s11+$0x0], $0x1;
	_ =	sdelay $0x4  }
0x28d: {  	(v2sf) =	vpush @!p1 v1, $0x0;
	_ =	sdelay $0xe  }
.Ltmp48:
0x28e: {  	s15 =	spop @!p1 (v2sf);
	(pc) =	sbr.rel @p2 .LBB2_64-.Ltmp48, $4  }
0x28f: {  	p3 =	seq.s32 @!p1 s0, s15  }
0x290: {  	p3 =	por !p3, p1  }
0x291: {  	s12 =	simm.s32 @p3 $0xFFFFFFFF  }
0x292: {  	s12 =	smov.u32 @p1 s14  }
.LBB2_65:
0x293: {  	p1 =	seq.s32 s12, $0xFFFFFFFF  }
.Ltmp49:
0x294: {  	_ = 	snop;
	(pc) =	sbr.rel @p1 .LBB2_69-.Ltmp49, $1  }
0x295: {  	_ =	sdelay $0x3  }
0x296: {  	s0 =	smul.u32 $0xC00, s12;
	_ =	sdelay $0x1  }
0x297: {  	s0 =	sshra.s32 s0, $0x2  }
0x298: {  	s11 =	simm.s32 $0x0;
	v0 =	vld [tilespmem:s3+$0x0];
	s12 =	smov.u32 s3;
	s0 =	sadd.s32 $0xCC38, s0  }
.LBB2_67:
0x299: {  	s11 =	sadd.s32 $0x10, s11  }
0x29a: {  	p1 =	slt.u32 s11, $0x2F0  }
.Ltmp50:
0x29b: {  	_ = 	snop;
	(pc) =	sbr.rel @p1 .LBB2_67-.Ltmp50, $3  }
0x29c: {  	_ =	sdelay $0x1  }
0x29d: {  	s12 =	sadd.s32 $0x10, s12;
	[tilespmem:s0+$0x0] =	vst.add.f32.msk $0xffff, v0;
	s0 =	sadd.s32 $0x10, s0  }
0x29e: {  	v0 =	vld [tilespmem:s12+$0x0]  }
.Ltmp51:
0x29f: {  	_ = 	snop;
	(pc) =	sbr.rel .LBB2_76-.Ltmp51, $2  }
0x2a0: {  	_ =	sdelay $0x2  }
0x2a1: {  	[tilespmem:s0+$0x0] =	vst.add.f32.msk $0xffff, v0  }
.LBB2_69:
0x2a2: {  	p1 =	sgt.u32 s0, $0x2FFD70  }
.Ltmp52:
0x2a3: {  	_ = 	snop;
	(pc) =	sbr.rel @p1 .LBB2_73-.Ltmp52, $1  }
0x2a4: {  	_ =	sdelay $0x3  }
0x2a5: {  	s11 =	sand.u32 $0x3FFFF8, s0;
	s13 =	sand.u32 $0x7, s0  }
0x2a6: {  	s26 =	sadd.s32 $0x80, s0;
	s12 =	sadd.s32 s1, s11;
	s11 =	simm.s32 $0xC908  }
0x2a7: {  	[tilespmem:s11], [sflag:$0x8] =	stream.linear.gather [hbm4b:s12+s13], $0x80, $0x38;
	[tilespmem:$0x1ECE8] =	vst v63  }
0x2a8: {  	s12 =	sand.u32 $0x7FFFF8, s26  }
0x2a9: {  	s28 =	sadd.s32 $0x100, s0;
	s12 =	sadd.s32 s1, s12  }
0x2aa: {  	[tilespmem:s5], [sflag:$0x8] =	stream.linear.gather [hbm4b:s12+s13], $0x80, $0x38;
	[tilespmem:$0x1ECE8] =	vst v63  }
0x2ab: {  	s12 =	sand.u32 $0x7FFFF8, s28  }
0x2ac: {  	s29 =	sadd.s32 $0x180, s0;
	s12 =	sadd.s32 s1, s12  }
0x2ad: {  	[tilespmem:s6], [sflag:$0x8] =	stream.linear.gather [hbm4b:s12+s13], $0x80, $0x38;
	[tilespmem:$0x1ECE8] =	vst v63  }
0x2ae: {  	s12 =	sand.u32 $0x7FFFF8, s29  }
0x2af: {  	s30 =	sadd.s32 $0x200, s0;
	s12 =	sadd.s32 s1, s12  }
0x2b0: {  	[tilespmem:s7], [sflag:$0x8] =	stream.linear.gather [hbm4b:s12+s13], $0x80, $0x38;
	[tilespmem:$0x1ECE8] =	vst v63  }
0x2b1: {  	s31 =	sadd.s32 $0x280, s0;
	s12 =	sand.u32 $0x7FFFF8, s30  }
0x2b2: {  	s0 =	sand.u32 $0x7FFFF8, s31;
	s12 =	sadd.s32 s1, s12  }
0x2b3: {  	[tilespmem:s8], [sflag:$0x8] =	stream.linear.gather [hbm4b:s12+s13], $0x80, $0x38;
	[tilespmem:$0x1ECE8] =	vst v63  }
0x2b4: {  	s0 =	sadd.s32 s1, s0  }
0x2b5: {  	[tilespmem:s9], [sflag:$0x8] =	stream.linear.gather [hbm4b:s0+s13], $0x80, $0x38;
	[tilespmem:$0x1ECE8] =	vst v63  }
0x2b6: {  	_ =	swait.ge [sflag:s4], $0x300  }
0x2b7: {  	[sflag:s4] =	ssyncset.done $0x0  }
0x2b8: {  	[sflag:s4] =	ssyncadd.s32 $0xFFFFFD00  }
0x2b9: {  	s12 =	smov.u32 s3;
	s0 =	simm.s32 $0x0;
	v1 =	vld [tilespmem:s11+$0x0]  }
.LBB2_71:
0x2ba: {  	s0 =	sadd.s32 $0x10, s0  }
0x2bb: {  	p1 =	slt.u32 s0, $0x2F0  }
.Ltmp53:
0x2bc: {  	_ = 	snop;
	(pc) =	sbr.rel @p1 .LBB2_71-.Ltmp53, $3  }
0x2bd: {  	_ =	sdelay $0x1  }
0x2be: {  	s11 =	sadd.s32 $0x10, s11;
	[tilespmem:s12+$0x0] =	vst.add.f32.msk $0xffff, v1;
	s12 =	sadd.s32 $0x10, s12  }
0x2bf: {  	v1 =	vld [tilespmem:s11+$0x0]  }
0x2c0: {  	_ =	sdelay $0x3  }
0x2c1: {  	[tilespmem:s12+$0x0] =	vst.add.f32.msk $0xffff, v1  }
.LBB2_73:
0x2c2: {  	s0 =	smul.u32 $0xC00, s2;
	_ =	sdelay $0x1  }
0x2c3: {  	[tilespmem:s2+$0xCC18] =	vst.msk $0x1, v0;
	s0 =	sshra.s32 s0, $0x2  }
0x2c4: {  	s11 =	simm.s32 $0x0;
	s12 =	smov.u32 s3;
	v0 =	vld [tilespmem:s3+$0x0];
	s0 =	sadd.s32 $0xCC38, s0  }
.LBB2_74:
0x2c5: {  	s11 =	sadd.s32 $0x10, s11  }
0x2c6: {  	p1 =	slt.u32 s11, $0x2F0  }
.Ltmp54:
0x2c7: {  	_ = 	snop;
	(pc) =	sbr.rel @p1 .LBB2_74-.Ltmp54, $3  }
0x2c8: {  	_ =	sdelay $0x1  }
0x2c9: {  	s12 =	sadd.s32 $0x10, s12;
	[tilespmem:s0+$0x0] =	vst v0;
	s0 =	sadd.s32 $0x10, s0  }
0x2ca: {  	v0 =	vld [tilespmem:s12+$0x0]  }
.Ltmp55:
0x2cb: {  	_ = 	snop;
	(pc) =	sbr.rel .LBB2_76-.Ltmp55, $2  }
0x2cc: {  	_ =	sdelay $0x2  }
0x2cd: {  	s2 =	sadd.s32 $0x1, s2;
	[tilespmem:s0+$0x0] =	vst v0  }
.LBB2_77:
0x2ce: {  	p1 =	slt.s32 s2, $0x1  }
.Ltmp56:
0x2cf: {  	_ = 	snop;
	(pc) =	sbr.rel @p1 .LBB2_81-.Ltmp56, $3  }
0x2d0: {  	_ =	sdelay $0x1  }
0x2d1: {  	s0 =	simm.s32 $0x8  }
0x2d2: {  	s3 =	simm.s32 $0x0;
	[sflag:s0] =	ssyncpa.u1 $0x1  }
0x2d3: {  	s0 =	simm.s32 $0xCC18  }
0x2d4: {  	v0 =	vld.msk [tilespmem:s0+$0x0], $0x1;
	_ =	sdelay $0x4  }
0x2d5: {  	(v2sf) =	vpush v0, $0x0;
	_ =	sdelay $0xe  }
0x2d6: {  	s4 =	simm.s32 $0xCC38;
	s2 =	sadd.s32 $0xFFFFFFFF, s2;
	s8 =	spop (v2sf)  }
0x2d7: {  	s5 =	simm.s32 $0xCC19;
	s0 =	simm.s32 $0x0;
	p1 =	sgt.u32 s8, $0x2FFD70  }
0x2d8: {  	p2 =	sne.s32 s2, $0x0;
	s6 =	sand.u32 @!p1 $0x3FFFF8, s8;
	s9 =	sadd.s32 @!p1 $0x80, s8  }
0x2d9: {  	s7 =	sand.u32 @!p1 $0x7, s8;
	s6 =	sadd.s32 @!p1 s1, s6;
	s9 =	sand.u32 @!p1 $0x7FFFF8, s9  }
0x2da: {  	[hbm4b:s6+s7] =	stream.linear.scatter @!p1 [tilespmem:s4], [sflag:$0x7], $0x80, $0x38;
	[tilespmem:$0x1ECE8] =	vst v63  }
0x2db: {  	s10 =	sadd.s32 @!p1 $0x100, s8;
	s11 =	simm.s32 @!p1 $0xCCB8;
	s9 =	sadd.s32 @!p1 s1, s9  }
0x2dc: {  	[hbm4b:s9+s7] =	stream.linear.scatter @!p1 [tilespmem:s11], [sflag:$0x7], $0x80, $0x38;
	[tilespmem:$0x1ECE8] =	vst v63  }
.Ltmp57:
0x2dd: {  	s12 =	sadd.s32 @!p1 $0x200, s8;
	s10 =	sand.u32 @!p1 $0x7FFFF8, s10;
	(pc) =	sbr.rel @!p2 .LBB2_80-.Ltmp57, $4  }
0x2de: {  	s6 =	simm.s32 $0xCF38;
	s10 =	sadd.s32 @!p1 s1, s10;
	s9 =	sadd.s32 @!p1 $0x180, s8  }
0x2df: {  	s11 =	simm.s32 @!p1 $0xCD38;
	s8 =	sadd.s32 @!p1 $0x280, s8;
	s9 =	sand.u32 @!p1 $0x7FFFF8, s9  }
0x2e0: {  	[hbm4b:s10+s7] =	stream.linear.scatter @!p1 [tilespmem:s11], [sflag:$0x7], $0x80, $0x38;
	[tilespmem:$0x1ECE8] =	vst v63  }
0x2e1: {  	s10 =	simm.s32 @!p1 $0xCDB8;
	s11 =	sadd.s32 @!p1 s1, s9;
	s9 =	sand.u32 @!p1 $0x7FFFF8, s12  }
.LBB2_79:
0x2e2: {  	[hbm4b:s11+s7] =	stream.linear.scatter @!p1 [tilespmem:s10], [sflag:$0x7], $0x80, $0x38;
	[tilespmem:$0x1ECE8] =	vst v63  }
0x2e3: {  	s10 =	sadd.s32 @!p1 $0x200, s4;
	s9 =	sadd.s32 @!p1 s1, s9;
	s8 =	sand.u32 @!p1 $0x7FFFF8, s8  }
0x2e4: {  	[hbm4b:s9+s7] =	stream.linear.scatter @!p1 [tilespmem:s10], [sflag:$0x7], $0x80, $0x38;
	[tilespmem:$0x1ECE8] =	vst v63  }
0x2e5: {  	s9 =	simm.s32 $0x0  }
0x2e6: {  	s4 =	sadd.s32 @!p1 $0x280, s4;
	s8 =	sadd.s32 @!p1 s1, s8;
	s9 =	simm.s32 @!p1 $0xC00  }
0x2e7: {  	[hbm4b:s8+s7] =	stream.linear.scatter @!p1 [tilespmem:s4], [sflag:$0x7], $0x80, $0x38;
	[tilespmem:$0x1ECE8] =	vst v63  }
0x2e8: {  	s2 =	sadd.s32 $0xFFFFFFFF, s2;
	s3 =	sadd.s32 s3, s9;
	s4 =	smov.u32 s6;
	v0 =	vld.msk [tilespmem:s5+$0x0], $0x1  }
0x2e9: {  	p2 =	sne.s32 s2, $0x0;
	_ =	sdelay $0x3  }
0x2ea: {  	(v2sf) =	vpush v0, $0x0;
	_ =	sdelay $0xe  }
0x2eb: {  	s8 =	spop (v2sf)  }
0x2ec: {  	p1 =	sgt.u32 s8, $0x2FFD70  }
0x2ed: {  	s6 =	sadd.s32 $0x300, s6;
	s5 =	sadd.s32 $0x1, s5;
	s7 =	sand.u32 @!p1 $0x3FFFF8, s8  }
0x2ee: {  	s9 =	sadd.s32 @!p1 $0x100, s8;
	s10 =	sadd.s32 @!p1 $0x180, s8;
	s12 =	sadd.s32 @!p1 $0x80, s8  }
0x2ef: {  	s13 =	sadd.s32 @!p1 $0x100, s4;
	s11 =	sadd.s32 @!p1 s1, s7;
	s7 =	sand.u32 @!p1 $0x7, s8  }
0x2f0: {  	[hbm4b:s11+s7] =	stream.linear.scatter @!p1 [tilespmem:s4], [sflag:$0x7], $0x80, $0x38;
	[tilespmem:$0x1ECE8] =	vst v63  }
0x2f1: {  	s12 =	sand.u32 @!p1 $0x7FFFF8, s12;
	s9 =	sand.u32 @!p1 $0x7FFFF8, s9;
	s11 =	sadd.s32 @!p1 $0x80, s4  }
.Ltmp58:
0x2f2: {  	s12 =	sadd.s32 @!p1 s1, s12;
	s9 =	sadd.s32 @!p1 s1, s9;
	(pc) =	sbr.rel @p2 .LBB2_79-.Ltmp58, $4  }
0x2f3: {  	[hbm4b:s12+s7] =	stream.linear.scatter @!p1 [tilespmem:s11], [sflag:$0x7], $0x80, $0x38;
	[tilespmem:$0x1ECE8] =	vst v63  }
0x2f4: {  	s11 =	sand.u32 @!p1 $0x7FFFF8, s10;
	s12 =	sadd.s32 @!p1 $0x200, s8;
	s8 =	sadd.s32 @!p1 $0x280, s8  }
0x2f5: {  	[hbm4b:s9+s7] =	stream.linear.scatter @!p1 [tilespmem:s13], [sflag:$0x7], $0x80, $0x38;
	[tilespmem:$0x1ECE8] =	vst v63  }
0x2f6: {  	s10 =	sadd.s32 @!p1 $0x180, s4;
	s11 =	sadd.s32 @!p1 s1, s11;
	s9 =	sand.u32 @!p1 $0x7FFFF8, s12  }
.LBB2_80:
0x2f7: {  	[hbm4b:s11+s7] =	stream.linear.scatter @!p1 [tilespmem:s10], [sflag:$0x7], $0x80, $0x38;
	[tilespmem:$0x1ECE8] =	vst v63  }
0x2f8: {  	s2 =	sadd.s32 @!p1 $0x200, s4;
	s0 =	simm.s32 @!p1 $0xC00  }
0x2f9: {  	s5 =	sadd.s32 @!p1 s1, s9;
	s6 =	sand.u32 @!p1 $0x7FFFF8, s8;
	s0 =	sadd.s32 s3, s0  }
0x2fa: {  	[hbm4b:s5+s7] =	stream.linear.scatter @!p1 [tilespmem:s2], [sflag:$0x7], $0x80, $0x38;
	[tilespmem:$0x1ECE8] =	vst v63  }
0x2fb: {  	s1 =	sadd.s32 @!p1 s1, s6;
	s2 =	sadd.s32 @!p1 $0x280, s4;
	s3 =	sshrl.u32 s0, $0x2  }
0x2fc: {  	[hbm4b:s1+s7] =	stream.linear.scatter @!p1 [tilespmem:s2], [sflag:$0x7], $0x80, $0x38;
	[tilespmem:$0x1ECE8] =	vst v63  }
.LBB2_81:
0x2fd: {  	s0 =	simm.s32 $0x7  }
0x2fe: {  	_ =	swait.ge [sflag:s0], s3  }
0x2ff: {  	s1 =	ssub.s32 $0x0, s3;
	[sflag:s0] =	ssyncset.done $0x0  }
0x300: {  	[sflag:s0] =	ssyncadd.s32 s1  }
0x301: {  	[sflag:s0] =	ssyncpa.u1 $0x1  }
.LBB2_82:
0x302: {  	_ =	sfence;
	s0 =	simm.s32 $0x1  }
0x303: {  	[sflag:s0] =	ssyncpa.u1 $0x1  }
0x304: {  	_ =	strace $0x9000004D  }
0x305: {  	[bflag:$0x2] =	sbarrier.arrive $0xFFFF  }
0x306: {  	s0 =	rddreg [dreg:$0x4]  }
0x307: {  	s0 =	sadd.s32 @!p0 $0x100000, s0  }
0x308: {  	[sflag:s0] =	ssyncadd.tile.s32 @!p0 $0x1;
	_ =	shalt  }
.Lfunc_end2:
_tile_overlayer_lowered:
.L_overlay_start_2:
0x309: {  	(tag) =	ssettag $0x2  }
0x30a: {  	s0 =	rddreg [dreg:$0x0];
	s2 =	stileid.u32  }
0x30b: {  	s1 =	rddreg [dreg:$0x1];
	p0 =	sne.s32 s2, $0x0  }
0x30c: {  	s3 =	rddreg [dreg:$0x2];
	[bflag:$0x3] =	sbarrier.arrive $0xFFFF;
	s2 =	simm.s32 @!p0 $0x1C01  }
0x30d: {  	[timem:s3], [sflag:s2] =	dma.local @!p0 [hbm:s0], s1  }
0x30e: {  	s0 =	simm.s32 @!p0 $0x1  }
0x30f: {  	_ =	swait.ge @!p0 [sflag:s0], s1  }
0x310: {  	s1 =	ssub.s32 @!p0 $0x0, s1;
	[sflag:s0] =	ssyncset.done @!p0 $0x0  }
0x311: {  	[sflag:s0] =	ssyncadd.s32 @!p0 s1  }
0x312: {  	[bflag:$0x3] =	sbarrier.arrive $0xFFFF  }
0x313: {  	_ =	shalt  }

</sc_bundles>
